<compile_context>
chip_gen: v7x
topology: tpu7x:2x2x1
jax: 0.10.2.dev20260603
libtpu: 0.0.44.dev20260713+nightly
codegen_flags: <defaults>
</compile_context>

<pallas_src>
import functools

import jax
import jax.numpy as jnp
from jax import lax
from jax.experimental import pallas as pl
from jax.experimental.pallas import tpu as pltpu
from jax.experimental.pallas import tpu_sc as plsc

B, L = 4096, 200
D_A, D_C = 64, 32
D_OUT = D_A + D_C
BL = B * L

NC, NS = 2, 16
NW = NC * NS
IG = 128
CH = 256
PER_W = BL // NW
NITER = PER_W // CH
NIDX = PER_W // IG
NBUF = 3
PF = 2
HEAD = 3
TAIL = 4
assert (NITER - HEAD - TAIL) % NBUF == 0 and PF < NBUF <= HEAD + (NBUF - PF)


def _emb_body(aidx_hbm, cidx_hbm, emb_hbm, chem_hbm, out_hbm,
              aidx_v, cidx_v, abuf, cbuf, emb_sp, chem_sp, gsems, wsems):
    sid = lax.axis_index("s")
    wid = sid * NC + lax.axis_index("c")
    row0 = wid * PER_W
    it0 = wid * NIDX

    @pl.when(sid == 0)
    def _stage_tables():
        pltpu.sync_copy(emb_hbm, emb_sp)
        pltpu.sync_copy(chem_hbm, chem_sp)

    pltpu.sync_copy(aidx_hbm.at[pl.ds(it0, NIDX)], aidx_v)
    pltpu.sync_copy(cidx_hbm.at[pl.ds(it0, NIDX)], cidx_v)
    plsc.subcore_barrier()

    def gather_start(j, b):
        for h in range(CH // IG):
            pltpu.async_copy(emb_sp.at[aidx_v.at[2 * j + h]],
                             abuf.at[b, pl.ds(h * IG, IG)], gsems.at[b])
            pltpu.async_copy(chem_sp.at[cidx_v.at[2 * j + h]],
                             cbuf.at[b, pl.ds(h * IG, IG)], gsems.at[b])

    def gather_wait(b):
        for h in range(CH // IG):
            pltpu.make_async_copy(emb_sp.at[aidx_v.at[0]],
                                  abuf.at[b, pl.ds(h * IG, IG)],
                                  gsems.at[b]).wait()
            pltpu.make_async_copy(chem_sp.at[cidx_v.at[0]],
                                  cbuf.at[b, pl.ds(h * IG, IG)],
                                  gsems.at[b]).wait()

    def write_start(j, b):
        r = row0 + j * CH
        pltpu.async_copy(abuf.at[b], out_hbm.at[pl.ds(r, CH), pl.ds(0, D_A)],
                         wsems.at[b])
        pltpu.async_copy(cbuf.at[b], out_hbm.at[pl.ds(r, CH), pl.ds(D_A, D_C)],
                         wsems.at[b])

    def write_wait(b):
        pltpu.make_async_copy(abuf.at[b],
                              out_hbm.at[pl.ds(row0, CH), pl.ds(0, D_A)],
                              wsems.at[b]).wait()
        pltpu.make_async_copy(cbuf.at[b],
                              out_hbm.at[pl.ds(row0, CH), pl.ds(D_A, D_C)],
                              wsems.at[b]).wait()

    def step(j, b, bn, wait_w, prefetch):
        gather_wait(b)
        write_start(j, b)
        if prefetch:
            if wait_w:
                write_wait(bn)
            gather_start(j + PF, bn)

    for p in range(PF):
        gather_start(p, p % NBUF)

    for j in range(HEAD):
        step(j, j % NBUF, (j + PF) % NBUF, wait_w=(j >= NBUF - PF),
             prefetch=True)

    @pl.loop(HEAD, NITER - TAIL, step=NBUF)
    def _main(g):
        for b in range(NBUF):
            step(g + b, b, (b + PF) % NBUF, wait_w=True, prefetch=True)

    for j in range(NITER - TAIL, NITER):
        step(j, j % NBUF, (j + PF) % NBUF, wait_w=True,
             prefetch=(j + PF < NITER))

    for w in range(NITER - NBUF, NITER):
        write_wait(w % NBUF)


_emb_lookup = functools.partial(
    pl.kernel,
    out_type=jax.ShapeDtypeStruct((BL, 128), jnp.float32),
    mesh=plsc.VectorSubcoreMesh(core_axis_name="c", subcore_axis_name="s",
                                num_cores=NC, num_subcores=NS),
    scratch_types=[
        pltpu.VMEM((BL // NW // IG, IG), jnp.int32),
        pltpu.VMEM((BL // NW // IG, IG), jnp.int32),
        pltpu.VMEM((NBUF, CH, D_A), jnp.float32),
        pltpu.VMEM((NBUF, CH, D_C), jnp.float32),
        pltpu.VMEM_SHARED((1000, D_A), jnp.float32),
        pltpu.VMEM_SHARED((1000, D_C), jnp.float32),
        pltpu.SemaphoreType.DMA((NBUF,)),
        pltpu.SemaphoreType.DMA((NBUF,)),
    ],
    compiler_params=pltpu.CompilerParams(use_tc_tiling_on_sc=False),
)(_emb_body)


def kernel(atom_types, chemistry_types, emb_table, chem_table):
    a = atom_types.reshape(BL // IG, IG).astype(jnp.int32)
    c = chemistry_types.reshape(BL // IG, IG).astype(jnp.int32)
    out = _emb_lookup(a, c, emb_table, chem_table)
    return out[:, :D_OUT].reshape(B, L, D_OUT)

# --- scband reference (transcript-rebuilt; emitter-appended) ---
"""Pipeline reference for scband-atom-embedding-23931557773664 (READ-ONLY COPY).

The authoritative reference and input builder live on the scoring server;
editing this copy changes nothing except your own understanding.
"""

import jax, jax.numpy as jnp
import numpy as np

NUM_ATOM_TYPES = 1000
NUM_ATOM_TYPES_CHEM = 1000
EMB_DIM = 64
EMB_DIM_CHEM = 32
B, L = 4096, 200

def setup_inputs(seed: int = 0) -> dict:
    key = jax.random.key(seed)
    k1, k2, k3, k4 = jax.random.split(key, 4)
    atom_types = jax.random.randint(k1, (B, L), 0, NUM_ATOM_TYPES, dtype=jnp.int64 if jax.config.jax_enable_x64 else jnp.int32)
    chemistry_types = jax.random.randint(k2, (B, L), 0, NUM_ATOM_TYPES_CHEM, dtype=jnp.int64 if jax.config.jax_enable_x64 else jnp.int32)
    emb_table = jax.random.normal(k3, (NUM_ATOM_TYPES, EMB_DIM), dtype=jnp.float32)
    chem_table = jax.random.normal(k4, (NUM_ATOM_TYPES_CHEM, EMB_DIM_CHEM), dtype=jnp.float32)
    return {"atom_types": atom_types, "chemistry_types": chemistry_types, "emb_table": emb_table, "chem_table": chem_table}

def reference(atom_types, chemistry_types, emb_table, chem_table):
    # nn.Embedding lookup on both tables, concatenated along the feature dim
    atom_emb = jnp.take(emb_table, atom_types, axis=0)          # [B, L, EMB_DIM]
    chem_emb = jnp.take(chem_table, chemistry_types, axis=0)    # [B, L, EMB_DIM_CHEM]
    return jnp.concatenate([atom_emb, chem_emb], axis=-1)        # [B, L, EMB_DIM + EMB_DIM_CHEM]

if __name__ == "__main__":
    import jax
    _d = setup_inputs()
    print(jax.jit(kernel)(*tuple(_d.values())))

</pallas_src>

<mosaic_0001>
#map = affine_map<(d0, d1) -> (0, 0)>
module attributes {stable_mosaic.version = 14 : i64} {
  func.func @_emb_body(%arg0: i32, %arg1: i32, %arg2: memref<6400x128xi32, #tpu.memory_space<hbm>>, %arg3: memref<6400x128xi32, #tpu.memory_space<hbm>>, %arg4: memref<1000x64xf32, #tpu.memory_space<hbm>>, %arg5: memref<1000x32xf32, #tpu.memory_space<hbm>>, %arg6: memref<819200x128xf32, #tpu.memory_space<hbm>>, %arg7: memref<200x128xi32, #tpu.memory_space<vmem>>, %arg8: memref<200x128xi32, #tpu.memory_space<vmem>>, %arg9: memref<3x256x64xf32, #tpu.memory_space<vmem>>, %arg10: memref<3x256x32xf32, #tpu.memory_space<vmem>>, %arg11: memref<1000x64xf32, #tpu.memory_space<vmem_shared>>, %arg12: memref<1000x32xf32, #tpu.memory_space<vmem_shared>>, %arg13: memref<3x!tpu.dma_semaphore, #tpu.memory_space<semaphore_mem>>, %arg14: memref<3x!tpu.dma_semaphore, #tpu.memory_space<semaphore_mem>>) attributes {dimension_semantics = [#tpu.dimension_semantics<core_parallel>, #tpu.dimension_semantics<subcore_parallel>], iteration_bounds = array<i64: 2, 16>, scalar_prefetch = 0 : i64, scratch_operands = 8 : i64, tpu.core_type = #tpu.core_type<sc_vector_subcore>, window_params = [{transform_indices = #map}, {transform_indices = #map}, {transform_indices = #map}, {transform_indices = #map}, {transform_indices = #map}]} {
    %mul3A = arith.constant 2 : i32
    %mul3A_0 = arith.muli %arg1, %mul3A : i32
    %add3A = arith.addi %mul3A_0, %arg0 : i32
    %mul3A_1 = arith.constant 25600 : i32
    %mul3A_2 = arith.muli %add3A, %mul3A_1 : i32
    %mul3A_3 = arith.constant 200 : i32
    %mul3A_4 = arith.muli %add3A, %mul3A_3 : i32
    %eq3A = arith.constant 0 : i32
    %eq3A_5 = arith.cmpi eq, %arg1, %eq3A : i32
    %convert_element_type3A = arith.extui %eq3A_5 : i1 to i32
    %cond3A = arith.constant 0 : i32
    %cond3A_6 = arith.cmpi ne, %convert_element_type3A, %cond3A : i32
    scf.if %cond3A_6 {
      "tpu.region"() ({
        %run_scoped3A = tpu.sem_alloc : memref<!tpu.dma_semaphore, #tpu.memory_space<semaphore_mem>>
        tpu.enqueue_dma source(%arg4 : memref<1000x64xf32, #tpu.memory_space<hbm>>) target(%arg11 : memref<1000x64xf32, #tpu.memory_space<vmem_shared>>) target_semaphore(%run_scoped3A : memref<!tpu.dma_semaphore, #tpu.memory_space<semaphore_mem>>)
        tpu.wait_dma2 semaphore(%run_scoped3A : memref<!tpu.dma_semaphore, #tpu.memory_space<semaphore_mem>>) src(%arg4 : memref<1000x64xf32, #tpu.memory_space<hbm>>) dst(%arg11 : memref<1000x64xf32, #tpu.memory_space<vmem_shared>>)
        tpu.yield
      }) : () -> ()
      "tpu.region"() ({
        %run_scoped3A = tpu.sem_alloc : memref<!tpu.dma_semaphore, #tpu.memory_space<semaphore_mem>>
        tpu.enqueue_dma source(%arg5 : memref<1000x32xf32, #tpu.memory_space<hbm>>) target(%arg12 : memref<1000x32xf32, #tpu.memory_space<vmem_shared>>) target_semaphore(%run_scoped3A : memref<!tpu.dma_semaphore, #tpu.memory_space<semaphore_mem>>)
        tpu.wait_dma2 semaphore(%run_scoped3A : memref<!tpu.dma_semaphore, #tpu.memory_space<semaphore_mem>>) src(%arg5 : memref<1000x32xf32, #tpu.memory_space<hbm>>) dst(%arg12 : memref<1000x32xf32, #tpu.memory_space<vmem_shared>>)
        tpu.yield
      }) : () -> ()
    } else {
    }
    "tpu.region"() ({
      %run_scoped3A = tpu.sem_alloc : memref<!tpu.dma_semaphore, #tpu.memory_space<semaphore_mem>>
      %dma_start3A_1311 = arith.constant 0 : i32
      %dma_start3A_1312 = tpu.memref_slice %arg2[%mul3A_4, %dma_start3A_1311] : memref<6400x128xi32, #tpu.memory_space<hbm>> -> memref<200x128xi32, #tpu.memory_space<hbm>>
      %dma_start3A_1313 = arith.constant 0 : i32
      %dma_start3A_1314 = tpu.memref_slice %arg2[%mul3A_4, %dma_start3A_1313] : memref<6400x128xi32, #tpu.memory_space<hbm>> -> memref<200x128xi32, #tpu.memory_space<hbm>>
      tpu.enqueue_dma source(%dma_start3A_1314 : memref<200x128xi32, #tpu.memory_space<hbm>>) target(%arg7 : memref<200x128xi32, #tpu.memory_space<vmem>>) target_semaphore(%run_scoped3A : memref<!tpu.dma_semaphore, #tpu.memory_space<semaphore_mem>>)
      %dma_wait3A_1315 = arith.constant 0 : i32
      %dma_wait3A_1316 = tpu.memref_slice %arg2[%mul3A_4, %dma_wait3A_1315] : memref<6400x128xi32, #tpu.memory_space<hbm>> -> memref<200x128xi32, #tpu.memory_space<hbm>>
      %dma_wait3A_1317 = arith.constant 0 : i32
      %dma_wait3A_1318 = tpu.memref_slice %arg2[%mul3A_4, %dma_wait3A_1317] : memref<6400x128xi32, #tpu.memory_space<hbm>> -> memref<200x128xi32, #tpu.memory_space<hbm>>
      tpu.wait_dma2 semaphore(%run_scoped3A : memref<!tpu.dma_semaphore, #tpu.memory_space<semaphore_mem>>) src(%dma_wait3A_1318 : memref<200x128xi32, #tpu.memory_space<hbm>>) dst(%arg7 : memref<200x128xi32, #tpu.memory_space<vmem>>)
      tpu.yield
    }) : () -> ()
    "tpu.region"() ({
      %run_scoped3A = tpu.sem_alloc : memref<!tpu.dma_semaphore, #tpu.memory_space<semaphore_mem>>
      %dma_start3A_1311 = arith.constant 0 : i32
      %dma_start3A_1312 = tpu.memref_slice %arg3[%mul3A_4, %dma_start3A_1311] : memref<6400x128xi32, #tpu.memory_space<hbm>> -> memref<200x128xi32, #tpu.memory_space<hbm>>
      %dma_start3A_1313 = arith.constant 0 : i32
      %dma_start3A_1314 = tpu.memref_slice %arg3[%mul3A_4, %dma_start3A_1313] : memref<6400x128xi32, #tpu.memory_space<hbm>> -> memref<200x128xi32, #tpu.memory_space<hbm>>
      tpu.enqueue_dma source(%dma_start3A_1314 : memref<200x128xi32, #tpu.memory_space<hbm>>) target(%arg8 : memref<200x128xi32, #tpu.memory_space<vmem>>) target_semaphore(%run_scoped3A : memref<!tpu.dma_semaphore, #tpu.memory_space<semaphore_mem>>)
      %dma_wait3A_1315 = arith.constant 0 : i32
      %dma_wait3A_1316 = tpu.memref_slice %arg3[%mul3A_4, %dma_wait3A_1315] : memref<6400x128xi32, #tpu.memory_space<hbm>> -> memref<200x128xi32, #tpu.memory_space<hbm>>
      %dma_wait3A_1317 = arith.constant 0 : i32
      %dma_wait3A_1318 = tpu.memref_slice %arg3[%mul3A_4, %dma_wait3A_1317] : memref<6400x128xi32, #tpu.memory_space<hbm>> -> memref<200x128xi32, #tpu.memory_space<hbm>>
      tpu.wait_dma2 semaphore(%run_scoped3A : memref<!tpu.dma_semaphore, #tpu.memory_space<semaphore_mem>>) src(%dma_wait3A_1318 : memref<200x128xi32, #tpu.memory_space<hbm>>) dst(%arg8 : memref<200x128xi32, #tpu.memory_space<vmem>>)
      tpu.yield
    }) : () -> ()
    %barrier3A = arith.constant 0 : index
    tpu.barrier barrier_id(%barrier3A)
    %dma_start3A = arith.constant 0 : i32
    %dma_start3A_7 = arith.constant 0 : i32
    %dma_start3A_8 = arith.constant 0 : i32
    %dma_start3A_9 = arith.constant 0 : i32
    %dma_start3A_10 = arith.constant 0 : i32
    %dma_start3A_11 = tpu.memref_slice %arg9[%dma_start3A_7, %dma_start3A_9, %dma_start3A_10] : memref<3x256x64xf32, #tpu.memory_space<vmem>> -> memref<1x128x64xf32, #tpu.memory_space<vmem>>
    %dma_start3A_12 = tpu.memref_squeeze %dma_start3A_11 : memref<1x128x64xf32, #tpu.memory_space<vmem>> -> memref<128x64xf32, #tpu.memory_space<vmem>>
    %dma_start3A_13 = arith.constant 0 : i32
    %dma_start3A_14 = tpu.memref_slice %arg7[%dma_start3A, %dma_start3A_13] : memref<200x128xi32, #tpu.memory_space<vmem>> -> memref<1x128xi32, #tpu.memory_space<vmem>>
    %dma_start3A_15 = tpu.memref_squeeze %dma_start3A_14 : memref<1x128xi32, #tpu.memory_space<vmem>> -> memref<128xi32, #tpu.memory_space<vmem>>
    %dma_start3A_16 = arith.constant 0 : i32
    %dma_start3A_17 = arith.constant 0 : i32
    %dma_start3A_18 = tpu.memref_slice %arg11[%dma_start3A_16, %dma_start3A_17] : memref<1000x64xf32, #tpu.memory_space<vmem_shared>> -> memref<1000x64xf32, #tpu.memory_space<vmem_shared>>
    %dma_start3A_19 = tpu.memref_slice %arg13[%dma_start3A_8] : memref<3x!tpu.dma_semaphore, #tpu.memory_space<semaphore_mem>> -> memref<1x!tpu.dma_semaphore, #tpu.memory_space<semaphore_mem>>
    %dma_start3A_20 = tpu.memref_squeeze %dma_start3A_19 : memref<1x!tpu.dma_semaphore, #tpu.memory_space<semaphore_mem>> -> memref<!tpu.dma_semaphore, #tpu.memory_space<semaphore_mem>>
    tpu.enqueue_indirect_dma source(%dma_start3A_18 : memref<1000x64xf32, #tpu.memory_space<vmem_shared>>) target(%dma_start3A_12 : memref<128x64xf32, #tpu.memory_space<vmem>>) offsets(%dma_start3A_15 : memref<128xi32, #tpu.memory_space<vmem>>) semaphore(%dma_start3A_20 : memref<!tpu.dma_semaphore, #tpu.memory_space<semaphore_mem>>)
    %dma_start3A_21 = arith.constant 0 : i32
    %dma_start3A_22 = arith.constant 0 : i32
    %dma_start3A_23 = arith.constant 0 : i32
    %dma_start3A_24 = arith.constant 0 : i32
    %dma_start3A_25 = arith.constant 0 : i32
    %dma_start3A_26 = tpu.memref_slice %arg10[%dma_start3A_22, %dma_start3A_24, %dma_start3A_25] : memref<3x256x32xf32, #tpu.memory_space<vmem>> -> memref<1x128x32xf32, #tpu.memory_space<vmem>>
    %dma_start3A_27 = tpu.memref_squeeze %dma_start3A_26 : memref<1x128x32xf32, #tpu.memory_space<vmem>> -> memref<128x32xf32, #tpu.memory_space<vmem>>
    %dma_start3A_28 = arith.constant 0 : i32
    %dma_start3A_29 = tpu.memref_slice %arg8[%dma_start3A_21, %dma_start3A_28] : memref<200x128xi32, #tpu.memory_space<vmem>> -> memref<1x128xi32, #tpu.memory_space<vmem>>
    %dma_start3A_30 = tpu.memref_squeeze %dma_start3A_29 : memref<1x128xi32, #tpu.memory_space<vmem>> -> memref<128xi32, #tpu.memory_space<vmem>>
    %dma_start3A_31 = arith.constant 0 : i32
    %dma_start3A_32 = arith.constant 0 : i32
    %dma_start3A_33 = tpu.memref_slice %arg12[%dma_start3A_31, %dma_start3A_32] : memref<1000x32xf32, #tpu.memory_space<vmem_shared>> -> memref<1000x32xf32, #tpu.memory_space<vmem_shared>>
    %dma_start3A_34 = tpu.memref_slice %arg13[%dma_start3A_23] : memref<3x!tpu.dma_semaphore, #tpu.memory_space<semaphore_mem>> -> memref<1x!tpu.dma_semaphore, #tpu.memory_space<semaphore_mem>>
    %dma_start3A_35 = tpu.memref_squeeze %dma_start3A_34 : memref<1x!tpu.dma_semaphore, #tpu.memory_space<semaphore_mem>> -> memref<!tpu.dma_semaphore, #tpu.memory_space<semaphore_mem>>
    tpu.enqueue_indirect_dma source(%dma_start3A_33 : memref<1000x32xf32, #tpu.memory_space<vmem_shared>>) target(%dma_start3A_27 : memref<128x32xf32, #tpu.memory_space<vmem>>) offsets(%dma_start3A_30 : memref<128xi32, #tpu.memory_space<vmem>>) semaphore(%dma_start3A_35 : memref<!tpu.dma_semaphore, #tpu.memory_space<semaphore_mem>>)
    %dma_start3A_36 = arith.constant 1 : i32
    %dma_start3A_37 = arith.constant 0 : i32
    %dma_start3A_38 = arith.constant 0 : i32
    %dma_start3A_39 = arith.constant 128 : i32
    %dma_start3A_40 = arith.constant 0 : i32
    %dma_start3A_41 = tpu.memref_slice %arg9[%dma_start3A_37, %dma_start3A_39, %dma_start3A_40] : memref<3x256x64xf32, #tpu.memory_space<vmem>> -> memref<1x128x64xf32, #tpu.memory_space<vmem>>
    %dma_start3A_42 = tpu.memref_squeeze %dma_start3A_41 : memref<1x128x64xf32, #tpu.memory_space<vmem>> -> memref<128x64xf32, #tpu.memory_space<vmem>>
    %dma_start3A_43 = arith.constant 0 : i32
    %dma_start3A_44 = tpu.memref_slice %arg7[%dma_start3A_36, %dma_start3A_43] : memref<200x128xi32, #tpu.memory_space<vmem>> -> memref<1x128xi32, #tpu.memory_space<vmem>>
    %dma_start3A_45 = tpu.memref_squeeze %dma_start3A_44 : memref<1x128xi32, #tpu.memory_space<vmem>> -> memref<128xi32, #tpu.memory_space<vmem>>
    %dma_start3A_46 = arith.constant 0 : i32
    %dma_start3A_47 = arith.constant 0 : i32
    %dma_start3A_48 = tpu.memref_slice %arg11[%dma_start3A_46, %dma_start3A_47] : memref<1000x64xf32, #tpu.memory_space<vmem_shared>> -> memref<1000x64xf32, #tpu.memory_space<vmem_shared>>
    %dma_start3A_49 = tpu.memref_slice %arg13[%dma_start3A_38] : memref<3x!tpu.dma_semaphore, #tpu.memory_space<semaphore_mem>> -> memref<1x!tpu.dma_semaphore, #tpu.memory_space<semaphore_mem>>
    %dma_start3A_50 = tpu.memref_squeeze %dma_start3A_49 : memref<1x!tpu.dma_semaphore, #tpu.memory_space<semaphore_mem>> -> memref<!tpu.dma_semaphore, #tpu.memory_space<semaphore_mem>>
    tpu.enqueue_indirect_dma source(%dma_start3A_48 : memref<1000x64xf32, #tpu.memory_space<vmem_shared>>) target(%dma_start3A_42 : memref<128x64xf32, #tpu.memory_space<vmem>>) offsets(%dma_start3A_45 : memref<128xi32, #tpu.memory_space<vmem>>) semaphore(%dma_start3A_50 : memref<!tpu.dma_semaphore, #tpu.memory_space<semaphore_mem>>)
    %dma_start3A_51 = arith.constant 1 : i32
    %dma_start3A_52 = arith.constant 0 : i32
    %dma_start3A_53 = arith.constant 0 : i32
    %dma_start3A_54 = arith.constant 128 : i32
    %dma_start3A_55 = arith.constant 0 : i32
    %dma_start3A_56 = tpu.memref_slice %arg10[%dma_start3A_52, %dma_start3A_54, %dma_start3A_55] : memref<3x256x32xf32, #tpu.memory_space<vmem>> -> memref<1x128x32xf32, #tpu.memory_space<vmem>>
    %dma_start3A_57 = tpu.memref_squeeze %dma_start3A_56 : memref<1x128x32xf32, #tpu.memory_space<vmem>> -> memref<128x32xf32, #tpu.memory_space<vmem>>
    %dma_start3A_58 = arith.constant 0 : i32
    %dma_start3A_59 = tpu.memref_slice %arg8[%dma_start3A_51, %dma_start3A_58] : memref<200x128xi32, #tpu.memory_space<vmem>> -> memref<1x128xi32, #tpu.memory_space<vmem>>
    %dma_start3A_60 = tpu.memref_squeeze %dma_start3A_59 : memref<1x128xi32, #tpu.memory_space<vmem>> -> memref<128xi32, #tpu.memory_space<vmem>>
    %dma_start3A_61 = arith.constant 0 : i32
    %dma_start3A_62 = arith.constant 0 : i32
    %dma_start3A_63 = tpu.memref_slice %arg12[%dma_start3A_61, %dma_start3A_62] : memref<1000x32xf32, #tpu.memory_space<vmem_shared>> -> memref<1000x32xf32, #tpu.memory_space<vmem_shared>>
    %dma_start3A_64 = tpu.memref_slice %arg13[%dma_start3A_53] : memref<3x!tpu.dma_semaphore, #tpu.memory_space<semaphore_mem>> -> memref<1x!tpu.dma_semaphore, #tpu.memory_space<semaphore_mem>>
    %dma_start3A_65 = tpu.memref_squeeze %dma_start3A_64 : memref<1x!tpu.dma_semaphore, #tpu.memory_space<semaphore_mem>> -> memref<!tpu.dma_semaphore, #tpu.memory_space<semaphore_mem>>
    tpu.enqueue_indirect_dma source(%dma_start3A_63 : memref<1000x32xf32, #tpu.memory_space<vmem_shared>>) target(%dma_start3A_57 : memref<128x32xf32, #tpu.memory_space<vmem>>) offsets(%dma_start3A_60 : memref<128xi32, #tpu.memory_space<vmem>>) semaphore(%dma_start3A_65 : memref<!tpu.dma_semaphore, #tpu.memory_space<semaphore_mem>>)
    %dma_start3A_66 = arith.constant 2 : i32
    %dma_start3A_67 = arith.constant 1 : i32
    %dma_start3A_68 = arith.constant 1 : i32
    %dma_start3A_69 = arith.constant 0 : i32
    %dma_start3A_70 = arith.constant 0 : i32
    %dma_start3A_71 = tpu.memref_slice %arg9[%dma_start3A_67, %dma_start3A_69, %dma_start3A_70] : memref<3x256x64xf32, #tpu.memory_space<vmem>> -> memref<1x128x64xf32, #tpu.memory_space<vmem>>
    %dma_start3A_72 = tpu.memref_squeeze %dma_start3A_71 : memref<1x128x64xf32, #tpu.memory_space<vmem>> -> memref<128x64xf32, #tpu.memory_space<vmem>>
    %dma_start3A_73 = arith.constant 0 : i32
    %dma_start3A_74 = tpu.memref_slice %arg7[%dma_start3A_66, %dma_start3A_73] : memref<200x128xi32, #tpu.memory_space<vmem>> -> memref<1x128xi32, #tpu.memory_space<vmem>>
    %dma_start3A_75 = tpu.memref_squeeze %dma_start3A_74 : memref<1x128xi32, #tpu.memory_space<vmem>> -> memref<128xi32, #tpu.memory_space<vmem>>
    %dma_start3A_76 = arith.constant 0 : i32
    %dma_start3A_77 = arith.constant 0 : i32
    %dma_start3A_78 = tpu.memref_slice %arg11[%dma_start3A_76, %dma_start3A_77] : memref<1000x64xf32, #tpu.memory_space<vmem_shared>> -> memref<1000x64xf32, #tpu.memory_space<vmem_shared>>
    %dma_start3A_79 = tpu.memref_slice %arg13[%dma_start3A_68] : memref<3x!tpu.dma_semaphore, #tpu.memory_space<semaphore_mem>> -> memref<1x!tpu.dma_semaphore, #tpu.memory_space<semaphore_mem>>
    %dma_start3A_80 = tpu.memref_squeeze %dma_start3A_79 : memref<1x!tpu.dma_semaphore, #tpu.memory_space<semaphore_mem>> -> memref<!tpu.dma_semaphore, #tpu.memory_space<semaphore_mem>>
    tpu.enqueue_indirect_dma source(%dma_start3A_78 : memref<1000x64xf32, #tpu.memory_space<vmem_shared>>) target(%dma_start3A_72 : memref<128x64xf32, #tpu.memory_space<vmem>>) offsets(%dma_start3A_75 : memref<128xi32, #tpu.memory_space<vmem>>) semaphore(%dma_start3A_80 : memref<!tpu.dma_semaphore, #tpu.memory_space<semaphore_mem>>)
    %dma_start3A_81 = arith.constant 2 : i32
    %dma_start3A_82 = arith.constant 1 : i32
    %dma_start3A_83 = arith.constant 1 : i32
    %dma_start3A_84 = arith.constant 0 : i32
    %dma_start3A_85 = arith.constant 0 : i32
    %dma_start3A_86 = tpu.memref_slice %arg10[%dma_start3A_82, %dma_start3A_84, %dma_start3A_85] : memref<3x256x32xf32, #tpu.memory_space<vmem>> -> memref<1x128x32xf32, #tpu.memory_space<vmem>>
    %dma_start3A_87 = tpu.memref_squeeze %dma_start3A_86 : memref<1x128x32xf32, #tpu.memory_space<vmem>> -> memref<128x32xf32, #tpu.memory_space<vmem>>
    %dma_start3A_88 = arith.constant 0 : i32
    %dma_start3A_89 = tpu.memref_slice %arg8[%dma_start3A_81, %dma_start3A_88] : memref<200x128xi32, #tpu.memory_space<vmem>> -> memref<1x128xi32, #tpu.memory_space<vmem>>
    %dma_start3A_90 = tpu.memref_squeeze %dma_start3A_89 : memref<1x128xi32, #tpu.memory_space<vmem>> -> memref<128xi32, #tpu.memory_space<vmem>>
    %dma_start3A_91 = arith.constant 0 : i32
    %dma_start3A_92 = arith.constant 0 : i32
    %dma_start3A_93 = tpu.memref_slice %arg12[%dma_start3A_91, %dma_start3A_92] : memref<1000x32xf32, #tpu.memory_space<vmem_shared>> -> memref<1000x32xf32, #tpu.memory_space<vmem_shared>>
    %dma_start3A_94 = tpu.memref_slice %arg13[%dma_start3A_83] : memref<3x!tpu.dma_semaphore, #tpu.memory_space<semaphore_mem>> -> memref<1x!tpu.dma_semaphore, #tpu.memory_space<semaphore_mem>>
    %dma_start3A_95 = tpu.memref_squeeze %dma_start3A_94 : memref<1x!tpu.dma_semaphore, #tpu.memory_space<semaphore_mem>> -> memref<!tpu.dma_semaphore, #tpu.memory_space<semaphore_mem>>
    tpu.enqueue_indirect_dma source(%dma_start3A_93 : memref<1000x32xf32, #tpu.memory_space<vmem_shared>>) target(%dma_start3A_87 : memref<128x32xf32, #tpu.memory_space<vmem>>) offsets(%dma_start3A_90 : memref<128xi32, #tpu.memory_space<vmem>>) semaphore(%dma_start3A_95 : memref<!tpu.dma_semaphore, #tpu.memory_space<semaphore_mem>>)
    %dma_start3A_96 = arith.constant 3 : i32
    %dma_start3A_97 = arith.constant 1 : i32
    %dma_start3A_98 = arith.constant 1 : i32
    %dma_start3A_99 = arith.constant 128 : i32
    %dma_start3A_100 = arith.constant 0 : i32
    %dma_start3A_101 = tpu.memref_slice %arg9[%dma_start3A_97, %dma_start3A_99, %dma_start3A_100] : memref<3x256x64xf32, #tpu.memory_space<vmem>> -> memref<1x128x64xf32, #tpu.memory_space<vmem>>
    %dma_start3A_102 = tpu.memref_squeeze %dma_start3A_101 : memref<1x128x64xf32, #tpu.memory_space<vmem>> -> memref<128x64xf32, #tpu.memory_space<vmem>>
    %dma_start3A_103 = arith.constant 0 : i32
    %dma_start3A_104 = tpu.memref_slice %arg7[%dma_start3A_96, %dma_start3A_103] : memref<200x128xi32, #tpu.memory_space<vmem>> -> memref<1x128xi32, #tpu.memory_space<vmem>>
    %dma_start3A_105 = tpu.memref_squeeze %dma_start3A_104 : memref<1x128xi32, #tpu.memory_space<vmem>> -> memref<128xi32, #tpu.memory_space<vmem>>
    %dma_start3A_106 = arith.constant 0 : i32
    %dma_start3A_107 = arith.constant 0 : i32
    %dma_start3A_108 = tpu.memref_slice %arg11[%dma_start3A_106, %dma_start3A_107] : memref<1000x64xf32, #tpu.memory_space<vmem_shared>> -> memref<1000x64xf32, #tpu.memory_space<vmem_shared>>
    %dma_start3A_109 = tpu.memref_slice %arg13[%dma_start3A_98] : memref<3x!tpu.dma_semaphore, #tpu.memory_space<semaphore_mem>> -> memref<1x!tpu.dma_semaphore, #tpu.memory_space<semaphore_mem>>
    %dma_start3A_110 = tpu.memref_squeeze %dma_start3A_109 : memref<1x!tpu.dma_semaphore, #tpu.memory_space<semaphore_mem>> -> memref<!tpu.dma_semaphore, #tpu.memory_space<semaphore_mem>>
    tpu.enqueue_indirect_dma source(%dma_start3A_108 : memref<1000x64xf32, #tpu.memory_space<vmem_shared>>) target(%dma_start3A_102 : memref<128x64xf32, #tpu.memory_space<vmem>>) offsets(%dma_start3A_105 : memref<128xi32, #tpu.memory_space<vmem>>) semaphore(%dma_start3A_110 : memref<!tpu.dma_semaphore, #tpu.memory_space<semaphore_mem>>)
    %dma_start3A_111 = arith.constant 3 : i32
    %dma_start3A_112 = arith.constant 1 : i32
    %dma_start3A_113 = arith.constant 1 : i32
    %dma_start3A_114 = arith.constant 128 : i32
    %dma_start3A_115 = arith.constant 0 : i32
    %dma_start3A_116 = tpu.memref_slice %arg10[%dma_start3A_112, %dma_start3A_114, %dma_start3A_115] : memref<3x256x32xf32, #tpu.memory_space<vmem>> -> memref<1x128x32xf32, #tpu.memory_space<vmem>>
    %dma_start3A_117 = tpu.memref_squeeze %dma_start3A_116 : memref<1x128x32xf32, #tpu.memory_space<vmem>> -> memref<128x32xf32, #tpu.memory_space<vmem>>
    %dma_start3A_118 = arith.constant 0 : i32
    %dma_start3A_119 = tpu.memref_slice %arg8[%dma_start3A_111, %dma_start3A_118] : memref<200x128xi32, #tpu.memory_space<vmem>> -> memref<1x128xi32, #tpu.memory_space<vmem>>
    %dma_start3A_120 = tpu.memref_squeeze %dma_start3A_119 : memref<1x128xi32, #tpu.memory_space<vmem>> -> memref<128xi32, #tpu.memory_space<vmem>>
    %dma_start3A_121 = arith.constant 0 : i32
    %dma_start3A_122 = arith.constant 0 : i32
    %dma_start3A_123 = tpu.memref_slice %arg12[%dma_start3A_121, %dma_start3A_122] : memref<1000x32xf32, #tpu.memory_space<vmem_shared>> -> memref<1000x32xf32, #tpu.memory_space<vmem_shared>>
    %dma_start3A_124 = tpu.memref_slice %arg13[%dma_start3A_113] : memref<3x!tpu.dma_semaphore, #tpu.memory_space<semaphore_mem>> -> memref<1x!tpu.dma_semaphore, #tpu.memory_space<semaphore_mem>>
    %dma_start3A_125 = tpu.memref_squeeze %dma_start3A_124 : memref<1x!tpu.dma_semaphore, #tpu.memory_space<semaphore_mem>> -> memref<!tpu.dma_semaphore, #tpu.memory_space<semaphore_mem>>
    tpu.enqueue_indirect_dma source(%dma_start3A_123 : memref<1000x32xf32, #tpu.memory_space<vmem_shared>>) target(%dma_start3A_117 : memref<128x32xf32, #tpu.memory_space<vmem>>) offsets(%dma_start3A_120 : memref<128xi32, #tpu.memory_space<vmem>>) semaphore(%dma_start3A_125 : memref<!tpu.dma_semaphore, #tpu.memory_space<semaphore_mem>>)
    %dma_wait3A = arith.constant 0 : i32
    %dma_wait3A_126 = arith.constant 0 : i32
    %dma_wait3A_127 = arith.constant 0 : i32
    %dma_wait3A_128 = arith.constant 0 : i32
    %dma_wait3A_129 = arith.constant 0 : i32
    %dma_wait3A_130 = tpu.memref_slice %arg9[%dma_wait3A_126, %dma_wait3A_128, %dma_wait3A_129] : memref<3x256x64xf32, #tpu.memory_space<vmem>> -> memref<1x128x64xf32, #tpu.memory_space<vmem>>
    %dma_wait3A_131 = tpu.memref_squeeze %dma_wait3A_130 : memref<1x128x64xf32, #tpu.memory_space<vmem>> -> memref<128x64xf32, #tpu.memory_space<vmem>>
    %dma_wait3A_132 = arith.constant 0 : i32
    %dma_wait3A_133 = tpu.memref_slice %arg7[%dma_wait3A, %dma_wait3A_132] : memref<200x128xi32, #tpu.memory_space<vmem>> -> memref<1x128xi32, #tpu.memory_space<vmem>>
    %dma_wait3A_134 = tpu.memref_squeeze %dma_wait3A_133 : memref<1x128xi32, #tpu.memory_space<vmem>> -> memref<128xi32, #tpu.memory_space<vmem>>
    %dma_wait3A_135 = arith.constant 0 : i32
    %dma_wait3A_136 = arith.constant 0 : i32
    %dma_wait3A_137 = tpu.memref_slice %arg11[%dma_wait3A_135, %dma_wait3A_136] : memref<1000x64xf32, #tpu.memory_space<vmem_shared>> -> memref<1000x64xf32, #tpu.memory_space<vmem_shared>>
    %dma_wait3A_138 = tpu.memref_slice %arg13[%dma_wait3A_127] : memref<3x!tpu.dma_semaphore, #tpu.memory_space<semaphore_mem>> -> memref<1x!tpu.dma_semaphore, #tpu.memory_space<semaphore_mem>>
    %dma_wait3A_139 = tpu.memref_squeeze %dma_wait3A_138 : memref<1x!tpu.dma_semaphore, #tpu.memory_space<semaphore_mem>> -> memref<!tpu.dma_semaphore, #tpu.memory_space<semaphore_mem>>
    tpu.wait_indirect_dma semaphore(%dma_wait3A_139 : memref<!tpu.dma_semaphore, #tpu.memory_space<semaphore_mem>>) src(%dma_wait3A_137 : memref<1000x64xf32, #tpu.memory_space<vmem_shared>>) dst(%dma_wait3A_131 : memref<128x64xf32, #tpu.memory_space<vmem>>)
    %dma_wait3A_140 = arith.constant 0 : i32
    %dma_wait3A_141 = arith.constant 0 : i32
    %dma_wait3A_142 = arith.constant 0 : i32
    %dma_wait3A_143 = arith.constant 0 : i32
    %dma_wait3A_144 = arith.constant 0 : i32
    %dma_wait3A_145 = tpu.memref_slice %arg10[%dma_wait3A_141, %dma_wait3A_143, %dma_wait3A_144] : memref<3x256x32xf32, #tpu.memory_space<vmem>> -> memref<1x128x32xf32, #tpu.memory_space<vmem>>
    %dma_wait3A_146 = tpu.memref_squeeze %dma_wait3A_145 : memref<1x128x32xf32, #tpu.memory_space<vmem>> -> memref<128x32xf32, #tpu.memory_space<vmem>>
    %dma_wait3A_147 = arith.constant 0 : i32
    %dma_wait3A_148 = tpu.memref_slice %arg8[%dma_wait3A_140, %dma_wait3A_147] : memref<200x128xi32, #tpu.memory_space<vmem>> -> memref<1x128xi32, #tpu.memory_space<vmem>>
    %dma_wait3A_149 = tpu.memref_squeeze %dma_wait3A_148 : memref<1x128xi32, #tpu.memory_space<vmem>> -> memref<128xi32, #tpu.memory_space<vmem>>
    %dma_wait3A_150 = arith.constant 0 : i32
    %dma_wait3A_151 = arith.constant 0 : i32
    %dma_wait3A_152 = tpu.memref_slice %arg12[%dma_wait3A_150, %dma_wait3A_151] : memref<1000x32xf32, #tpu.memory_space<vmem_shared>> -> memref<1000x32xf32, #tpu.memory_space<vmem_shared>>
    %dma_wait3A_153 = tpu.memref_slice %arg13[%dma_wait3A_142] : memref<3x!tpu.dma_semaphore, #tpu.memory_space<semaphore_mem>> -> memref<1x!tpu.dma_semaphore, #tpu.memory_space<semaphore_mem>>
    %dma_wait3A_154 = tpu.memref_squeeze %dma_wait3A_153 : memref<1x!tpu.dma_semaphore, #tpu.memory_space<semaphore_mem>> -> memref<!tpu.dma_semaphore, #tpu.memory_space<semaphore_mem>>
    tpu.wait_indirect_dma semaphore(%dma_wait3A_154 : memref<!tpu.dma_semaphore, #tpu.memory_space<semaphore_mem>>) src(%dma_wait3A_152 : memref<1000x32xf32, #tpu.memory_space<vmem_shared>>) dst(%dma_wait3A_146 : memref<128x32xf32, #tpu.memory_space<vmem>>)
    %dma_wait3A_155 = arith.constant 0 : i32
    %dma_wait3A_156 = arith.constant 0 : i32
    %dma_wait3A_157 = arith.constant 0 : i32
    %dma_wait3A_158 = arith.constant 128 : i32
    %dma_wait3A_159 = arith.constant 0 : i32
    %dma_wait3A_160 = tpu.memref_slice %arg9[%dma_wait3A_156, %dma_wait3A_158, %dma_wait3A_159] : memref<3x256x64xf32, #tpu.memory_space<vmem>> -> memref<1x128x64xf32, #tpu.memory_space<vmem>>
    %dma_wait3A_161 = tpu.memref_squeeze %dma_wait3A_160 : memref<1x128x64xf32, #tpu.memory_space<vmem>> -> memref<128x64xf32, #tpu.memory_space<vmem>>
    %dma_wait3A_162 = arith.constant 0 : i32
    %dma_wait3A_163 = tpu.memref_slice %arg7[%dma_wait3A_155, %dma_wait3A_162] : memref<200x128xi32, #tpu.memory_space<vmem>> -> memref<1x128xi32, #tpu.memory_space<vmem>>
    %dma_wait3A_164 = tpu.memref_squeeze %dma_wait3A_163 : memref<1x128xi32, #tpu.memory_space<vmem>> -> memref<128xi32, #tpu.memory_space<vmem>>
    %dma_wait3A_165 = arith.constant 0 : i32
    %dma_wait3A_166 = arith.constant 0 : i32
    %dma_wait3A_167 = tpu.memref_slice %arg11[%dma_wait3A_165, %dma_wait3A_166] : memref<1000x64xf32, #tpu.memory_space<vmem_shared>> -> memref<1000x64xf32, #tpu.memory_space<vmem_shared>>
    %dma_wait3A_168 = tpu.memref_slice %arg13[%dma_wait3A_157] : memref<3x!tpu.dma_semaphore, #tpu.memory_space<semaphore_mem>> -> memref<1x!tpu.dma_semaphore, #tpu.memory_space<semaphore_mem>>
    %dma_wait3A_169 = tpu.memref_squeeze %dma_wait3A_168 : memref<1x!tpu.dma_semaphore, #tpu.memory_space<semaphore_mem>> -> memref<!tpu.dma_semaphore, #tpu.memory_space<semaphore_mem>>
    tpu.wait_indirect_dma semaphore(%dma_wait3A_169 : memref<!tpu.dma_semaphore, #tpu.memory_space<semaphore_mem>>) src(%dma_wait3A_167 : memref<1000x64xf32, #tpu.memory_space<vmem_shared>>) dst(%dma_wait3A_161 : memref<128x64xf32, #tpu.memory_space<vmem>>)
    %dma_wait3A_170 = arith.constant 0 : i32
    %dma_wait3A_171 = arith.constant 0 : i32
    %dma_wait3A_172 = arith.constant 0 : i32
    %dma_wait3A_173 = arith.constant 128 : i32
    %dma_wait3A_174 = arith.constant 0 : i32
    %dma_wait3A_175 = tpu.memref_slice %arg10[%dma_wait3A_171, %dma_wait3A_173, %dma_wait3A_174] : memref<3x256x32xf32, #tpu.memory_space<vmem>> -> memref<1x128x32xf32, #tpu.memory_space<vmem>>
    %dma_wait3A_176 = tpu.memref_squeeze %dma_wait3A_175 : memref<1x128x32xf32, #tpu.memory_space<vmem>> -> memref<128x32xf32, #tpu.memory_space<vmem>>
    %dma_wait3A_177 = arith.constant 0 : i32
    %dma_wait3A_178 = tpu.memref_slice %arg8[%dma_wait3A_170, %dma_wait3A_177] : memref<200x128xi32, #tpu.memory_space<vmem>> -> memref<1x128xi32, #tpu.memory_space<vmem>>
    %dma_wait3A_179 = tpu.memref_squeeze %dma_wait3A_178 : memref<1x128xi32, #tpu.memory_space<vmem>> -> memref<128xi32, #tpu.memory_space<vmem>>
    %dma_wait3A_180 = arith.constant 0 : i32
    %dma_wait3A_181 = arith.constant 0 : i32
    %dma_wait3A_182 = tpu.memref_slice %arg12[%dma_wait3A_180, %dma_wait3A_181] : memref<1000x32xf32, #tpu.memory_space<vmem_shared>> -> memref<1000x32xf32, #tpu.memory_space<vmem_shared>>
    %dma_wait3A_183 = tpu.memref_slice %arg13[%dma_wait3A_172] : memref<3x!tpu.dma_semaphore, #tpu.memory_space<semaphore_mem>> -> memref<1x!tpu.dma_semaphore, #tpu.memory_space<semaphore_mem>>
    %dma_wait3A_184 = tpu.memref_squeeze %dma_wait3A_183 : memref<1x!tpu.dma_semaphore, #tpu.memory_space<semaphore_mem>> -> memref<!tpu.dma_semaphore, #tpu.memory_space<semaphore_mem>>
    tpu.wait_indirect_dma semaphore(%dma_wait3A_184 : memref<!tpu.dma_semaphore, #tpu.memory_space<semaphore_mem>>) src(%dma_wait3A_182 : memref<1000x32xf32, #tpu.memory_space<vmem_shared>>) dst(%dma_wait3A_176 : memref<128x32xf32, #tpu.memory_space<vmem>>)
    %add3A_185 = arith.constant 0 : i32
    %add3A_186 = arith.addi %mul3A_2, %add3A_185 : i32
    %dma_start3A_187 = arith.constant 0 : i32
    %dma_start3A_188 = arith.constant 0 : i32
    %dma_start3A_189 = arith.constant 0 : i32
    %dma_start3A_190 = arith.constant 0 : i32
    %dma_start3A_191 = tpu.memref_slice %arg9[%dma_start3A_187, %dma_start3A_189, %dma_start3A_190] : memref<3x256x64xf32, #tpu.memory_space<vmem>> -> memref<1x256x64xf32, #tpu.memory_space<vmem>>
    %dma_start3A_192 = tpu.memref_squeeze %dma_start3A_191 : memref<1x256x64xf32, #tpu.memory_space<vmem>> -> memref<256x64xf32, #tpu.memory_space<vmem>>
    %dma_start3A_193 = arith.constant 0 : i32
    %dma_start3A_194 = tpu.memref_slice %arg6[%add3A_186, %dma_start3A_193] : memref<819200x128xf32, #tpu.memory_space<hbm>> -> memref<256x64xf32, #tpu.memory_space<hbm>>
    %dma_start3A_195 = tpu.memref_slice %arg14[%dma_start3A_188] : memref<3x!tpu.dma_semaphore, #tpu.memory_space<semaphore_mem>> -> memref<1x!tpu.dma_semaphore, #tpu.memory_space<semaphore_mem>>
    %dma_start3A_196 = tpu.memref_squeeze %dma_start3A_195 : memref<1x!tpu.dma_semaphore, #tpu.memory_space<semaphore_mem>> -> memref<!tpu.dma_semaphore, #tpu.memory_space<semaphore_mem>>
    %dma_start3A_197 = arith.constant 0 : i32
    %dma_start3A_198 = tpu.memref_slice %arg6[%add3A_186, %dma_start3A_197] : memref<819200x128xf32, #tpu.memory_space<hbm>> -> memref<256x64xf32, #tpu.memory_space<hbm>>
    %dma_start3A_199 = arith.constant 0 : i32
    %dma_start3A_200 = arith.constant 0 : i32
    %dma_start3A_201 = tpu.memref_slice %arg9[%dma_start3A_187, %dma_start3A_199, %dma_start3A_200] : memref<3x256x64xf32, #tpu.memory_space<vmem>> -> memref<1x256x64xf32, #tpu.memory_space<vmem>>
    %dma_start3A_202 = tpu.memref_squeeze %dma_start3A_201 : memref<1x256x64xf32, #tpu.memory_space<vmem>> -> memref<256x64xf32, #tpu.memory_space<vmem>>
    tpu.enqueue_dma source(%dma_start3A_202 : memref<256x64xf32, #tpu.memory_space<vmem>>) target(%dma_start3A_198 : memref<256x64xf32, #tpu.memory_space<hbm>>) target_semaphore(%dma_start3A_196 : memref<!tpu.dma_semaphore, #tpu.memory_space<semaphore_mem>>)
    %dma_start3A_203 = arith.constant 0 : i32
    %dma_start3A_204 = arith.constant 0 : i32
    %dma_start3A_205 = arith.constant 0 : i32
    %dma_start3A_206 = arith.constant 0 : i32
    %dma_start3A_207 = tpu.memref_slice %arg10[%dma_start3A_203, %dma_start3A_205, %dma_start3A_206] : memref<3x256x32xf32, #tpu.memory_space<vmem>> -> memref<1x256x32xf32, #tpu.memory_space<vmem>>
    %dma_start3A_208 = tpu.memref_squeeze %dma_start3A_207 : memref<1x256x32xf32, #tpu.memory_space<vmem>> -> memref<256x32xf32, #tpu.memory_space<vmem>>
    %dma_start3A_209 = arith.constant 64 : i32
    %dma_start3A_210 = tpu.memref_slice %arg6[%add3A_186, %dma_start3A_209] : memref<819200x128xf32, #tpu.memory_space<hbm>> -> memref<256x32xf32, #tpu.memory_space<hbm>>
    %dma_start3A_211 = tpu.memref_slice %arg14[%dma_start3A_204] : memref<3x!tpu.dma_semaphore, #tpu.memory_space<semaphore_mem>> -> memref<1x!tpu.dma_semaphore, #tpu.memory_space<semaphore_mem>>
    %dma_start3A_212 = tpu.memref_squeeze %dma_start3A_211 : memref<1x!tpu.dma_semaphore, #tpu.memory_space<semaphore_mem>> -> memref<!tpu.dma_semaphore, #tpu.memory_space<semaphore_mem>>
    %dma_start3A_213 = arith.constant 64 : i32
    %dma_start3A_214 = tpu.memref_slice %arg6[%add3A_186, %dma_start3A_213] : memref<819200x128xf32, #tpu.memory_space<hbm>> -> memref<256x32xf32, #tpu.memory_space<hbm>>
    %dma_start3A_215 = arith.constant 0 : i32
    %dma_start3A_216 = arith.constant 0 : i32
    %dma_start3A_217 = tpu.memref_slice %arg10[%dma_start3A_203, %dma_start3A_215, %dma_start3A_216] : memref<3x256x32xf32, #tpu.memory_space<vmem>> -> memref<1x256x32xf32, #tpu.memory_space<vmem>>
    %dma_start3A_218 = tpu.memref_squeeze %dma_start3A_217 : memref<1x256x32xf32, #tpu.memory_space<vmem>> -> memref<256x32xf32, #tpu.memory_space<vmem>>
    tpu.enqueue_dma source(%dma_start3A_218 : memref<256x32xf32, #tpu.memory_space<vmem>>) target(%dma_start3A_214 : memref<256x32xf32, #tpu.memory_space<hbm>>) target_semaphore(%dma_start3A_212 : memref<!tpu.dma_semaphore, #tpu.memory_space<semaphore_mem>>)
    %dma_start3A_219 = arith.constant 4 : i32
    %dma_start3A_220 = arith.constant 2 : i32
    %dma_start3A_221 = arith.constant 2 : i32
    %dma_start3A_222 = arith.constant 0 : i32
    %dma_start3A_223 = arith.constant 0 : i32
    %dma_start3A_224 = tpu.memref_slice %arg9[%dma_start3A_220, %dma_start3A_222, %dma_start3A_223] : memref<3x256x64xf32, #tpu.memory_space<vmem>> -> memref<1x128x64xf32, #tpu.memory_space<vmem>>
    %dma_start3A_225 = tpu.memref_squeeze %dma_start3A_224 : memref<1x128x64xf32, #tpu.memory_space<vmem>> -> memref<128x64xf32, #tpu.memory_space<vmem>>
    %dma_start3A_226 = arith.constant 0 : i32
    %dma_start3A_227 = tpu.memref_slice %arg7[%dma_start3A_219, %dma_start3A_226] : memref<200x128xi32, #tpu.memory_space<vmem>> -> memref<1x128xi32, #tpu.memory_space<vmem>>
    %dma_start3A_228 = tpu.memref_squeeze %dma_start3A_227 : memref<1x128xi32, #tpu.memory_space<vmem>> -> memref<128xi32, #tpu.memory_space<vmem>>
    %dma_start3A_229 = arith.constant 0 : i32
    %dma_start3A_230 = arith.constant 0 : i32
    %dma_start3A_231 = tpu.memref_slice %arg11[%dma_start3A_229, %dma_start3A_230] : memref<1000x64xf32, #tpu.memory_space<vmem_shared>> -> memref<1000x64xf32, #tpu.memory_space<vmem_shared>>
    %dma_start3A_232 = tpu.memref_slice %arg13[%dma_start3A_221] : memref<3x!tpu.dma_semaphore, #tpu.memory_space<semaphore_mem>> -> memref<1x!tpu.dma_semaphore, #tpu.memory_space<semaphore_mem>>
    %dma_start3A_233 = tpu.memref_squeeze %dma_start3A_232 : memref<1x!tpu.dma_semaphore, #tpu.memory_space<semaphore_mem>> -> memref<!tpu.dma_semaphore, #tpu.memory_space<semaphore_mem>>
    tpu.enqueue_indirect_dma source(%dma_start3A_231 : memref<1000x64xf32, #tpu.memory_space<vmem_shared>>) target(%dma_start3A_225 : memref<128x64xf32, #tpu.memory_space<vmem>>) offsets(%dma_start3A_228 : memref<128xi32, #tpu.memory_space<vmem>>) semaphore(%dma_start3A_233 : memref<!tpu.dma_semaphore, #tpu.memory_space<semaphore_mem>>)
    %dma_start3A_234 = arith.constant 4 : i32
    %dma_start3A_235 = arith.constant 2 : i32
    %dma_start3A_236 = arith.constant 2 : i32
    %dma_start3A_237 = arith.constant 0 : i32
    %dma_start3A_238 = arith.constant 0 : i32
    %dma_start3A_239 = tpu.memref_slice %arg10[%dma_start3A_235, %dma_start3A_237, %dma_start3A_238] : memref<3x256x32xf32, #tpu.memory_space<vmem>> -> memref<1x128x32xf32, #tpu.memory_space<vmem>>
    %dma_start3A_240 = tpu.memref_squeeze %dma_start3A_239 : memref<1x128x32xf32, #tpu.memory_space<vmem>> -> memref<128x32xf32, #tpu.memory_space<vmem>>
    %dma_start3A_241 = arith.constant 0 : i32
    %dma_start3A_242 = tpu.memref_slice %arg8[%dma_start3A_234, %dma_start3A_241] : memref<200x128xi32, #tpu.memory_space<vmem>> -> memref<1x128xi32, #tpu.memory_space<vmem>>
    %dma_start3A_243 = tpu.memref_squeeze %dma_start3A_242 : memref<1x128xi32, #tpu.memory_space<vmem>> -> memref<128xi32, #tpu.memory_space<vmem>>
    %dma_start3A_244 = arith.constant 0 : i32
    %dma_start3A_245 = arith.constant 0 : i32
    %dma_start3A_246 = tpu.memref_slice %arg12[%dma_start3A_244, %dma_start3A_245] : memref<1000x32xf32, #tpu.memory_space<vmem_shared>> -> memref<1000x32xf32, #tpu.memory_space<vmem_shared>>
    %dma_start3A_247 = tpu.memref_slice %arg13[%dma_start3A_236] : memref<3x!tpu.dma_semaphore, #tpu.memory_space<semaphore_mem>> -> memref<1x!tpu.dma_semaphore, #tpu.memory_space<semaphore_mem>>
    %dma_start3A_248 = tpu.memref_squeeze %dma_start3A_247 : memref<1x!tpu.dma_semaphore, #tpu.memory_space<semaphore_mem>> -> memref<!tpu.dma_semaphore, #tpu.memory_space<semaphore_mem>>
    tpu.enqueue_indirect_dma source(%dma_start3A_246 : memref<1000x32xf32, #tpu.memory_space<vmem_shared>>) target(%dma_start3A_240 : memref<128x32xf32, #tpu.memory_space<vmem>>) offsets(%dma_start3A_243 : memref<128xi32, #tpu.memory_space<vmem>>) semaphore(%dma_start3A_248 : memref<!tpu.dma_semaphore, #tpu.memory_space<semaphore_mem>>)
    %dma_start3A_249 = arith.constant 5 : i32
    %dma_start3A_250 = arith.constant 2 : i32
    %dma_start3A_251 = arith.constant 2 : i32
    %dma_start3A_252 = arith.constant 128 : i32
    %dma_start3A_253 = arith.constant 0 : i32
    %dma_start3A_254 = tpu.memref_slice %arg9[%dma_start3A_250, %dma_start3A_252, %dma_start3A_253] : memref<3x256x64xf32, #tpu.memory_space<vmem>> -> memref<1x128x64xf32, #tpu.memory_space<vmem>>
    %dma_start3A_255 = tpu.memref_squeeze %dma_start3A_254 : memref<1x128x64xf32, #tpu.memory_space<vmem>> -> memref<128x64xf32, #tpu.memory_space<vmem>>
    %dma_start3A_256 = arith.constant 0 : i32
    %dma_start3A_257 = tpu.memref_slice %arg7[%dma_start3A_249, %dma_start3A_256] : memref<200x128xi32, #tpu.memory_space<vmem>> -> memref<1x128xi32, #tpu.memory_space<vmem>>
    %dma_start3A_258 = tpu.memref_squeeze %dma_start3A_257 : memref<1x128xi32, #tpu.memory_space<vmem>> -> memref<128xi32, #tpu.memory_space<vmem>>
    %dma_start3A_259 = arith.constant 0 : i32
    %dma_start3A_260 = arith.constant 0 : i32
    %dma_start3A_261 = tpu.memref_slice %arg11[%dma_start3A_259, %dma_start3A_260] : memref<1000x64xf32, #tpu.memory_space<vmem_shared>> -> memref<1000x64xf32, #tpu.memory_space<vmem_shared>>
    %dma_start3A_262 = tpu.memref_slice %arg13[%dma_start3A_251] : memref<3x!tpu.dma_semaphore, #tpu.memory_space<semaphore_mem>> -> memref<1x!tpu.dma_semaphore, #tpu.memory_space<semaphore_mem>>
    %dma_start3A_263 = tpu.memref_squeeze %dma_start3A_262 : memref<1x!tpu.dma_semaphore, #tpu.memory_space<semaphore_mem>> -> memref<!tpu.dma_semaphore, #tpu.memory_space<semaphore_mem>>
    tpu.enqueue_indirect_dma source(%dma_start3A_261 : memref<1000x64xf32, #tpu.memory_space<vmem_shared>>) target(%dma_start3A_255 : memref<128x64xf32, #tpu.memory_space<vmem>>) offsets(%dma_start3A_258 : memref<128xi32, #tpu.memory_space<vmem>>) semaphore(%dma_start3A_263 : memref<!tpu.dma_semaphore, #tpu.memory_space<semaphore_mem>>)
    %dma_start3A_264 = arith.constant 5 : i32
    %dma_start3A_265 = arith.constant 2 : i32
    %dma_start3A_266 = arith.constant 2 : i32
    %dma_start3A_267 = arith.constant 128 : i32
    %dma_start3A_268 = arith.constant 0 : i32
    %dma_start3A_269 = tpu.memref_slice %arg10[%dma_start3A_265, %dma_start3A_267, %dma_start3A_268] : memref<3x256x32xf32, #tpu.memory_space<vmem>> -> memref<1x128x32xf32, #tpu.memory_space<vmem>>
    %dma_start3A_270 = tpu.memref_squeeze %dma_start3A_269 : memref<1x128x32xf32, #tpu.memory_space<vmem>> -> memref<128x32xf32, #tpu.memory_space<vmem>>
    %dma_start3A_271 = arith.constant 0 : i32
    %dma_start3A_272 = tpu.memref_slice %arg8[%dma_start3A_264, %dma_start3A_271] : memref<200x128xi32, #tpu.memory_space<vmem>> -> memref<1x128xi32, #tpu.memory_space<vmem>>
    %dma_start3A_273 = tpu.memref_squeeze %dma_start3A_272 : memref<1x128xi32, #tpu.memory_space<vmem>> -> memref<128xi32, #tpu.memory_space<vmem>>
    %dma_start3A_274 = arith.constant 0 : i32
    %dma_start3A_275 = arith.constant 0 : i32
    %dma_start3A_276 = tpu.memref_slice %arg12[%dma_start3A_274, %dma_start3A_275] : memref<1000x32xf32, #tpu.memory_space<vmem_shared>> -> memref<1000x32xf32, #tpu.memory_space<vmem_shared>>
    %dma_start3A_277 = tpu.memref_slice %arg13[%dma_start3A_266] : memref<3x!tpu.dma_semaphore, #tpu.memory_space<semaphore_mem>> -> memref<1x!tpu.dma_semaphore, #tpu.memory_space<semaphore_mem>>
    %dma_start3A_278 = tpu.memref_squeeze %dma_start3A_277 : memref<1x!tpu.dma_semaphore, #tpu.memory_space<semaphore_mem>> -> memref<!tpu.dma_semaphore, #tpu.memory_space<semaphore_mem>>
    tpu.enqueue_indirect_dma source(%dma_start3A_276 : memref<1000x32xf32, #tpu.memory_space<vmem_shared>>) target(%dma_start3A_270 : memref<128x32xf32, #tpu.memory_space<vmem>>) offsets(%dma_start3A_273 : memref<128xi32, #tpu.memory_space<vmem>>) semaphore(%dma_start3A_278 : memref<!tpu.dma_semaphore, #tpu.memory_space<semaphore_mem>>)
    %dma_wait3A_279 = arith.constant 0 : i32
    %dma_wait3A_280 = arith.constant 1 : i32
    %dma_wait3A_281 = arith.constant 1 : i32
    %dma_wait3A_282 = arith.constant 0 : i32
    %dma_wait3A_283 = arith.constant 0 : i32
    %dma_wait3A_284 = tpu.memref_slice %arg9[%dma_wait3A_280, %dma_wait3A_282, %dma_wait3A_283] : memref<3x256x64xf32, #tpu.memory_space<vmem>> -> memref<1x128x64xf32, #tpu.memory_space<vmem>>
    %dma_wait3A_285 = tpu.memref_squeeze %dma_wait3A_284 : memref<1x128x64xf32, #tpu.memory_space<vmem>> -> memref<128x64xf32, #tpu.memory_space<vmem>>
    %dma_wait3A_286 = arith.constant 0 : i32
    %dma_wait3A_287 = tpu.memref_slice %arg7[%dma_wait3A_279, %dma_wait3A_286] : memref<200x128xi32, #tpu.memory_space<vmem>> -> memref<1x128xi32, #tpu.memory_space<vmem>>
    %dma_wait3A_288 = tpu.memref_squeeze %dma_wait3A_287 : memref<1x128xi32, #tpu.memory_space<vmem>> -> memref<128xi32, #tpu.memory_space<vmem>>
    %dma_wait3A_289 = arith.constant 0 : i32
    %dma_wait3A_290 = arith.constant 0 : i32
    %dma_wait3A_291 = tpu.memref_slice %arg11[%dma_wait3A_289, %dma_wait3A_290] : memref<1000x64xf32, #tpu.memory_space<vmem_shared>> -> memref<1000x64xf32, #tpu.memory_space<vmem_shared>>
    %dma_wait3A_292 = tpu.memref_slice %arg13[%dma_wait3A_281] : memref<3x!tpu.dma_semaphore, #tpu.memory_space<semaphore_mem>> -> memref<1x!tpu.dma_semaphore, #tpu.memory_space<semaphore_mem>>
    %dma_wait3A_293 = tpu.memref_squeeze %dma_wait3A_292 : memref<1x!tpu.dma_semaphore, #tpu.memory_space<semaphore_mem>> -> memref<!tpu.dma_semaphore, #tpu.memory_space<semaphore_mem>>
    tpu.wait_indirect_dma semaphore(%dma_wait3A_293 : memref<!tpu.dma_semaphore, #tpu.memory_space<semaphore_mem>>) src(%dma_wait3A_291 : memref<1000x64xf32, #tpu.memory_space<vmem_shared>>) dst(%dma_wait3A_285 : memref<128x64xf32, #tpu.memory_space<vmem>>)
    %dma_wait3A_294 = arith.constant 0 : i32
    %dma_wait3A_295 = arith.constant 1 : i32
    %dma_wait3A_296 = arith.constant 1 : i32
    %dma_wait3A_297 = arith.constant 0 : i32
    %dma_wait3A_298 = arith.constant 0 : i32
    %dma_wait3A_299 = tpu.memref_slice %arg10[%dma_wait3A_295, %dma_wait3A_297, %dma_wait3A_298] : memref<3x256x32xf32, #tpu.memory_space<vmem>> -> memref<1x128x32xf32, #tpu.memory_space<vmem>>
    %dma_wait3A_300 = tpu.memref_squeeze %dma_wait3A_299 : memref<1x128x32xf32, #tpu.memory_space<vmem>> -> memref<128x32xf32, #tpu.memory_space<vmem>>
    %dma_wait3A_301 = arith.constant 0 : i32
    %dma_wait3A_302 = tpu.memref_slice %arg8[%dma_wait3A_294, %dma_wait3A_301] : memref<200x128xi32, #tpu.memory_space<vmem>> -> memref<1x128xi32, #tpu.memory_space<vmem>>
    %dma_wait3A_303 = tpu.memref_squeeze %dma_wait3A_302 : memref<1x128xi32, #tpu.memory_space<vmem>> -> memref<128xi32, #tpu.memory_space<vmem>>
    %dma_wait3A_304 = arith.constant 0 : i32
    %dma_wait3A_305 = arith.constant 0 : i32
    %dma_wait3A_306 = tpu.memref_slice %arg12[%dma_wait3A_304, %dma_wait3A_305] : memref<1000x32xf32, #tpu.memory_space<vmem_shared>> -> memref<1000x32xf32, #tpu.memory_space<vmem_shared>>
    %dma_wait3A_307 = tpu.memref_slice %arg13[%dma_wait3A_296] : memref<3x!tpu.dma_semaphore, #tpu.memory_space<semaphore_mem>> -> memref<1x!tpu.dma_semaphore, #tpu.memory_space<semaphore_mem>>
    %dma_wait3A_308 = tpu.memref_squeeze %dma_wait3A_307 : memref<1x!tpu.dma_semaphore, #tpu.memory_space<semaphore_mem>> -> memref<!tpu.dma_semaphore, #tpu.memory_space<semaphore_mem>>
    tpu.wait_indirect_dma semaphore(%dma_wait3A_308 : memref<!tpu.dma_semaphore, #tpu.memory_space<semaphore_mem>>) src(%dma_wait3A_306 : memref<1000x32xf32, #tpu.memory_space<vmem_shared>>) dst(%dma_wait3A_300 : memref<128x32xf32, #tpu.memory_space<vmem>>)
    %dma_wait3A_309 = arith.constant 0 : i32
    %dma_wait3A_310 = arith.constant 1 : i32
    %dma_wait3A_311 = arith.constant 1 : i32
    %dma_wait3A_312 = arith.constant 128 : i32
    %dma_wait3A_313 = arith.constant 0 : i32
    %dma_wait3A_314 = tpu.memref_slice %arg9[%dma_wait3A_310, %dma_wait3A_312, %dma_wait3A_313] : memref<3x256x64xf32, #tpu.memory_space<vmem>> -> memref<1x128x64xf32, #tpu.memory_space<vmem>>
    %dma_wait3A_315 = tpu.memref_squeeze %dma_wait3A_314 : memref<1x128x64xf32, #tpu.memory_space<vmem>> -> memref<128x64xf32, #tpu.memory_space<vmem>>
    %dma_wait3A_316 = arith.constant 0 : i32
    %dma_wait3A_317 = tpu.memref_slice %arg7[%dma_wait3A_309, %dma_wait3A_316] : memref<200x128xi32, #tpu.memory_space<vmem>> -> memref<1x128xi32, #tpu.memory_space<vmem>>
    %dma_wait3A_318 = tpu.memref_squeeze %dma_wait3A_317 : memref<1x128xi32, #tpu.memory_space<vmem>> -> memref<128xi32, #tpu.memory_space<vmem>>
    %dma_wait3A_319 = arith.constant 0 : i32
    %dma_wait3A_320 = arith.constant 0 : i32
    %dma_wait3A_321 = tpu.memref_slice %arg11[%dma_wait3A_319, %dma_wait3A_320] : memref<1000x64xf32, #tpu.memory_space<vmem_shared>> -> memref<1000x64xf32, #tpu.memory_space<vmem_shared>>
    %dma_wait3A_322 = tpu.memref_slice %arg13[%dma_wait3A_311] : memref<3x!tpu.dma_semaphore, #tpu.memory_space<semaphore_mem>> -> memref<1x!tpu.dma_semaphore, #tpu.memory_space<semaphore_mem>>
    %dma_wait3A_323 = tpu.memref_squeeze %dma_wait3A_322 : memref<1x!tpu.dma_semaphore, #tpu.memory_space<semaphore_mem>> -> memref<!tpu.dma_semaphore, #tpu.memory_space<semaphore_mem>>
    tpu.wait_indirect_dma semaphore(%dma_wait3A_323 : memref<!tpu.dma_semaphore, #tpu.memory_space<semaphore_mem>>) src(%dma_wait3A_321 : memref<1000x64xf32, #tpu.memory_space<vmem_shared>>) dst(%dma_wait3A_315 : memref<128x64xf32, #tpu.memory_space<vmem>>)
    %dma_wait3A_324 = arith.constant 0 : i32
    %dma_wait3A_325 = arith.constant 1 : i32
    %dma_wait3A_326 = arith.constant 1 : i32
    %dma_wait3A_327 = arith.constant 128 : i32
    %dma_wait3A_328 = arith.constant 0 : i32
    %dma_wait3A_329 = tpu.memref_slice %arg10[%dma_wait3A_325, %dma_wait3A_327, %dma_wait3A_328] : memref<3x256x32xf32, #tpu.memory_space<vmem>> -> memref<1x128x32xf32, #tpu.memory_space<vmem>>
    %dma_wait3A_330 = tpu.memref_squeeze %dma_wait3A_329 : memref<1x128x32xf32, #tpu.memory_space<vmem>> -> memref<128x32xf32, #tpu.memory_space<vmem>>
    %dma_wait3A_331 = arith.constant 0 : i32
    %dma_wait3A_332 = tpu.memref_slice %arg8[%dma_wait3A_324, %dma_wait3A_331] : memref<200x128xi32, #tpu.memory_space<vmem>> -> memref<1x128xi32, #tpu.memory_space<vmem>>
    %dma_wait3A_333 = tpu.memref_squeeze %dma_wait3A_332 : memref<1x128xi32, #tpu.memory_space<vmem>> -> memref<128xi32, #tpu.memory_space<vmem>>
    %dma_wait3A_334 = arith.constant 0 : i32
    %dma_wait3A_335 = arith.constant 0 : i32
    %dma_wait3A_336 = tpu.memref_slice %arg12[%dma_wait3A_334, %dma_wait3A_335] : memref<1000x32xf32, #tpu.memory_space<vmem_shared>> -> memref<1000x32xf32, #tpu.memory_space<vmem_shared>>
    %dma_wait3A_337 = tpu.memref_slice %arg13[%dma_wait3A_326] : memref<3x!tpu.dma_semaphore, #tpu.memory_space<semaphore_mem>> -> memref<1x!tpu.dma_semaphore, #tpu.memory_space<semaphore_mem>>
    %dma_wait3A_338 = tpu.memref_squeeze %dma_wait3A_337 : memref<1x!tpu.dma_semaphore, #tpu.memory_space<semaphore_mem>> -> memref<!tpu.dma_semaphore, #tpu.memory_space<semaphore_mem>>
    tpu.wait_indirect_dma semaphore(%dma_wait3A_338 : memref<!tpu.dma_semaphore, #tpu.memory_space<semaphore_mem>>) src(%dma_wait3A_336 : memref<1000x32xf32, #tpu.memory_space<vmem_shared>>) dst(%dma_wait3A_330 : memref<128x32xf32, #tpu.memory_space<vmem>>)
    %add3A_339 = arith.constant 256 : i32
    %add3A_340 = arith.addi %mul3A_2, %add3A_339 : i32
    %dma_start3A_341 = arith.constant 1 : i32
    %dma_start3A_342 = arith.constant 1 : i32
    %dma_start3A_343 = arith.constant 0 : i32
    %dma_start3A_344 = arith.constant 0 : i32
    %dma_start3A_345 = tpu.memref_slice %arg9[%dma_start3A_341, %dma_start3A_343, %dma_start3A_344] : memref<3x256x64xf32, #tpu.memory_space<vmem>> -> memref<1x256x64xf32, #tpu.memory_space<vmem>>
    %dma_start3A_346 = tpu.memref_squeeze %dma_start3A_345 : memref<1x256x64xf32, #tpu.memory_space<vmem>> -> memref<256x64xf32, #tpu.memory_space<vmem>>
    %dma_start3A_347 = arith.constant 0 : i32
    %dma_start3A_348 = tpu.memref_slice %arg6[%add3A_340, %dma_start3A_347] : memref<819200x128xf32, #tpu.memory_space<hbm>> -> memref<256x64xf32, #tpu.memory_space<hbm>>
    %dma_start3A_349 = tpu.memref_slice %arg14[%dma_start3A_342] : memref<3x!tpu.dma_semaphore, #tpu.memory_space<semaphore_mem>> -> memref<1x!tpu.dma_semaphore, #tpu.memory_space<semaphore_mem>>
    %dma_start3A_350 = tpu.memref_squeeze %dma_start3A_349 : memref<1x!tpu.dma_semaphore, #tpu.memory_space<semaphore_mem>> -> memref<!tpu.dma_semaphore, #tpu.memory_space<semaphore_mem>>
    %dma_start3A_351 = arith.constant 0 : i32
    %dma_start3A_352 = tpu.memref_slice %arg6[%add3A_340, %dma_start3A_351] : memref<819200x128xf32, #tpu.memory_space<hbm>> -> memref<256x64xf32, #tpu.memory_space<hbm>>
    %dma_start3A_353 = arith.constant 0 : i32
    %dma_start3A_354 = arith.constant 0 : i32
    %dma_start3A_355 = tpu.memref_slice %arg9[%dma_start3A_341, %dma_start3A_353, %dma_start3A_354] : memref<3x256x64xf32, #tpu.memory_space<vmem>> -> memref<1x256x64xf32, #tpu.memory_space<vmem>>
    %dma_start3A_356 = tpu.memref_squeeze %dma_start3A_355 : memref<1x256x64xf32, #tpu.memory_space<vmem>> -> memref<256x64xf32, #tpu.memory_space<vmem>>
    tpu.enqueue_dma source(%dma_start3A_356 : memref<256x64xf32, #tpu.memory_space<vmem>>) target(%dma_start3A_352 : memref<256x64xf32, #tpu.memory_space<hbm>>) target_semaphore(%dma_start3A_350 : memref<!tpu.dma_semaphore, #tpu.memory_space<semaphore_mem>>)
    %dma_start3A_357 = arith.constant 1 : i32
    %dma_start3A_358 = arith.constant 1 : i32
    %dma_start3A_359 = arith.constant 0 : i32
    %dma_start3A_360 = arith.constant 0 : i32
    %dma_start3A_361 = tpu.memref_slice %arg10[%dma_start3A_357, %dma_start3A_359, %dma_start3A_360] : memref<3x256x32xf32, #tpu.memory_space<vmem>> -> memref<1x256x32xf32, #tpu.memory_space<vmem>>
    %dma_start3A_362 = tpu.memref_squeeze %dma_start3A_361 : memref<1x256x32xf32, #tpu.memory_space<vmem>> -> memref<256x32xf32, #tpu.memory_space<vmem>>
    %dma_start3A_363 = arith.constant 64 : i32
    %dma_start3A_364 = tpu.memref_slice %arg6[%add3A_340, %dma_start3A_363] : memref<819200x128xf32, #tpu.memory_space<hbm>> -> memref<256x32xf32, #tpu.memory_space<hbm>>
    %dma_start3A_365 = tpu.memref_slice %arg14[%dma_start3A_358] : memref<3x!tpu.dma_semaphore, #tpu.memory_space<semaphore_mem>> -> memref<1x!tpu.dma_semaphore, #tpu.memory_space<semaphore_mem>>
    %dma_start3A_366 = tpu.memref_squeeze %dma_start3A_365 : memref<1x!tpu.dma_semaphore, #tpu.memory_space<semaphore_mem>> -> memref<!tpu.dma_semaphore, #tpu.memory_space<semaphore_mem>>
    %dma_start3A_367 = arith.constant 64 : i32
    %dma_start3A_368 = tpu.memref_slice %arg6[%add3A_340, %dma_start3A_367] : memref<819200x128xf32, #tpu.memory_space<hbm>> -> memref<256x32xf32, #tpu.memory_space<hbm>>
    %dma_start3A_369 = arith.constant 0 : i32
    %dma_start3A_370 = arith.constant 0 : i32
    %dma_start3A_371 = tpu.memref_slice %arg10[%dma_start3A_357, %dma_start3A_369, %dma_start3A_370] : memref<3x256x32xf32, #tpu.memory_space<vmem>> -> memref<1x256x32xf32, #tpu.memory_space<vmem>>
    %dma_start3A_372 = tpu.memref_squeeze %dma_start3A_371 : memref<1x256x32xf32, #tpu.memory_space<vmem>> -> memref<256x32xf32, #tpu.memory_space<vmem>>
    tpu.enqueue_dma source(%dma_start3A_372 : memref<256x32xf32, #tpu.memory_space<vmem>>) target(%dma_start3A_368 : memref<256x32xf32, #tpu.memory_space<hbm>>) target_semaphore(%dma_start3A_366 : memref<!tpu.dma_semaphore, #tpu.memory_space<semaphore_mem>>)
    %dma_wait3A_373 = arith.constant 0 : i32
    %dma_wait3A_374 = arith.constant 0 : i32
    %dma_wait3A_375 = arith.constant 0 : i32
    %dma_wait3A_376 = arith.constant 0 : i32
    %dma_wait3A_377 = tpu.memref_slice %arg9[%dma_wait3A_373, %dma_wait3A_375, %dma_wait3A_376] : memref<3x256x64xf32, #tpu.memory_space<vmem>> -> memref<1x256x64xf32, #tpu.memory_space<vmem>>
    %dma_wait3A_378 = tpu.memref_squeeze %dma_wait3A_377 : memref<1x256x64xf32, #tpu.memory_space<vmem>> -> memref<256x64xf32, #tpu.memory_space<vmem>>
    %dma_wait3A_379 = arith.constant 0 : i32
    %dma_wait3A_380 = tpu.memref_slice %arg6[%mul3A_2, %dma_wait3A_379] : memref<819200x128xf32, #tpu.memory_space<hbm>> -> memref<256x64xf32, #tpu.memory_space<hbm>>
    %dma_wait3A_381 = tpu.memref_slice %arg14[%dma_wait3A_374] : memref<3x!tpu.dma_semaphore, #tpu.memory_space<semaphore_mem>> -> memref<1x!tpu.dma_semaphore, #tpu.memory_space<semaphore_mem>>
    %dma_wait3A_382 = tpu.memref_squeeze %dma_wait3A_381 : memref<1x!tpu.dma_semaphore, #tpu.memory_space<semaphore_mem>> -> memref<!tpu.dma_semaphore, #tpu.memory_space<semaphore_mem>>
    %dma_wait3A_383 = arith.constant 0 : i32
    %dma_wait3A_384 = tpu.memref_slice %arg6[%mul3A_2, %dma_wait3A_383] : memref<819200x128xf32, #tpu.memory_space<hbm>> -> memref<256x64xf32, #tpu.memory_space<hbm>>
    %dma_wait3A_385 = arith.constant 0 : i32
    %dma_wait3A_386 = arith.constant 0 : i32
    %dma_wait3A_387 = tpu.memref_slice %arg9[%dma_wait3A_373, %dma_wait3A_385, %dma_wait3A_386] : memref<3x256x64xf32, #tpu.memory_space<vmem>> -> memref<1x256x64xf32, #tpu.memory_space<vmem>>
    %dma_wait3A_388 = tpu.memref_squeeze %dma_wait3A_387 : memref<1x256x64xf32, #tpu.memory_space<vmem>> -> memref<256x64xf32, #tpu.memory_space<vmem>>
    tpu.wait_dma2 semaphore(%dma_wait3A_382 : memref<!tpu.dma_semaphore, #tpu.memory_space<semaphore_mem>>) src(%dma_wait3A_388 : memref<256x64xf32, #tpu.memory_space<vmem>>) dst(%dma_wait3A_384 : memref<256x64xf32, #tpu.memory_space<hbm>>)
    %dma_wait3A_389 = arith.constant 0 : i32
    %dma_wait3A_390 = arith.constant 0 : i32
    %dma_wait3A_391 = arith.constant 0 : i32
    %dma_wait3A_392 = arith.constant 0 : i32
    %dma_wait3A_393 = tpu.memref_slice %arg10[%dma_wait3A_389, %dma_wait3A_391, %dma_wait3A_392] : memref<3x256x32xf32, #tpu.memory_space<vmem>> -> memref<1x256x32xf32, #tpu.memory_space<vmem>>
    %dma_wait3A_394 = tpu.memref_squeeze %dma_wait3A_393 : memref<1x256x32xf32, #tpu.memory_space<vmem>> -> memref<256x32xf32, #tpu.memory_space<vmem>>
    %dma_wait3A_395 = arith.constant 64 : i32
    %dma_wait3A_396 = tpu.memref_slice %arg6[%mul3A_2, %dma_wait3A_395] : memref<819200x128xf32, #tpu.memory_space<hbm>> -> memref<256x32xf32, #tpu.memory_space<hbm>>
    %dma_wait3A_397 = tpu.memref_slice %arg14[%dma_wait3A_390] : memref<3x!tpu.dma_semaphore, #tpu.memory_space<semaphore_mem>> -> memref<1x!tpu.dma_semaphore, #tpu.memory_space<semaphore_mem>>
    %dma_wait3A_398 = tpu.memref_squeeze %dma_wait3A_397 : memref<1x!tpu.dma_semaphore, #tpu.memory_space<semaphore_mem>> -> memref<!tpu.dma_semaphore, #tpu.memory_space<semaphore_mem>>
    %dma_wait3A_399 = arith.constant 64 : i32
    %dma_wait3A_400 = tpu.memref_slice %arg6[%mul3A_2, %dma_wait3A_399] : memref<819200x128xf32, #tpu.memory_space<hbm>> -> memref<256x32xf32, #tpu.memory_space<hbm>>
    %dma_wait3A_401 = arith.constant 0 : i32
    %dma_wait3A_402 = arith.constant 0 : i32
    %dma_wait3A_403 = tpu.memref_slice %arg10[%dma_wait3A_389, %dma_wait3A_401, %dma_wait3A_402] : memref<3x256x32xf32, #tpu.memory_space<vmem>> -> memref<1x256x32xf32, #tpu.memory_space<vmem>>
    %dma_wait3A_404 = tpu.memref_squeeze %dma_wait3A_403 : memref<1x256x32xf32, #tpu.memory_space<vmem>> -> memref<256x32xf32, #tpu.memory_space<vmem>>
    tpu.wait_dma2 semaphore(%dma_wait3A_398 : memref<!tpu.dma_semaphore, #tpu.memory_space<semaphore_mem>>) src(%dma_wait3A_404 : memref<256x32xf32, #tpu.memory_space<vmem>>) dst(%dma_wait3A_400 : memref<256x32xf32, #tpu.memory_space<hbm>>)
    %dma_start3A_405 = arith.constant 6 : i32
    %dma_start3A_406 = arith.constant 0 : i32
    %dma_start3A_407 = arith.constant 0 : i32
    %dma_start3A_408 = arith.constant 0 : i32
    %dma_start3A_409 = arith.constant 0 : i32
    %dma_start3A_410 = tpu.memref_slice %arg9[%dma_start3A_406, %dma_start3A_408, %dma_start3A_409] : memref<3x256x64xf32, #tpu.memory_space<vmem>> -> memref<1x128x64xf32, #tpu.memory_space<vmem>>
    %dma_start3A_411 = tpu.memref_squeeze %dma_start3A_410 : memref<1x128x64xf32, #tpu.memory_space<vmem>> -> memref<128x64xf32, #tpu.memory_space<vmem>>
    %dma_start3A_412 = arith.constant 0 : i32
    %dma_start3A_413 = tpu.memref_slice %arg7[%dma_start3A_405, %dma_start3A_412] : memref<200x128xi32, #tpu.memory_space<vmem>> -> memref<1x128xi32, #tpu.memory_space<vmem>>
    %dma_start3A_414 = tpu.memref_squeeze %dma_start3A_413 : memref<1x128xi32, #tpu.memory_space<vmem>> -> memref<128xi32, #tpu.memory_space<vmem>>
    %dma_start3A_415 = arith.constant 0 : i32
    %dma_start3A_416 = arith.constant 0 : i32
    %dma_start3A_417 = tpu.memref_slice %arg11[%dma_start3A_415, %dma_start3A_416] : memref<1000x64xf32, #tpu.memory_space<vmem_shared>> -> memref<1000x64xf32, #tpu.memory_space<vmem_shared>>
    %dma_start3A_418 = tpu.memref_slice %arg13[%dma_start3A_407] : memref<3x!tpu.dma_semaphore, #tpu.memory_space<semaphore_mem>> -> memref<1x!tpu.dma_semaphore, #tpu.memory_space<semaphore_mem>>
    %dma_start3A_419 = tpu.memref_squeeze %dma_start3A_418 : memref<1x!tpu.dma_semaphore, #tpu.memory_space<semaphore_mem>> -> memref<!tpu.dma_semaphore, #tpu.memory_space<semaphore_mem>>
    tpu.enqueue_indirect_dma source(%dma_start3A_417 : memref<1000x64xf32, #tpu.memory_space<vmem_shared>>) target(%dma_start3A_411 : memref<128x64xf32, #tpu.memory_space<vmem>>) offsets(%dma_start3A_414 : memref<128xi32, #tpu.memory_space<vmem>>) semaphore(%dma_start3A_419 : memref<!tpu.dma_semaphore, #tpu.memory_space<semaphore_mem>>)
    %dma_start3A_420 = arith.constant 6 : i32
    %dma_start3A_421 = arith.constant 0 : i32
    %dma_start3A_422 = arith.constant 0 : i32
    %dma_start3A_423 = arith.constant 0 : i32
    %dma_start3A_424 = arith.constant 0 : i32
    %dma_start3A_425 = tpu.memref_slice %arg10[%dma_start3A_421, %dma_start3A_423, %dma_start3A_424] : memref<3x256x32xf32, #tpu.memory_space<vmem>> -> memref<1x128x32xf32, #tpu.memory_space<vmem>>
    %dma_start3A_426 = tpu.memref_squeeze %dma_start3A_425 : memref<1x128x32xf32, #tpu.memory_space<vmem>> -> memref<128x32xf32, #tpu.memory_space<vmem>>
    %dma_start3A_427 = arith.constant 0 : i32
    %dma_start3A_428 = tpu.memref_slice %arg8[%dma_start3A_420, %dma_start3A_427] : memref<200x128xi32, #tpu.memory_space<vmem>> -> memref<1x128xi32, #tpu.memory_space<vmem>>
    %dma_start3A_429 = tpu.memref_squeeze %dma_start3A_428 : memref<1x128xi32, #tpu.memory_space<vmem>> -> memref<128xi32, #tpu.memory_space<vmem>>
    %dma_start3A_430 = arith.constant 0 : i32
    %dma_start3A_431 = arith.constant 0 : i32
    %dma_start3A_432 = tpu.memref_slice %arg12[%dma_start3A_430, %dma_start3A_431] : memref<1000x32xf32, #tpu.memory_space<vmem_shared>> -> memref<1000x32xf32, #tpu.memory_space<vmem_shared>>
    %dma_start3A_433 = tpu.memref_slice %arg13[%dma_start3A_422] : memref<3x!tpu.dma_semaphore, #tpu.memory_space<semaphore_mem>> -> memref<1x!tpu.dma_semaphore, #tpu.memory_space<semaphore_mem>>
    %dma_start3A_434 = tpu.memref_squeeze %dma_start3A_433 : memref<1x!tpu.dma_semaphore, #tpu.memory_space<semaphore_mem>> -> memref<!tpu.dma_semaphore, #tpu.memory_space<semaphore_mem>>
    tpu.enqueue_indirect_dma source(%dma_start3A_432 : memref<1000x32xf32, #tpu.memory_space<vmem_shared>>) target(%dma_start3A_426 : memref<128x32xf32, #tpu.memory_space<vmem>>) offsets(%dma_start3A_429 : memref<128xi32, #tpu.memory_space<vmem>>) semaphore(%dma_start3A_434 : memref<!tpu.dma_semaphore, #tpu.memory_space<semaphore_mem>>)
    %dma_start3A_435 = arith.constant 7 : i32
    %dma_start3A_436 = arith.constant 0 : i32
    %dma_start3A_437 = arith.constant 0 : i32
    %dma_start3A_438 = arith.constant 128 : i32
    %dma_start3A_439 = arith.constant 0 : i32
    %dma_start3A_440 = tpu.memref_slice %arg9[%dma_start3A_436, %dma_start3A_438, %dma_start3A_439] : memref<3x256x64xf32, #tpu.memory_space<vmem>> -> memref<1x128x64xf32, #tpu.memory_space<vmem>>
    %dma_start3A_441 = tpu.memref_squeeze %dma_start3A_440 : memref<1x128x64xf32, #tpu.memory_space<vmem>> -> memref<128x64xf32, #tpu.memory_space<vmem>>
    %dma_start3A_442 = arith.constant 0 : i32
    %dma_start3A_443 = tpu.memref_slice %arg7[%dma_start3A_435, %dma_start3A_442] : memref<200x128xi32, #tpu.memory_space<vmem>> -> memref<1x128xi32, #tpu.memory_space<vmem>>
    %dma_start3A_444 = tpu.memref_squeeze %dma_start3A_443 : memref<1x128xi32, #tpu.memory_space<vmem>> -> memref<128xi32, #tpu.memory_space<vmem>>
    %dma_start3A_445 = arith.constant 0 : i32
    %dma_start3A_446 = arith.constant 0 : i32
    %dma_start3A_447 = tpu.memref_slice %arg11[%dma_start3A_445, %dma_start3A_446] : memref<1000x64xf32, #tpu.memory_space<vmem_shared>> -> memref<1000x64xf32, #tpu.memory_space<vmem_shared>>
    %dma_start3A_448 = tpu.memref_slice %arg13[%dma_start3A_437] : memref<3x!tpu.dma_semaphore, #tpu.memory_space<semaphore_mem>> -> memref<1x!tpu.dma_semaphore, #tpu.memory_space<semaphore_mem>>
    %dma_start3A_449 = tpu.memref_squeeze %dma_start3A_448 : memref<1x!tpu.dma_semaphore, #tpu.memory_space<semaphore_mem>> -> memref<!tpu.dma_semaphore, #tpu.memory_space<semaphore_mem>>
    tpu.enqueue_indirect_dma source(%dma_start3A_447 : memref<1000x64xf32, #tpu.memory_space<vmem_shared>>) target(%dma_start3A_441 : memref<128x64xf32, #tpu.memory_space<vmem>>) offsets(%dma_start3A_444 : memref<128xi32, #tpu.memory_space<vmem>>) semaphore(%dma_start3A_449 : memref<!tpu.dma_semaphore, #tpu.memory_space<semaphore_mem>>)
    %dma_start3A_450 = arith.constant 7 : i32
    %dma_start3A_451 = arith.constant 0 : i32
    %dma_start3A_452 = arith.constant 0 : i32
    %dma_start3A_453 = arith.constant 128 : i32
    %dma_start3A_454 = arith.constant 0 : i32
    %dma_start3A_455 = tpu.memref_slice %arg10[%dma_start3A_451, %dma_start3A_453, %dma_start3A_454] : memref<3x256x32xf32, #tpu.memory_space<vmem>> -> memref<1x128x32xf32, #tpu.memory_space<vmem>>
    %dma_start3A_456 = tpu.memref_squeeze %dma_start3A_455 : memref<1x128x32xf32, #tpu.memory_space<vmem>> -> memref<128x32xf32, #tpu.memory_space<vmem>>
    %dma_start3A_457 = arith.constant 0 : i32
    %dma_start3A_458 = tpu.memref_slice %arg8[%dma_start3A_450, %dma_start3A_457] : memref<200x128xi32, #tpu.memory_space<vmem>> -> memref<1x128xi32, #tpu.memory_space<vmem>>
    %dma_start3A_459 = tpu.memref_squeeze %dma_start3A_458 : memref<1x128xi32, #tpu.memory_space<vmem>> -> memref<128xi32, #tpu.memory_space<vmem>>
    %dma_start3A_460 = arith.constant 0 : i32
    %dma_start3A_461 = arith.constant 0 : i32
    %dma_start3A_462 = tpu.memref_slice %arg12[%dma_start3A_460, %dma_start3A_461] : memref<1000x32xf32, #tpu.memory_space<vmem_shared>> -> memref<1000x32xf32, #tpu.memory_space<vmem_shared>>
    %dma_start3A_463 = tpu.memref_slice %arg13[%dma_start3A_452] : memref<3x!tpu.dma_semaphore, #tpu.memory_space<semaphore_mem>> -> memref<1x!tpu.dma_semaphore, #tpu.memory_space<semaphore_mem>>
    %dma_start3A_464 = tpu.memref_squeeze %dma_start3A_463 : memref<1x!tpu.dma_semaphore, #tpu.memory_space<semaphore_mem>> -> memref<!tpu.dma_semaphore, #tpu.memory_space<semaphore_mem>>
    tpu.enqueue_indirect_dma source(%dma_start3A_462 : memref<1000x32xf32, #tpu.memory_space<vmem_shared>>) target(%dma_start3A_456 : memref<128x32xf32, #tpu.memory_space<vmem>>) offsets(%dma_start3A_459 : memref<128xi32, #tpu.memory_space<vmem>>) semaphore(%dma_start3A_464 : memref<!tpu.dma_semaphore, #tpu.memory_space<semaphore_mem>>)
    %dma_wait3A_465 = arith.constant 0 : i32
    %dma_wait3A_466 = arith.constant 2 : i32
    %dma_wait3A_467 = arith.constant 2 : i32
    %dma_wait3A_468 = arith.constant 0 : i32
    %dma_wait3A_469 = arith.constant 0 : i32
    %dma_wait3A_470 = tpu.memref_slice %arg9[%dma_wait3A_466, %dma_wait3A_468, %dma_wait3A_469] : memref<3x256x64xf32, #tpu.memory_space<vmem>> -> memref<1x128x64xf32, #tpu.memory_space<vmem>>
    %dma_wait3A_471 = tpu.memref_squeeze %dma_wait3A_470 : memref<1x128x64xf32, #tpu.memory_space<vmem>> -> memref<128x64xf32, #tpu.memory_space<vmem>>
    %dma_wait3A_472 = arith.constant 0 : i32
    %dma_wait3A_473 = tpu.memref_slice %arg7[%dma_wait3A_465, %dma_wait3A_472] : memref<200x128xi32, #tpu.memory_space<vmem>> -> memref<1x128xi32, #tpu.memory_space<vmem>>
    %dma_wait3A_474 = tpu.memref_squeeze %dma_wait3A_473 : memref<1x128xi32, #tpu.memory_space<vmem>> -> memref<128xi32, #tpu.memory_space<vmem>>
    %dma_wait3A_475 = arith.constant 0 : i32
    %dma_wait3A_476 = arith.constant 0 : i32
    %dma_wait3A_477 = tpu.memref_slice %arg11[%dma_wait3A_475, %dma_wait3A_476] : memref<1000x64xf32, #tpu.memory_space<vmem_shared>> -> memref<1000x64xf32, #tpu.memory_space<vmem_shared>>
    %dma_wait3A_478 = tpu.memref_slice %arg13[%dma_wait3A_467] : memref<3x!tpu.dma_semaphore, #tpu.memory_space<semaphore_mem>> -> memref<1x!tpu.dma_semaphore, #tpu.memory_space<semaphore_mem>>
    %dma_wait3A_479 = tpu.memref_squeeze %dma_wait3A_478 : memref<1x!tpu.dma_semaphore, #tpu.memory_space<semaphore_mem>> -> memref<!tpu.dma_semaphore, #tpu.memory_space<semaphore_mem>>
    tpu.wait_indirect_dma semaphore(%dma_wait3A_479 : memref<!tpu.dma_semaphore, #tpu.memory_space<semaphore_mem>>) src(%dma_wait3A_477 : memref<1000x64xf32, #tpu.memory_space<vmem_shared>>) dst(%dma_wait3A_471 : memref<128x64xf32, #tpu.memory_space<vmem>>)
    %dma_wait3A_480 = arith.constant 0 : i32
    %dma_wait3A_481 = arith.constant 2 : i32
    %dma_wait3A_482 = arith.constant 2 : i32
    %dma_wait3A_483 = arith.constant 0 : i32
    %dma_wait3A_484 = arith.constant 0 : i32
    %dma_wait3A_485 = tpu.memref_slice %arg10[%dma_wait3A_481, %dma_wait3A_483, %dma_wait3A_484] : memref<3x256x32xf32, #tpu.memory_space<vmem>> -> memref<1x128x32xf32, #tpu.memory_space<vmem>>
    %dma_wait3A_486 = tpu.memref_squeeze %dma_wait3A_485 : memref<1x128x32xf32, #tpu.memory_space<vmem>> -> memref<128x32xf32, #tpu.memory_space<vmem>>
    %dma_wait3A_487 = arith.constant 0 : i32
    %dma_wait3A_488 = tpu.memref_slice %arg8[%dma_wait3A_480, %dma_wait3A_487] : memref<200x128xi32, #tpu.memory_space<vmem>> -> memref<1x128xi32, #tpu.memory_space<vmem>>
    %dma_wait3A_489 = tpu.memref_squeeze %dma_wait3A_488 : memref<1x128xi32, #tpu.memory_space<vmem>> -> memref<128xi32, #tpu.memory_space<vmem>>
    %dma_wait3A_490 = arith.constant 0 : i32
    %dma_wait3A_491 = arith.constant 0 : i32
    %dma_wait3A_492 = tpu.memref_slice %arg12[%dma_wait3A_490, %dma_wait3A_491] : memref<1000x32xf32, #tpu.memory_space<vmem_shared>> -> memref<1000x32xf32, #tpu.memory_space<vmem_shared>>
    %dma_wait3A_493 = tpu.memref_slice %arg13[%dma_wait3A_482] : memref<3x!tpu.dma_semaphore, #tpu.memory_space<semaphore_mem>> -> memref<1x!tpu.dma_semaphore, #tpu.memory_space<semaphore_mem>>
    %dma_wait3A_494 = tpu.memref_squeeze %dma_wait3A_493 : memref<1x!tpu.dma_semaphore, #tpu.memory_space<semaphore_mem>> -> memref<!tpu.dma_semaphore, #tpu.memory_space<semaphore_mem>>
    tpu.wait_indirect_dma semaphore(%dma_wait3A_494 : memref<!tpu.dma_semaphore, #tpu.memory_space<semaphore_mem>>) src(%dma_wait3A_492 : memref<1000x32xf32, #tpu.memory_space<vmem_shared>>) dst(%dma_wait3A_486 : memref<128x32xf32, #tpu.memory_space<vmem>>)
    %dma_wait3A_495 = arith.constant 0 : i32
    %dma_wait3A_496 = arith.constant 2 : i32
    %dma_wait3A_497 = arith.constant 2 : i32
    %dma_wait3A_498 = arith.constant 128 : i32
    %dma_wait3A_499 = arith.constant 0 : i32
    %dma_wait3A_500 = tpu.memref_slice %arg9[%dma_wait3A_496, %dma_wait3A_498, %dma_wait3A_499] : memref<3x256x64xf32, #tpu.memory_space<vmem>> -> memref<1x128x64xf32, #tpu.memory_space<vmem>>
    %dma_wait3A_501 = tpu.memref_squeeze %dma_wait3A_500 : memref<1x128x64xf32, #tpu.memory_space<vmem>> -> memref<128x64xf32, #tpu.memory_space<vmem>>
    %dma_wait3A_502 = arith.constant 0 : i32
    %dma_wait3A_503 = tpu.memref_slice %arg7[%dma_wait3A_495, %dma_wait3A_502] : memref<200x128xi32, #tpu.memory_space<vmem>> -> memref<1x128xi32, #tpu.memory_space<vmem>>
    %dma_wait3A_504 = tpu.memref_squeeze %dma_wait3A_503 : memref<1x128xi32, #tpu.memory_space<vmem>> -> memref<128xi32, #tpu.memory_space<vmem>>
    %dma_wait3A_505 = arith.constant 0 : i32
    %dma_wait3A_506 = arith.constant 0 : i32
    %dma_wait3A_507 = tpu.memref_slice %arg11[%dma_wait3A_505, %dma_wait3A_506] : memref<1000x64xf32, #tpu.memory_space<vmem_shared>> -> memref<1000x64xf32, #tpu.memory_space<vmem_shared>>
    %dma_wait3A_508 = tpu.memref_slice %arg13[%dma_wait3A_497] : memref<3x!tpu.dma_semaphore, #tpu.memory_space<semaphore_mem>> -> memref<1x!tpu.dma_semaphore, #tpu.memory_space<semaphore_mem>>
    %dma_wait3A_509 = tpu.memref_squeeze %dma_wait3A_508 : memref<1x!tpu.dma_semaphore, #tpu.memory_space<semaphore_mem>> -> memref<!tpu.dma_semaphore, #tpu.memory_space<semaphore_mem>>
    tpu.wait_indirect_dma semaphore(%dma_wait3A_509 : memref<!tpu.dma_semaphore, #tpu.memory_space<semaphore_mem>>) src(%dma_wait3A_507 : memref<1000x64xf32, #tpu.memory_space<vmem_shared>>) dst(%dma_wait3A_501 : memref<128x64xf32, #tpu.memory_space<vmem>>)
    %dma_wait3A_510 = arith.constant 0 : i32
    %dma_wait3A_511 = arith.constant 2 : i32
    %dma_wait3A_512 = arith.constant 2 : i32
    %dma_wait3A_513 = arith.constant 128 : i32
    %dma_wait3A_514 = arith.constant 0 : i32
    %dma_wait3A_515 = tpu.memref_slice %arg10[%dma_wait3A_511, %dma_wait3A_513, %dma_wait3A_514] : memref<3x256x32xf32, #tpu.memory_space<vmem>> -> memref<1x128x32xf32, #tpu.memory_space<vmem>>
    %dma_wait3A_516 = tpu.memref_squeeze %dma_wait3A_515 : memref<1x128x32xf32, #tpu.memory_space<vmem>> -> memref<128x32xf32, #tpu.memory_space<vmem>>
    %dma_wait3A_517 = arith.constant 0 : i32
    %dma_wait3A_518 = tpu.memref_slice %arg8[%dma_wait3A_510, %dma_wait3A_517] : memref<200x128xi32, #tpu.memory_space<vmem>> -> memref<1x128xi32, #tpu.memory_space<vmem>>
    %dma_wait3A_519 = tpu.memref_squeeze %dma_wait3A_518 : memref<1x128xi32, #tpu.memory_space<vmem>> -> memref<128xi32, #tpu.memory_space<vmem>>
    %dma_wait3A_520 = arith.constant 0 : i32
    %dma_wait3A_521 = arith.constant 0 : i32
    %dma_wait3A_522 = tpu.memref_slice %arg12[%dma_wait3A_520, %dma_wait3A_521] : memref<1000x32xf32, #tpu.memory_space<vmem_shared>> -> memref<1000x32xf32, #tpu.memory_space<vmem_shared>>
    %dma_wait3A_523 = tpu.memref_slice %arg13[%dma_wait3A_512] : memref<3x!tpu.dma_semaphore, #tpu.memory_space<semaphore_mem>> -> memref<1x!tpu.dma_semaphore, #tpu.memory_space<semaphore_mem>>
    %dma_wait3A_524 = tpu.memref_squeeze %dma_wait3A_523 : memref<1x!tpu.dma_semaphore, #tpu.memory_space<semaphore_mem>> -> memref<!tpu.dma_semaphore, #tpu.memory_space<semaphore_mem>>
    tpu.wait_indirect_dma semaphore(%dma_wait3A_524 : memref<!tpu.dma_semaphore, #tpu.memory_space<semaphore_mem>>) src(%dma_wait3A_522 : memref<1000x32xf32, #tpu.memory_space<vmem_shared>>) dst(%dma_wait3A_516 : memref<128x32xf32, #tpu.memory_space<vmem>>)
    %add3A_525 = arith.constant 512 : i32
    %add3A_526 = arith.addi %mul3A_2, %add3A_525 : i32
    %dma_start3A_527 = arith.constant 2 : i32
    %dma_start3A_528 = arith.constant 2 : i32
    %dma_start3A_529 = arith.constant 0 : i32
    %dma_start3A_530 = arith.constant 0 : i32
    %dma_start3A_531 = tpu.memref_slice %arg9[%dma_start3A_527, %dma_start3A_529, %dma_start3A_530] : memref<3x256x64xf32, #tpu.memory_space<vmem>> -> memref<1x256x64xf32, #tpu.memory_space<vmem>>
    %dma_start3A_532 = tpu.memref_squeeze %dma_start3A_531 : memref<1x256x64xf32, #tpu.memory_space<vmem>> -> memref<256x64xf32, #tpu.memory_space<vmem>>
    %dma_start3A_533 = arith.constant 0 : i32
    %dma_start3A_534 = tpu.memref_slice %arg6[%add3A_526, %dma_start3A_533] : memref<819200x128xf32, #tpu.memory_space<hbm>> -> memref<256x64xf32, #tpu.memory_space<hbm>>
    %dma_start3A_535 = tpu.memref_slice %arg14[%dma_start3A_528] : memref<3x!tpu.dma_semaphore, #tpu.memory_space<semaphore_mem>> -> memref<1x!tpu.dma_semaphore, #tpu.memory_space<semaphore_mem>>
    %dma_start3A_536 = tpu.memref_squeeze %dma_start3A_535 : memref<1x!tpu.dma_semaphore, #tpu.memory_space<semaphore_mem>> -> memref<!tpu.dma_semaphore, #tpu.memory_space<semaphore_mem>>
    %dma_start3A_537 = arith.constant 0 : i32
    %dma_start3A_538 = tpu.memref_slice %arg6[%add3A_526, %dma_start3A_537] : memref<819200x128xf32, #tpu.memory_space<hbm>> -> memref<256x64xf32, #tpu.memory_space<hbm>>
    %dma_start3A_539 = arith.constant 0 : i32
    %dma_start3A_540 = arith.constant 0 : i32
    %dma_start3A_541 = tpu.memref_slice %arg9[%dma_start3A_527, %dma_start3A_539, %dma_start3A_540] : memref<3x256x64xf32, #tpu.memory_space<vmem>> -> memref<1x256x64xf32, #tpu.memory_space<vmem>>
    %dma_start3A_542 = tpu.memref_squeeze %dma_start3A_541 : memref<1x256x64xf32, #tpu.memory_space<vmem>> -> memref<256x64xf32, #tpu.memory_space<vmem>>
    tpu.enqueue_dma source(%dma_start3A_542 : memref<256x64xf32, #tpu.memory_space<vmem>>) target(%dma_start3A_538 : memref<256x64xf32, #tpu.memory_space<hbm>>) target_semaphore(%dma_start3A_536 : memref<!tpu.dma_semaphore, #tpu.memory_space<semaphore_mem>>)
    %dma_start3A_543 = arith.constant 2 : i32
    %dma_start3A_544 = arith.constant 2 : i32
    %dma_start3A_545 = arith.constant 0 : i32
    %dma_start3A_546 = arith.constant 0 : i32
    %dma_start3A_547 = tpu.memref_slice %arg10[%dma_start3A_543, %dma_start3A_545, %dma_start3A_546] : memref<3x256x32xf32, #tpu.memory_space<vmem>> -> memref<1x256x32xf32, #tpu.memory_space<vmem>>
    %dma_start3A_548 = tpu.memref_squeeze %dma_start3A_547 : memref<1x256x32xf32, #tpu.memory_space<vmem>> -> memref<256x32xf32, #tpu.memory_space<vmem>>
    %dma_start3A_549 = arith.constant 64 : i32
    %dma_start3A_550 = tpu.memref_slice %arg6[%add3A_526, %dma_start3A_549] : memref<819200x128xf32, #tpu.memory_space<hbm>> -> memref<256x32xf32, #tpu.memory_space<hbm>>
    %dma_start3A_551 = tpu.memref_slice %arg14[%dma_start3A_544] : memref<3x!tpu.dma_semaphore, #tpu.memory_space<semaphore_mem>> -> memref<1x!tpu.dma_semaphore, #tpu.memory_space<semaphore_mem>>
    %dma_start3A_552 = tpu.memref_squeeze %dma_start3A_551 : memref<1x!tpu.dma_semaphore, #tpu.memory_space<semaphore_mem>> -> memref<!tpu.dma_semaphore, #tpu.memory_space<semaphore_mem>>
    %dma_start3A_553 = arith.constant 64 : i32
    %dma_start3A_554 = tpu.memref_slice %arg6[%add3A_526, %dma_start3A_553] : memref<819200x128xf32, #tpu.memory_space<hbm>> -> memref<256x32xf32, #tpu.memory_space<hbm>>
    %dma_start3A_555 = arith.constant 0 : i32
    %dma_start3A_556 = arith.constant 0 : i32
    %dma_start3A_557 = tpu.memref_slice %arg10[%dma_start3A_543, %dma_start3A_555, %dma_start3A_556] : memref<3x256x32xf32, #tpu.memory_space<vmem>> -> memref<1x256x32xf32, #tpu.memory_space<vmem>>
    %dma_start3A_558 = tpu.memref_squeeze %dma_start3A_557 : memref<1x256x32xf32, #tpu.memory_space<vmem>> -> memref<256x32xf32, #tpu.memory_space<vmem>>
    tpu.enqueue_dma source(%dma_start3A_558 : memref<256x32xf32, #tpu.memory_space<vmem>>) target(%dma_start3A_554 : memref<256x32xf32, #tpu.memory_space<hbm>>) target_semaphore(%dma_start3A_552 : memref<!tpu.dma_semaphore, #tpu.memory_space<semaphore_mem>>)
    %dma_wait3A_559 = arith.constant 1 : i32
    %dma_wait3A_560 = arith.constant 1 : i32
    %dma_wait3A_561 = arith.constant 0 : i32
    %dma_wait3A_562 = arith.constant 0 : i32
    %dma_wait3A_563 = tpu.memref_slice %arg9[%dma_wait3A_559, %dma_wait3A_561, %dma_wait3A_562] : memref<3x256x64xf32, #tpu.memory_space<vmem>> -> memref<1x256x64xf32, #tpu.memory_space<vmem>>
    %dma_wait3A_564 = tpu.memref_squeeze %dma_wait3A_563 : memref<1x256x64xf32, #tpu.memory_space<vmem>> -> memref<256x64xf32, #tpu.memory_space<vmem>>
    %dma_wait3A_565 = arith.constant 0 : i32
    %dma_wait3A_566 = tpu.memref_slice %arg6[%mul3A_2, %dma_wait3A_565] : memref<819200x128xf32, #tpu.memory_space<hbm>> -> memref<256x64xf32, #tpu.memory_space<hbm>>
    %dma_wait3A_567 = tpu.memref_slice %arg14[%dma_wait3A_560] : memref<3x!tpu.dma_semaphore, #tpu.memory_space<semaphore_mem>> -> memref<1x!tpu.dma_semaphore, #tpu.memory_space<semaphore_mem>>
    %dma_wait3A_568 = tpu.memref_squeeze %dma_wait3A_567 : memref<1x!tpu.dma_semaphore, #tpu.memory_space<semaphore_mem>> -> memref<!tpu.dma_semaphore, #tpu.memory_space<semaphore_mem>>
    %dma_wait3A_569 = arith.constant 0 : i32
    %dma_wait3A_570 = tpu.memref_slice %arg6[%mul3A_2, %dma_wait3A_569] : memref<819200x128xf32, #tpu.memory_space<hbm>> -> memref<256x64xf32, #tpu.memory_space<hbm>>
    %dma_wait3A_571 = arith.constant 0 : i32
    %dma_wait3A_572 = arith.constant 0 : i32
    %dma_wait3A_573 = tpu.memref_slice %arg9[%dma_wait3A_559, %dma_wait3A_571, %dma_wait3A_572] : memref<3x256x64xf32, #tpu.memory_space<vmem>> -> memref<1x256x64xf32, #tpu.memory_space<vmem>>
    %dma_wait3A_574 = tpu.memref_squeeze %dma_wait3A_573 : memref<1x256x64xf32, #tpu.memory_space<vmem>> -> memref<256x64xf32, #tpu.memory_space<vmem>>
    tpu.wait_dma2 semaphore(%dma_wait3A_568 : memref<!tpu.dma_semaphore, #tpu.memory_space<semaphore_mem>>) src(%dma_wait3A_574 : memref<256x64xf32, #tpu.memory_space<vmem>>) dst(%dma_wait3A_570 : memref<256x64xf32, #tpu.memory_space<hbm>>)
    %dma_wait3A_575 = arith.constant 1 : i32
    %dma_wait3A_576 = arith.constant 1 : i32
    %dma_wait3A_577 = arith.constant 0 : i32
    %dma_wait3A_578 = arith.constant 0 : i32
    %dma_wait3A_579 = tpu.memref_slice %arg10[%dma_wait3A_575, %dma_wait3A_577, %dma_wait3A_578] : memref<3x256x32xf32, #tpu.memory_space<vmem>> -> memref<1x256x32xf32, #tpu.memory_space<vmem>>
    %dma_wait3A_580 = tpu.memref_squeeze %dma_wait3A_579 : memref<1x256x32xf32, #tpu.memory_space<vmem>> -> memref<256x32xf32, #tpu.memory_space<vmem>>
    %dma_wait3A_581 = arith.constant 64 : i32
    %dma_wait3A_582 = tpu.memref_slice %arg6[%mul3A_2, %dma_wait3A_581] : memref<819200x128xf32, #tpu.memory_space<hbm>> -> memref<256x32xf32, #tpu.memory_space<hbm>>
    %dma_wait3A_583 = tpu.memref_slice %arg14[%dma_wait3A_576] : memref<3x!tpu.dma_semaphore, #tpu.memory_space<semaphore_mem>> -> memref<1x!tpu.dma_semaphore, #tpu.memory_space<semaphore_mem>>
    %dma_wait3A_584 = tpu.memref_squeeze %dma_wait3A_583 : memref<1x!tpu.dma_semaphore, #tpu.memory_space<semaphore_mem>> -> memref<!tpu.dma_semaphore, #tpu.memory_space<semaphore_mem>>
    %dma_wait3A_585 = arith.constant 64 : i32
    %dma_wait3A_586 = tpu.memref_slice %arg6[%mul3A_2, %dma_wait3A_585] : memref<819200x128xf32, #tpu.memory_space<hbm>> -> memref<256x32xf32, #tpu.memory_space<hbm>>
    %dma_wait3A_587 = arith.constant 0 : i32
    %dma_wait3A_588 = arith.constant 0 : i32
    %dma_wait3A_589 = tpu.memref_slice %arg10[%dma_wait3A_575, %dma_wait3A_587, %dma_wait3A_588] : memref<3x256x32xf32, #tpu.memory_space<vmem>> -> memref<1x256x32xf32, #tpu.memory_space<vmem>>
    %dma_wait3A_590 = tpu.memref_squeeze %dma_wait3A_589 : memref<1x256x32xf32, #tpu.memory_space<vmem>> -> memref<256x32xf32, #tpu.memory_space<vmem>>
    tpu.wait_dma2 semaphore(%dma_wait3A_584 : memref<!tpu.dma_semaphore, #tpu.memory_space<semaphore_mem>>) src(%dma_wait3A_590 : memref<256x32xf32, #tpu.memory_space<vmem>>) dst(%dma_wait3A_586 : memref<256x32xf32, #tpu.memory_space<hbm>>)
    %dma_start3A_591 = arith.constant 8 : i32
    %dma_start3A_592 = arith.constant 1 : i32
    %dma_start3A_593 = arith.constant 1 : i32
    %dma_start3A_594 = arith.constant 0 : i32
    %dma_start3A_595 = arith.constant 0 : i32
    %dma_start3A_596 = tpu.memref_slice %arg9[%dma_start3A_592, %dma_start3A_594, %dma_start3A_595] : memref<3x256x64xf32, #tpu.memory_space<vmem>> -> memref<1x128x64xf32, #tpu.memory_space<vmem>>
    %dma_start3A_597 = tpu.memref_squeeze %dma_start3A_596 : memref<1x128x64xf32, #tpu.memory_space<vmem>> -> memref<128x64xf32, #tpu.memory_space<vmem>>
    %dma_start3A_598 = arith.constant 0 : i32
    %dma_start3A_599 = tpu.memref_slice %arg7[%dma_start3A_591, %dma_start3A_598] : memref<200x128xi32, #tpu.memory_space<vmem>> -> memref<1x128xi32, #tpu.memory_space<vmem>>
    %dma_start3A_600 = tpu.memref_squeeze %dma_start3A_599 : memref<1x128xi32, #tpu.memory_space<vmem>> -> memref<128xi32, #tpu.memory_space<vmem>>
    %dma_start3A_601 = arith.constant 0 : i32
    %dma_start3A_602 = arith.constant 0 : i32
    %dma_start3A_603 = tpu.memref_slice %arg11[%dma_start3A_601, %dma_start3A_602] : memref<1000x64xf32, #tpu.memory_space<vmem_shared>> -> memref<1000x64xf32, #tpu.memory_space<vmem_shared>>
    %dma_start3A_604 = tpu.memref_slice %arg13[%dma_start3A_593] : memref<3x!tpu.dma_semaphore, #tpu.memory_space<semaphore_mem>> -> memref<1x!tpu.dma_semaphore, #tpu.memory_space<semaphore_mem>>
    %dma_start3A_605 = tpu.memref_squeeze %dma_start3A_604 : memref<1x!tpu.dma_semaphore, #tpu.memory_space<semaphore_mem>> -> memref<!tpu.dma_semaphore, #tpu.memory_space<semaphore_mem>>
    tpu.enqueue_indirect_dma source(%dma_start3A_603 : memref<1000x64xf32, #tpu.memory_space<vmem_shared>>) target(%dma_start3A_597 : memref<128x64xf32, #tpu.memory_space<vmem>>) offsets(%dma_start3A_600 : memref<128xi32, #tpu.memory_space<vmem>>) semaphore(%dma_start3A_605 : memref<!tpu.dma_semaphore, #tpu.memory_space<semaphore_mem>>)
    %dma_start3A_606 = arith.constant 8 : i32
    %dma_start3A_607 = arith.constant 1 : i32
    %dma_start3A_608 = arith.constant 1 : i32
    %dma_start3A_609 = arith.constant 0 : i32
    %dma_start3A_610 = arith.constant 0 : i32
    %dma_start3A_611 = tpu.memref_slice %arg10[%dma_start3A_607, %dma_start3A_609, %dma_start3A_610] : memref<3x256x32xf32, #tpu.memory_space<vmem>> -> memref<1x128x32xf32, #tpu.memory_space<vmem>>
    %dma_start3A_612 = tpu.memref_squeeze %dma_start3A_611 : memref<1x128x32xf32, #tpu.memory_space<vmem>> -> memref<128x32xf32, #tpu.memory_space<vmem>>
    %dma_start3A_613 = arith.constant 0 : i32
    %dma_start3A_614 = tpu.memref_slice %arg8[%dma_start3A_606, %dma_start3A_613] : memref<200x128xi32, #tpu.memory_space<vmem>> -> memref<1x128xi32, #tpu.memory_space<vmem>>
    %dma_start3A_615 = tpu.memref_squeeze %dma_start3A_614 : memref<1x128xi32, #tpu.memory_space<vmem>> -> memref<128xi32, #tpu.memory_space<vmem>>
    %dma_start3A_616 = arith.constant 0 : i32
    %dma_start3A_617 = arith.constant 0 : i32
    %dma_start3A_618 = tpu.memref_slice %arg12[%dma_start3A_616, %dma_start3A_617] : memref<1000x32xf32, #tpu.memory_space<vmem_shared>> -> memref<1000x32xf32, #tpu.memory_space<vmem_shared>>
    %dma_start3A_619 = tpu.memref_slice %arg13[%dma_start3A_608] : memref<3x!tpu.dma_semaphore, #tpu.memory_space<semaphore_mem>> -> memref<1x!tpu.dma_semaphore, #tpu.memory_space<semaphore_mem>>
    %dma_start3A_620 = tpu.memref_squeeze %dma_start3A_619 : memref<1x!tpu.dma_semaphore, #tpu.memory_space<semaphore_mem>> -> memref<!tpu.dma_semaphore, #tpu.memory_space<semaphore_mem>>
    tpu.enqueue_indirect_dma source(%dma_start3A_618 : memref<1000x32xf32, #tpu.memory_space<vmem_shared>>) target(%dma_start3A_612 : memref<128x32xf32, #tpu.memory_space<vmem>>) offsets(%dma_start3A_615 : memref<128xi32, #tpu.memory_space<vmem>>) semaphore(%dma_start3A_620 : memref<!tpu.dma_semaphore, #tpu.memory_space<semaphore_mem>>)
    %dma_start3A_621 = arith.constant 9 : i32
    %dma_start3A_622 = arith.constant 1 : i32
    %dma_start3A_623 = arith.constant 1 : i32
    %dma_start3A_624 = arith.constant 128 : i32
    %dma_start3A_625 = arith.constant 0 : i32
    %dma_start3A_626 = tpu.memref_slice %arg9[%dma_start3A_622, %dma_start3A_624, %dma_start3A_625] : memref<3x256x64xf32, #tpu.memory_space<vmem>> -> memref<1x128x64xf32, #tpu.memory_space<vmem>>
    %dma_start3A_627 = tpu.memref_squeeze %dma_start3A_626 : memref<1x128x64xf32, #tpu.memory_space<vmem>> -> memref<128x64xf32, #tpu.memory_space<vmem>>
    %dma_start3A_628 = arith.constant 0 : i32
    %dma_start3A_629 = tpu.memref_slice %arg7[%dma_start3A_621, %dma_start3A_628] : memref<200x128xi32, #tpu.memory_space<vmem>> -> memref<1x128xi32, #tpu.memory_space<vmem>>
    %dma_start3A_630 = tpu.memref_squeeze %dma_start3A_629 : memref<1x128xi32, #tpu.memory_space<vmem>> -> memref<128xi32, #tpu.memory_space<vmem>>
    %dma_start3A_631 = arith.constant 0 : i32
    %dma_start3A_632 = arith.constant 0 : i32
    %dma_start3A_633 = tpu.memref_slice %arg11[%dma_start3A_631, %dma_start3A_632] : memref<1000x64xf32, #tpu.memory_space<vmem_shared>> -> memref<1000x64xf32, #tpu.memory_space<vmem_shared>>
    %dma_start3A_634 = tpu.memref_slice %arg13[%dma_start3A_623] : memref<3x!tpu.dma_semaphore, #tpu.memory_space<semaphore_mem>> -> memref<1x!tpu.dma_semaphore, #tpu.memory_space<semaphore_mem>>
    %dma_start3A_635 = tpu.memref_squeeze %dma_start3A_634 : memref<1x!tpu.dma_semaphore, #tpu.memory_space<semaphore_mem>> -> memref<!tpu.dma_semaphore, #tpu.memory_space<semaphore_mem>>
    tpu.enqueue_indirect_dma source(%dma_start3A_633 : memref<1000x64xf32, #tpu.memory_space<vmem_shared>>) target(%dma_start3A_627 : memref<128x64xf32, #tpu.memory_space<vmem>>) offsets(%dma_start3A_630 : memref<128xi32, #tpu.memory_space<vmem>>) semaphore(%dma_start3A_635 : memref<!tpu.dma_semaphore, #tpu.memory_space<semaphore_mem>>)
    %dma_start3A_636 = arith.constant 9 : i32
    %dma_start3A_637 = arith.constant 1 : i32
    %dma_start3A_638 = arith.constant 1 : i32
    %dma_start3A_639 = arith.constant 128 : i32
    %dma_start3A_640 = arith.constant 0 : i32
    %dma_start3A_641 = tpu.memref_slice %arg10[%dma_start3A_637, %dma_start3A_639, %dma_start3A_640] : memref<3x256x32xf32, #tpu.memory_space<vmem>> -> memref<1x128x32xf32, #tpu.memory_space<vmem>>
    %dma_start3A_642 = tpu.memref_squeeze %dma_start3A_641 : memref<1x128x32xf32, #tpu.memory_space<vmem>> -> memref<128x32xf32, #tpu.memory_space<vmem>>
    %dma_start3A_643 = arith.constant 0 : i32
    %dma_start3A_644 = tpu.memref_slice %arg8[%dma_start3A_636, %dma_start3A_643] : memref<200x128xi32, #tpu.memory_space<vmem>> -> memref<1x128xi32, #tpu.memory_space<vmem>>
    %dma_start3A_645 = tpu.memref_squeeze %dma_start3A_644 : memref<1x128xi32, #tpu.memory_space<vmem>> -> memref<128xi32, #tpu.memory_space<vmem>>
    %dma_start3A_646 = arith.constant 0 : i32
    %dma_start3A_647 = arith.constant 0 : i32
    %dma_start3A_648 = tpu.memref_slice %arg12[%dma_start3A_646, %dma_start3A_647] : memref<1000x32xf32, #tpu.memory_space<vmem_shared>> -> memref<1000x32xf32, #tpu.memory_space<vmem_shared>>
    %dma_start3A_649 = tpu.memref_slice %arg13[%dma_start3A_638] : memref<3x!tpu.dma_semaphore, #tpu.memory_space<semaphore_mem>> -> memref<1x!tpu.dma_semaphore, #tpu.memory_space<semaphore_mem>>
    %dma_start3A_650 = tpu.memref_squeeze %dma_start3A_649 : memref<1x!tpu.dma_semaphore, #tpu.memory_space<semaphore_mem>> -> memref<!tpu.dma_semaphore, #tpu.memory_space<semaphore_mem>>
    tpu.enqueue_indirect_dma source(%dma_start3A_648 : memref<1000x32xf32, #tpu.memory_space<vmem_shared>>) target(%dma_start3A_642 : memref<128x32xf32, #tpu.memory_space<vmem>>) offsets(%dma_start3A_645 : memref<128xi32, #tpu.memory_space<vmem>>) semaphore(%dma_start3A_650 : memref<!tpu.dma_semaphore, #tpu.memory_space<semaphore_mem>>)
    %scan3A = arith.constant 0 : i32
    %scan3A_651 = arith.constant 31 : i32
    %scan3A_652 = arith.addi %scan3A, %scan3A_651 : i32
    %scan3A_653 = arith.constant 1 : i32
    scf.for %scan3A_1311 = %scan3A to %scan3A_652 step %scan3A_653  : i32 {
      %mul3A_1312 = arith.constant 3 : i32
      %mul3A_1313 = arith.muli %scan3A_1311, %mul3A_1312 : i32
      %add3A_1314 = arith.constant 3 : i32
      %add3A_1315 = arith.addi %add3A_1314, %mul3A_1313 : i32
      %add3A_1316 = arith.constant 0 : i32
      %add3A_1317 = arith.addi %add3A_1315, %add3A_1316 : i32
      %dma_wait3A_1318 = arith.constant 0 : i32
      %dma_wait3A_1319 = arith.constant 0 : i32
      %dma_wait3A_1320 = arith.constant 0 : i32
      %dma_wait3A_1321 = arith.constant 0 : i32
      %dma_wait3A_1322 = arith.constant 0 : i32
      %dma_wait3A_1323 = tpu.memref_slice %arg9[%dma_wait3A_1319, %dma_wait3A_1321, %dma_wait3A_1322] : memref<3x256x64xf32, #tpu.memory_space<vmem>> -> memref<1x128x64xf32, #tpu.memory_space<vmem>>
      %dma_wait3A_1324 = tpu.memref_squeeze %dma_wait3A_1323 : memref<1x128x64xf32, #tpu.memory_space<vmem>> -> memref<128x64xf32, #tpu.memory_space<vmem>>
      %dma_wait3A_1325 = arith.constant 0 : i32
      %dma_wait3A_1326 = tpu.memref_slice %arg7[%dma_wait3A_1318, %dma_wait3A_1325] : memref<200x128xi32, #tpu.memory_space<vmem>> -> memref<1x128xi32, #tpu.memory_space<vmem>>
      %dma_wait3A_1327 = tpu.memref_squeeze %dma_wait3A_1326 : memref<1x128xi32, #tpu.memory_space<vmem>> -> memref<128xi32, #tpu.memory_space<vmem>>
      %dma_wait3A_1328 = arith.constant 0 : i32
      %dma_wait3A_1329 = arith.constant 0 : i32
      %dma_wait3A_1330 = tpu.memref_slice %arg11[%dma_wait3A_1328, %dma_wait3A_1329] : memref<1000x64xf32, #tpu.memory_space<vmem_shared>> -> memref<1000x64xf32, #tpu.memory_space<vmem_shared>>
      %dma_wait3A_1331 = tpu.memref_slice %arg13[%dma_wait3A_1320] : memref<3x!tpu.dma_semaphore, #tpu.memory_space<semaphore_mem>> -> memref<1x!tpu.dma_semaphore, #tpu.memory_space<semaphore_mem>>
      %dma_wait3A_1332 = tpu.memref_squeeze %dma_wait3A_1331 : memref<1x!tpu.dma_semaphore, #tpu.memory_space<semaphore_mem>> -> memref<!tpu.dma_semaphore, #tpu.memory_space<semaphore_mem>>
      tpu.wait_indirect_dma semaphore(%dma_wait3A_1332 : memref<!tpu.dma_semaphore, #tpu.memory_space<semaphore_mem>>) src(%dma_wait3A_1330 : memref<1000x64xf32, #tpu.memory_space<vmem_shared>>) dst(%dma_wait3A_1324 : memref<128x64xf32, #tpu.memory_space<vmem>>)
      %dma_wait3A_1333 = arith.constant 0 : i32
      %dma_wait3A_1334 = arith.constant 0 : i32
      %dma_wait3A_1335 = arith.constant 0 : i32
      %dma_wait3A_1336 = arith.constant 0 : i32
      %dma_wait3A_1337 = arith.constant 0 : i32
      %dma_wait3A_1338 = tpu.memref_slice %arg10[%dma_wait3A_1334, %dma_wait3A_1336, %dma_wait3A_1337] : memref<3x256x32xf32, #tpu.memory_space<vmem>> -> memref<1x128x32xf32, #tpu.memory_space<vmem>>
      %dma_wait3A_1339 = tpu.memref_squeeze %dma_wait3A_1338 : memref<1x128x32xf32, #tpu.memory_space<vmem>> -> memref<128x32xf32, #tpu.memory_space<vmem>>
      %dma_wait3A_1340 = arith.constant 0 : i32
      %dma_wait3A_1341 = tpu.memref_slice %arg8[%dma_wait3A_1333, %dma_wait3A_1340] : memref<200x128xi32, #tpu.memory_space<vmem>> -> memref<1x128xi32, #tpu.memory_space<vmem>>
      %dma_wait3A_1342 = tpu.memref_squeeze %dma_wait3A_1341 : memref<1x128xi32, #tpu.memory_space<vmem>> -> memref<128xi32, #tpu.memory_space<vmem>>
      %dma_wait3A_1343 = arith.constant 0 : i32
      %dma_wait3A_1344 = arith.constant 0 : i32
      %dma_wait3A_1345 = tpu.memref_slice %arg12[%dma_wait3A_1343, %dma_wait3A_1344] : memref<1000x32xf32, #tpu.memory_space<vmem_shared>> -> memref<1000x32xf32, #tpu.memory_space<vmem_shared>>
      %dma_wait3A_1346 = tpu.memref_slice %arg13[%dma_wait3A_1335] : memref<3x!tpu.dma_semaphore, #tpu.memory_space<semaphore_mem>> -> memref<1x!tpu.dma_semaphore, #tpu.memory_space<semaphore_mem>>
      %dma_wait3A_1347 = tpu.memref_squeeze %dma_wait3A_1346 : memref<1x!tpu.dma_semaphore, #tpu.memory_space<semaphore_mem>> -> memref<!tpu.dma_semaphore, #tpu.memory_space<semaphore_mem>>
      tpu.wait_indirect_dma semaphore(%dma_wait3A_1347 : memref<!tpu.dma_semaphore, #tpu.memory_space<semaphore_mem>>) src(%dma_wait3A_1345 : memref<1000x32xf32, #tpu.memory_space<vmem_shared>>) dst(%dma_wait3A_1339 : memref<128x32xf32, #tpu.memory_space<vmem>>)
      %dma_wait3A_1348 = arith.constant 0 : i32
      %dma_wait3A_1349 = arith.constant 0 : i32
      %dma_wait3A_1350 = arith.constant 0 : i32
      %dma_wait3A_1351 = arith.constant 128 : i32
      %dma_wait3A_1352 = arith.constant 0 : i32
      %dma_wait3A_1353 = tpu.memref_slice %arg9[%dma_wait3A_1349, %dma_wait3A_1351, %dma_wait3A_1352] : memref<3x256x64xf32, #tpu.memory_space<vmem>> -> memref<1x128x64xf32, #tpu.memory_space<vmem>>
      %dma_wait3A_1354 = tpu.memref_squeeze %dma_wait3A_1353 : memref<1x128x64xf32, #tpu.memory_space<vmem>> -> memref<128x64xf32, #tpu.memory_space<vmem>>
      %dma_wait3A_1355 = arith.constant 0 : i32
      %dma_wait3A_1356 = tpu.memref_slice %arg7[%dma_wait3A_1348, %dma_wait3A_1355] : memref<200x128xi32, #tpu.memory_space<vmem>> -> memref<1x128xi32, #tpu.memory_space<vmem>>
      %dma_wait3A_1357 = tpu.memref_squeeze %dma_wait3A_1356 : memref<1x128xi32, #tpu.memory_space<vmem>> -> memref<128xi32, #tpu.memory_space<vmem>>
      %dma_wait3A_1358 = arith.constant 0 : i32
      %dma_wait3A_1359 = arith.constant 0 : i32
      %dma_wait3A_1360 = tpu.memref_slice %arg11[%dma_wait3A_1358, %dma_wait3A_1359] : memref<1000x64xf32, #tpu.memory_space<vmem_shared>> -> memref<1000x64xf32, #tpu.memory_space<vmem_shared>>
      %dma_wait3A_1361 = tpu.memref_slice %arg13[%dma_wait3A_1350] : memref<3x!tpu.dma_semaphore, #tpu.memory_space<semaphore_mem>> -> memref<1x!tpu.dma_semaphore, #tpu.memory_space<semaphore_mem>>
      %dma_wait3A_1362 = tpu.memref_squeeze %dma_wait3A_1361 : memref<1x!tpu.dma_semaphore, #tpu.memory_space<semaphore_mem>> -> memref<!tpu.dma_semaphore, #tpu.memory_space<semaphore_mem>>
      tpu.wait_indirect_dma semaphore(%dma_wait3A_1362 : memref<!tpu.dma_semaphore, #tpu.memory_space<semaphore_mem>>) src(%dma_wait3A_1360 : memref<1000x64xf32, #tpu.memory_space<vmem_shared>>) dst(%dma_wait3A_1354 : memref<128x64xf32, #tpu.memory_space<vmem>>)
      %dma_wait3A_1363 = arith.constant 0 : i32
      %dma_wait3A_1364 = arith.constant 0 : i32
      %dma_wait3A_1365 = arith.constant 0 : i32
      %dma_wait3A_1366 = arith.constant 128 : i32
      %dma_wait3A_1367 = arith.constant 0 : i32
      %dma_wait3A_1368 = tpu.memref_slice %arg10[%dma_wait3A_1364, %dma_wait3A_1366, %dma_wait3A_1367] : memref<3x256x32xf32, #tpu.memory_space<vmem>> -> memref<1x128x32xf32, #tpu.memory_space<vmem>>
      %dma_wait3A_1369 = tpu.memref_squeeze %dma_wait3A_1368 : memref<1x128x32xf32, #tpu.memory_space<vmem>> -> memref<128x32xf32, #tpu.memory_space<vmem>>
      %dma_wait3A_1370 = arith.constant 0 : i32
      %dma_wait3A_1371 = tpu.memref_slice %arg8[%dma_wait3A_1363, %dma_wait3A_1370] : memref<200x128xi32, #tpu.memory_space<vmem>> -> memref<1x128xi32, #tpu.memory_space<vmem>>
      %dma_wait3A_1372 = tpu.memref_squeeze %dma_wait3A_1371 : memref<1x128xi32, #tpu.memory_space<vmem>> -> memref<128xi32, #tpu.memory_space<vmem>>
      %dma_wait3A_1373 = arith.constant 0 : i32
      %dma_wait3A_1374 = arith.constant 0 : i32
      %dma_wait3A_1375 = tpu.memref_slice %arg12[%dma_wait3A_1373, %dma_wait3A_1374] : memref<1000x32xf32, #tpu.memory_space<vmem_shared>> -> memref<1000x32xf32, #tpu.memory_space<vmem_shared>>
      %dma_wait3A_1376 = tpu.memref_slice %arg13[%dma_wait3A_1365] : memref<3x!tpu.dma_semaphore, #tpu.memory_space<semaphore_mem>> -> memref<1x!tpu.dma_semaphore, #tpu.memory_space<semaphore_mem>>
      %dma_wait3A_1377 = tpu.memref_squeeze %dma_wait3A_1376 : memref<1x!tpu.dma_semaphore, #tpu.memory_space<semaphore_mem>> -> memref<!tpu.dma_semaphore, #tpu.memory_space<semaphore_mem>>
      tpu.wait_indirect_dma semaphore(%dma_wait3A_1377 : memref<!tpu.dma_semaphore, #tpu.memory_space<semaphore_mem>>) src(%dma_wait3A_1375 : memref<1000x32xf32, #tpu.memory_space<vmem_shared>>) dst(%dma_wait3A_1369 : memref<128x32xf32, #tpu.memory_space<vmem>>)
      %mul3A_1378 = arith.constant 256 : i32
      %mul3A_1379 = arith.muli %add3A_1317, %mul3A_1378 : i32
      %add3A_1380 = arith.addi %mul3A_2, %mul3A_1379 : i32
      %dma_start3A_1381 = arith.constant 0 : i32
      %dma_start3A_1382 = arith.constant 0 : i32
      %dma_start3A_1383 = arith.constant 0 : i32
      %dma_start3A_1384 = arith.constant 0 : i32
      %dma_start3A_1385 = tpu.memref_slice %arg9[%dma_start3A_1381, %dma_start3A_1383, %dma_start3A_1384] : memref<3x256x64xf32, #tpu.memory_space<vmem>> -> memref<1x256x64xf32, #tpu.memory_space<vmem>>
      %dma_start3A_1386 = tpu.memref_squeeze %dma_start3A_1385 : memref<1x256x64xf32, #tpu.memory_space<vmem>> -> memref<256x64xf32, #tpu.memory_space<vmem>>
      %dma_start3A_1387 = arith.constant 0 : i32
      %dma_start3A_1388 = tpu.memref_slice %arg6[%add3A_1380, %dma_start3A_1387] : memref<819200x128xf32, #tpu.memory_space<hbm>> -> memref<256x64xf32, #tpu.memory_space<hbm>>
      %dma_start3A_1389 = tpu.memref_slice %arg14[%dma_start3A_1382] : memref<3x!tpu.dma_semaphore, #tpu.memory_space<semaphore_mem>> -> memref<1x!tpu.dma_semaphore, #tpu.memory_space<semaphore_mem>>
      %dma_start3A_1390 = tpu.memref_squeeze %dma_start3A_1389 : memref<1x!tpu.dma_semaphore, #tpu.memory_space<semaphore_mem>> -> memref<!tpu.dma_semaphore, #tpu.memory_space<semaphore_mem>>
      %dma_start3A_1391 = arith.constant 0 : i32
      %dma_start3A_1392 = tpu.memref_slice %arg6[%add3A_1380, %dma_start3A_1391] : memref<819200x128xf32, #tpu.memory_space<hbm>> -> memref<256x64xf32, #tpu.memory_space<hbm>>
      %dma_start3A_1393 = arith.constant 0 : i32
      %dma_start3A_1394 = arith.constant 0 : i32
      %dma_start3A_1395 = tpu.memref_slice %arg9[%dma_start3A_1381, %dma_start3A_1393, %dma_start3A_1394] : memref<3x256x64xf32, #tpu.memory_space<vmem>> -> memref<1x256x64xf32, #tpu.memory_space<vmem>>
      %dma_start3A_1396 = tpu.memref_squeeze %dma_start3A_1395 : memref<1x256x64xf32, #tpu.memory_space<vmem>> -> memref<256x64xf32, #tpu.memory_space<vmem>>
      tpu.enqueue_dma source(%dma_start3A_1396 : memref<256x64xf32, #tpu.memory_space<vmem>>) target(%dma_start3A_1392 : memref<256x64xf32, #tpu.memory_space<hbm>>) target_semaphore(%dma_start3A_1390 : memref<!tpu.dma_semaphore, #tpu.memory_space<semaphore_mem>>)
      %dma_start3A_1397 = arith.constant 0 : i32
      %dma_start3A_1398 = arith.constant 0 : i32
      %dma_start3A_1399 = arith.constant 0 : i32
      %dma_start3A_1400 = arith.constant 0 : i32
      %dma_start3A_1401 = tpu.memref_slice %arg10[%dma_start3A_1397, %dma_start3A_1399, %dma_start3A_1400] : memref<3x256x32xf32, #tpu.memory_space<vmem>> -> memref<1x256x32xf32, #tpu.memory_space<vmem>>
      %dma_start3A_1402 = tpu.memref_squeeze %dma_start3A_1401 : memref<1x256x32xf32, #tpu.memory_space<vmem>> -> memref<256x32xf32, #tpu.memory_space<vmem>>
      %dma_start3A_1403 = arith.constant 64 : i32
      %dma_start3A_1404 = tpu.memref_slice %arg6[%add3A_1380, %dma_start3A_1403] : memref<819200x128xf32, #tpu.memory_space<hbm>> -> memref<256x32xf32, #tpu.memory_space<hbm>>
      %dma_start3A_1405 = tpu.memref_slice %arg14[%dma_start3A_1398] : memref<3x!tpu.dma_semaphore, #tpu.memory_space<semaphore_mem>> -> memref<1x!tpu.dma_semaphore, #tpu.memory_space<semaphore_mem>>
      %dma_start3A_1406 = tpu.memref_squeeze %dma_start3A_1405 : memref<1x!tpu.dma_semaphore, #tpu.memory_space<semaphore_mem>> -> memref<!tpu.dma_semaphore, #tpu.memory_space<semaphore_mem>>
      %dma_start3A_1407 = arith.constant 64 : i32
      %dma_start3A_1408 = tpu.memref_slice %arg6[%add3A_1380, %dma_start3A_1407] : memref<819200x128xf32, #tpu.memory_space<hbm>> -> memref<256x32xf32, #tpu.memory_space<hbm>>
      %dma_start3A_1409 = arith.constant 0 : i32
      %dma_start3A_1410 = arith.constant 0 : i32
      %dma_start3A_1411 = tpu.memref_slice %arg10[%dma_start3A_1397, %dma_start3A_1409, %dma_start3A_1410] : memref<3x256x32xf32, #tpu.memory_space<vmem>> -> memref<1x256x32xf32, #tpu.memory_space<vmem>>
      %dma_start3A_1412 = tpu.memref_squeeze %dma_start3A_1411 : memref<1x256x32xf32, #tpu.memory_space<vmem>> -> memref<256x32xf32, #tpu.memory_space<vmem>>
      tpu.enqueue_dma source(%dma_start3A_1412 : memref<256x32xf32, #tpu.memory_space<vmem>>) target(%dma_start3A_1408 : memref<256x32xf32, #tpu.memory_space<hbm>>) target_semaphore(%dma_start3A_1406 : memref<!tpu.dma_semaphore, #tpu.memory_space<semaphore_mem>>)
      %dma_wait3A_1413 = arith.constant 2 : i32
      %dma_wait3A_1414 = arith.constant 2 : i32
      %dma_wait3A_1415 = arith.constant 0 : i32
      %dma_wait3A_1416 = arith.constant 0 : i32
      %dma_wait3A_1417 = tpu.memref_slice %arg9[%dma_wait3A_1413, %dma_wait3A_1415, %dma_wait3A_1416] : memref<3x256x64xf32, #tpu.memory_space<vmem>> -> memref<1x256x64xf32, #tpu.memory_space<vmem>>
      %dma_wait3A_1418 = tpu.memref_squeeze %dma_wait3A_1417 : memref<1x256x64xf32, #tpu.memory_space<vmem>> -> memref<256x64xf32, #tpu.memory_space<vmem>>
      %dma_wait3A_1419 = arith.constant 0 : i32
      %dma_wait3A_1420 = tpu.memref_slice %arg6[%mul3A_2, %dma_wait3A_1419] : memref<819200x128xf32, #tpu.memory_space<hbm>> -> memref<256x64xf32, #tpu.memory_space<hbm>>
      %dma_wait3A_1421 = tpu.memref_slice %arg14[%dma_wait3A_1414] : memref<3x!tpu.dma_semaphore, #tpu.memory_space<semaphore_mem>> -> memref<1x!tpu.dma_semaphore, #tpu.memory_space<semaphore_mem>>
      %dma_wait3A_1422 = tpu.memref_squeeze %dma_wait3A_1421 : memref<1x!tpu.dma_semaphore, #tpu.memory_space<semaphore_mem>> -> memref<!tpu.dma_semaphore, #tpu.memory_space<semaphore_mem>>
      %dma_wait3A_1423 = arith.constant 0 : i32
      %dma_wait3A_1424 = tpu.memref_slice %arg6[%mul3A_2, %dma_wait3A_1423] : memref<819200x128xf32, #tpu.memory_space<hbm>> -> memref<256x64xf32, #tpu.memory_space<hbm>>
      %dma_wait3A_1425 = arith.constant 0 : i32
      %dma_wait3A_1426 = arith.constant 0 : i32
      %dma_wait3A_1427 = tpu.memref_slice %arg9[%dma_wait3A_1413, %dma_wait3A_1425, %dma_wait3A_1426] : memref<3x256x64xf32, #tpu.memory_space<vmem>> -> memref<1x256x64xf32, #tpu.memory_space<vmem>>
      %dma_wait3A_1428 = tpu.memref_squeeze %dma_wait3A_1427 : memref<1x256x64xf32, #tpu.memory_space<vmem>> -> memref<256x64xf32, #tpu.memory_space<vmem>>
      tpu.wait_dma2 semaphore(%dma_wait3A_1422 : memref<!tpu.dma_semaphore, #tpu.memory_space<semaphore_mem>>) src(%dma_wait3A_1428 : memref<256x64xf32, #tpu.memory_space<vmem>>) dst(%dma_wait3A_1424 : memref<256x64xf32, #tpu.memory_space<hbm>>)
      %dma_wait3A_1429 = arith.constant 2 : i32
      %dma_wait3A_1430 = arith.constant 2 : i32
      %dma_wait3A_1431 = arith.constant 0 : i32
      %dma_wait3A_1432 = arith.constant 0 : i32
      %dma_wait3A_1433 = tpu.memref_slice %arg10[%dma_wait3A_1429, %dma_wait3A_1431, %dma_wait3A_1432] : memref<3x256x32xf32, #tpu.memory_space<vmem>> -> memref<1x256x32xf32, #tpu.memory_space<vmem>>
      %dma_wait3A_1434 = tpu.memref_squeeze %dma_wait3A_1433 : memref<1x256x32xf32, #tpu.memory_space<vmem>> -> memref<256x32xf32, #tpu.memory_space<vmem>>
      %dma_wait3A_1435 = arith.constant 64 : i32
      %dma_wait3A_1436 = tpu.memref_slice %arg6[%mul3A_2, %dma_wait3A_1435] : memref<819200x128xf32, #tpu.memory_space<hbm>> -> memref<256x32xf32, #tpu.memory_space<hbm>>
      %dma_wait3A_1437 = tpu.memref_slice %arg14[%dma_wait3A_1430] : memref<3x!tpu.dma_semaphore, #tpu.memory_space<semaphore_mem>> -> memref<1x!tpu.dma_semaphore, #tpu.memory_space<semaphore_mem>>
      %dma_wait3A_1438 = tpu.memref_squeeze %dma_wait3A_1437 : memref<1x!tpu.dma_semaphore, #tpu.memory_space<semaphore_mem>> -> memref<!tpu.dma_semaphore, #tpu.memory_space<semaphore_mem>>
      %dma_wait3A_1439 = arith.constant 64 : i32
      %dma_wait3A_1440 = tpu.memref_slice %arg6[%mul3A_2, %dma_wait3A_1439] : memref<819200x128xf32, #tpu.memory_space<hbm>> -> memref<256x32xf32, #tpu.memory_space<hbm>>
      %dma_wait3A_1441 = arith.constant 0 : i32
      %dma_wait3A_1442 = arith.constant 0 : i32
      %dma_wait3A_1443 = tpu.memref_slice %arg10[%dma_wait3A_1429, %dma_wait3A_1441, %dma_wait3A_1442] : memref<3x256x32xf32, #tpu.memory_space<vmem>> -> memref<1x256x32xf32, #tpu.memory_space<vmem>>
      %dma_wait3A_1444 = tpu.memref_squeeze %dma_wait3A_1443 : memref<1x256x32xf32, #tpu.memory_space<vmem>> -> memref<256x32xf32, #tpu.memory_space<vmem>>
      tpu.wait_dma2 semaphore(%dma_wait3A_1438 : memref<!tpu.dma_semaphore, #tpu.memory_space<semaphore_mem>>) src(%dma_wait3A_1444 : memref<256x32xf32, #tpu.memory_space<vmem>>) dst(%dma_wait3A_1440 : memref<256x32xf32, #tpu.memory_space<hbm>>)
      %add3A_1445 = arith.constant 2 : i32
      %add3A_1446 = arith.addi %add3A_1317, %add3A_1445 : i32
      %mul3A_1447 = arith.constant 2 : i32
      %mul3A_1448 = arith.muli %mul3A_1447, %add3A_1446 : i32
      %add3A_1449 = arith.constant 0 : i32
      %add3A_1450 = arith.addi %mul3A_1448, %add3A_1449 : i32
      %dma_start3A_1451 = arith.constant 2 : i32
      %dma_start3A_1452 = arith.constant 2 : i32
      %dma_start3A_1453 = arith.constant 0 : i32
      %dma_start3A_1454 = arith.constant 0 : i32
      %dma_start3A_1455 = tpu.memref_slice %arg9[%dma_start3A_1451, %dma_start3A_1453, %dma_start3A_1454] : memref<3x256x64xf32, #tpu.memory_space<vmem>> -> memref<1x128x64xf32, #tpu.memory_space<vmem>>
      %dma_start3A_1456 = tpu.memref_squeeze %dma_start3A_1455 : memref<1x128x64xf32, #tpu.memory_space<vmem>> -> memref<128x64xf32, #tpu.memory_space<vmem>>
      %dma_start3A_1457 = arith.constant 0 : i32
      %dma_start3A_1458 = tpu.memref_slice %arg7[%add3A_1450, %dma_start3A_1457] : memref<200x128xi32, #tpu.memory_space<vmem>> -> memref<1x128xi32, #tpu.memory_space<vmem>>
      %dma_start3A_1459 = tpu.memref_squeeze %dma_start3A_1458 : memref<1x128xi32, #tpu.memory_space<vmem>> -> memref<128xi32, #tpu.memory_space<vmem>>
      %dma_start3A_1460 = arith.constant 0 : i32
      %dma_start3A_1461 = arith.constant 0 : i32
      %dma_start3A_1462 = tpu.memref_slice %arg11[%dma_start3A_1460, %dma_start3A_1461] : memref<1000x64xf32, #tpu.memory_space<vmem_shared>> -> memref<1000x64xf32, #tpu.memory_space<vmem_shared>>
      %dma_start3A_1463 = tpu.memref_slice %arg13[%dma_start3A_1452] : memref<3x!tpu.dma_semaphore, #tpu.memory_space<semaphore_mem>> -> memref<1x!tpu.dma_semaphore, #tpu.memory_space<semaphore_mem>>
      %dma_start3A_1464 = tpu.memref_squeeze %dma_start3A_1463 : memref<1x!tpu.dma_semaphore, #tpu.memory_space<semaphore_mem>> -> memref<!tpu.dma_semaphore, #tpu.memory_space<semaphore_mem>>
      tpu.enqueue_indirect_dma source(%dma_start3A_1462 : memref<1000x64xf32, #tpu.memory_space<vmem_shared>>) target(%dma_start3A_1456 : memref<128x64xf32, #tpu.memory_space<vmem>>) offsets(%dma_start3A_1459 : memref<128xi32, #tpu.memory_space<vmem>>) semaphore(%dma_start3A_1464 : memref<!tpu.dma_semaphore, #tpu.memory_space<semaphore_mem>>)
      %mul3A_1465 = arith.constant 2 : i32
      %mul3A_1466 = arith.muli %mul3A_1465, %add3A_1446 : i32
      %add3A_1467 = arith.constant 0 : i32
      %add3A_1468 = arith.addi %mul3A_1466, %add3A_1467 : i32
      %dma_start3A_1469 = arith.constant 2 : i32
      %dma_start3A_1470 = arith.constant 2 : i32
      %dma_start3A_1471 = arith.constant 0 : i32
      %dma_start3A_1472 = arith.constant 0 : i32
      %dma_start3A_1473 = tpu.memref_slice %arg10[%dma_start3A_1469, %dma_start3A_1471, %dma_start3A_1472] : memref<3x256x32xf32, #tpu.memory_space<vmem>> -> memref<1x128x32xf32, #tpu.memory_space<vmem>>
      %dma_start3A_1474 = tpu.memref_squeeze %dma_start3A_1473 : memref<1x128x32xf32, #tpu.memory_space<vmem>> -> memref<128x32xf32, #tpu.memory_space<vmem>>
      %dma_start3A_1475 = arith.constant 0 : i32
      %dma_start3A_1476 = tpu.memref_slice %arg8[%add3A_1468, %dma_start3A_1475] : memref<200x128xi32, #tpu.memory_space<vmem>> -> memref<1x128xi32, #tpu.memory_space<vmem>>
      %dma_start3A_1477 = tpu.memref_squeeze %dma_start3A_1476 : memref<1x128xi32, #tpu.memory_space<vmem>> -> memref<128xi32, #tpu.memory_space<vmem>>
      %dma_start3A_1478 = arith.constant 0 : i32
      %dma_start3A_1479 = arith.constant 0 : i32
      %dma_start3A_1480 = tpu.memref_slice %arg12[%dma_start3A_1478, %dma_start3A_1479] : memref<1000x32xf32, #tpu.memory_space<vmem_shared>> -> memref<1000x32xf32, #tpu.memory_space<vmem_shared>>
      %dma_start3A_1481 = tpu.memref_slice %arg13[%dma_start3A_1470] : memref<3x!tpu.dma_semaphore, #tpu.memory_space<semaphore_mem>> -> memref<1x!tpu.dma_semaphore, #tpu.memory_space<semaphore_mem>>
      %dma_start3A_1482 = tpu.memref_squeeze %dma_start3A_1481 : memref<1x!tpu.dma_semaphore, #tpu.memory_space<semaphore_mem>> -> memref<!tpu.dma_semaphore, #tpu.memory_space<semaphore_mem>>
      tpu.enqueue_indirect_dma source(%dma_start3A_1480 : memref<1000x32xf32, #tpu.memory_space<vmem_shared>>) target(%dma_start3A_1474 : memref<128x32xf32, #tpu.memory_space<vmem>>) offsets(%dma_start3A_1477 : memref<128xi32, #tpu.memory_space<vmem>>) semaphore(%dma_start3A_1482 : memref<!tpu.dma_semaphore, #tpu.memory_space<semaphore_mem>>)
      %mul3A_1483 = arith.constant 2 : i32
      %mul3A_1484 = arith.muli %mul3A_1483, %add3A_1446 : i32
      %add3A_1485 = arith.constant 1 : i32
      %add3A_1486 = arith.addi %mul3A_1484, %add3A_1485 : i32
      %dma_start3A_1487 = arith.constant 2 : i32
      %dma_start3A_1488 = arith.constant 2 : i32
      %dma_start3A_1489 = arith.constant 128 : i32
      %dma_start3A_1490 = arith.constant 0 : i32
      %dma_start3A_1491 = tpu.memref_slice %arg9[%dma_start3A_1487, %dma_start3A_1489, %dma_start3A_1490] : memref<3x256x64xf32, #tpu.memory_space<vmem>> -> memref<1x128x64xf32, #tpu.memory_space<vmem>>
      %dma_start3A_1492 = tpu.memref_squeeze %dma_start3A_1491 : memref<1x128x64xf32, #tpu.memory_space<vmem>> -> memref<128x64xf32, #tpu.memory_space<vmem>>
      %dma_start3A_1493 = arith.constant 0 : i32
      %dma_start3A_1494 = tpu.memref_slice %arg7[%add3A_1486, %dma_start3A_1493] : memref<200x128xi32, #tpu.memory_space<vmem>> -> memref<1x128xi32, #tpu.memory_space<vmem>>
      %dma_start3A_1495 = tpu.memref_squeeze %dma_start3A_1494 : memref<1x128xi32, #tpu.memory_space<vmem>> -> memref<128xi32, #tpu.memory_space<vmem>>
      %dma_start3A_1496 = arith.constant 0 : i32
      %dma_start3A_1497 = arith.constant 0 : i32
      %dma_start3A_1498 = tpu.memref_slice %arg11[%dma_start3A_1496, %dma_start3A_1497] : memref<1000x64xf32, #tpu.memory_space<vmem_shared>> -> memref<1000x64xf32, #tpu.memory_space<vmem_shared>>
      %dma_start3A_1499 = tpu.memref_slice %arg13[%dma_start3A_1488] : memref<3x!tpu.dma_semaphore, #tpu.memory_space<semaphore_mem>> -> memref<1x!tpu.dma_semaphore, #tpu.memory_space<semaphore_mem>>
      %dma_start3A_1500 = tpu.memref_squeeze %dma_start3A_1499 : memref<1x!tpu.dma_semaphore, #tpu.memory_space<semaphore_mem>> -> memref<!tpu.dma_semaphore, #tpu.memory_space<semaphore_mem>>
      tpu.enqueue_indirect_dma source(%dma_start3A_1498 : memref<1000x64xf32, #tpu.memory_space<vmem_shared>>) target(%dma_start3A_1492 : memref<128x64xf32, #tpu.memory_space<vmem>>) offsets(%dma_start3A_1495 : memref<128xi32, #tpu.memory_space<vmem>>) semaphore(%dma_start3A_1500 : memref<!tpu.dma_semaphore, #tpu.memory_space<semaphore_mem>>)
      %mul3A_1501 = arith.constant 2 : i32
      %mul3A_1502 = arith.muli %mul3A_1501, %add3A_1446 : i32
      %add3A_1503 = arith.constant 1 : i32
      %add3A_1504 = arith.addi %mul3A_1502, %add3A_1503 : i32
      %dma_start3A_1505 = arith.constant 2 : i32
      %dma_start3A_1506 = arith.constant 2 : i32
      %dma_start3A_1507 = arith.constant 128 : i32
      %dma_start3A_1508 = arith.constant 0 : i32
      %dma_start3A_1509 = tpu.memref_slice %arg10[%dma_start3A_1505, %dma_start3A_1507, %dma_start3A_1508] : memref<3x256x32xf32, #tpu.memory_space<vmem>> -> memref<1x128x32xf32, #tpu.memory_space<vmem>>
      %dma_start3A_1510 = tpu.memref_squeeze %dma_start3A_1509 : memref<1x128x32xf32, #tpu.memory_space<vmem>> -> memref<128x32xf32, #tpu.memory_space<vmem>>
      %dma_start3A_1511 = arith.constant 0 : i32
      %dma_start3A_1512 = tpu.memref_slice %arg8[%add3A_1504, %dma_start3A_1511] : memref<200x128xi32, #tpu.memory_space<vmem>> -> memref<1x128xi32, #tpu.memory_space<vmem>>
      %dma_start3A_1513 = tpu.memref_squeeze %dma_start3A_1512 : memref<1x128xi32, #tpu.memory_space<vmem>> -> memref<128xi32, #tpu.memory_space<vmem>>
      %dma_start3A_1514 = arith.constant 0 : i32
      %dma_start3A_1515 = arith.constant 0 : i32
      %dma_start3A_1516 = tpu.memref_slice %arg12[%dma_start3A_1514, %dma_start3A_1515] : memref<1000x32xf32, #tpu.memory_space<vmem_shared>> -> memref<1000x32xf32, #tpu.memory_space<vmem_shared>>
      %dma_start3A_1517 = tpu.memref_slice %arg13[%dma_start3A_1506] : memref<3x!tpu.dma_semaphore, #tpu.memory_space<semaphore_mem>> -> memref<1x!tpu.dma_semaphore, #tpu.memory_space<semaphore_mem>>
      %dma_start3A_1518 = tpu.memref_squeeze %dma_start3A_1517 : memref<1x!tpu.dma_semaphore, #tpu.memory_space<semaphore_mem>> -> memref<!tpu.dma_semaphore, #tpu.memory_space<semaphore_mem>>
      tpu.enqueue_indirect_dma source(%dma_start3A_1516 : memref<1000x32xf32, #tpu.memory_space<vmem_shared>>) target(%dma_start3A_1510 : memref<128x32xf32, #tpu.memory_space<vmem>>) offsets(%dma_start3A_1513 : memref<128xi32, #tpu.memory_space<vmem>>) semaphore(%dma_start3A_1518 : memref<!tpu.dma_semaphore, #tpu.memory_space<semaphore_mem>>)
      %add3A_1519 = arith.constant 1 : i32
      %add3A_1520 = arith.addi %add3A_1315, %add3A_1519 : i32
      %dma_wait3A_1521 = arith.constant 0 : i32
      %dma_wait3A_1522 = arith.constant 1 : i32
      %dma_wait3A_1523 = arith.constant 1 : i32
      %dma_wait3A_1524 = arith.constant 0 : i32
      %dma_wait3A_1525 = arith.constant 0 : i32
      %dma_wait3A_1526 = tpu.memref_slice %arg9[%dma_wait3A_1522, %dma_wait3A_1524, %dma_wait3A_1525] : memref<3x256x64xf32, #tpu.memory_space<vmem>> -> memref<1x128x64xf32, #tpu.memory_space<vmem>>
      %dma_wait3A_1527 = tpu.memref_squeeze %dma_wait3A_1526 : memref<1x128x64xf32, #tpu.memory_space<vmem>> -> memref<128x64xf32, #tpu.memory_space<vmem>>
      %dma_wait3A_1528 = arith.constant 0 : i32
      %dma_wait3A_1529 = tpu.memref_slice %arg7[%dma_wait3A_1521, %dma_wait3A_1528] : memref<200x128xi32, #tpu.memory_space<vmem>> -> memref<1x128xi32, #tpu.memory_space<vmem>>
      %dma_wait3A_1530 = tpu.memref_squeeze %dma_wait3A_1529 : memref<1x128xi32, #tpu.memory_space<vmem>> -> memref<128xi32, #tpu.memory_space<vmem>>
      %dma_wait3A_1531 = arith.constant 0 : i32
      %dma_wait3A_1532 = arith.constant 0 : i32
      %dma_wait3A_1533 = tpu.memref_slice %arg11[%dma_wait3A_1531, %dma_wait3A_1532] : memref<1000x64xf32, #tpu.memory_space<vmem_shared>> -> memref<1000x64xf32, #tpu.memory_space<vmem_shared>>
      %dma_wait3A_1534 = tpu.memref_slice %arg13[%dma_wait3A_1523] : memref<3x!tpu.dma_semaphore, #tpu.memory_space<semaphore_mem>> -> memref<1x!tpu.dma_semaphore, #tpu.memory_space<semaphore_mem>>
      %dma_wait3A_1535 = tpu.memref_squeeze %dma_wait3A_1534 : memref<1x!tpu.dma_semaphore, #tpu.memory_space<semaphore_mem>> -> memref<!tpu.dma_semaphore, #tpu.memory_space<semaphore_mem>>
      tpu.wait_indirect_dma semaphore(%dma_wait3A_1535 : memref<!tpu.dma_semaphore, #tpu.memory_space<semaphore_mem>>) src(%dma_wait3A_1533 : memref<1000x64xf32, #tpu.memory_space<vmem_shared>>) dst(%dma_wait3A_1527 : memref<128x64xf32, #tpu.memory_space<vmem>>)
      %dma_wait3A_1536 = arith.constant 0 : i32
      %dma_wait3A_1537 = arith.constant 1 : i32
      %dma_wait3A_1538 = arith.constant 1 : i32
      %dma_wait3A_1539 = arith.constant 0 : i32
      %dma_wait3A_1540 = arith.constant 0 : i32
      %dma_wait3A_1541 = tpu.memref_slice %arg10[%dma_wait3A_1537, %dma_wait3A_1539, %dma_wait3A_1540] : memref<3x256x32xf32, #tpu.memory_space<vmem>> -> memref<1x128x32xf32, #tpu.memory_space<vmem>>
      %dma_wait3A_1542 = tpu.memref_squeeze %dma_wait3A_1541 : memref<1x128x32xf32, #tpu.memory_space<vmem>> -> memref<128x32xf32, #tpu.memory_space<vmem>>
      %dma_wait3A_1543 = arith.constant 0 : i32
      %dma_wait3A_1544 = tpu.memref_slice %arg8[%dma_wait3A_1536, %dma_wait3A_1543] : memref<200x128xi32, #tpu.memory_space<vmem>> -> memref<1x128xi32, #tpu.memory_space<vmem>>
      %dma_wait3A_1545 = tpu.memref_squeeze %dma_wait3A_1544 : memref<1x128xi32, #tpu.memory_space<vmem>> -> memref<128xi32, #tpu.memory_space<vmem>>
      %dma_wait3A_1546 = arith.constant 0 : i32
      %dma_wait3A_1547 = arith.constant 0 : i32
      %dma_wait3A_1548 = tpu.memref_slice %arg12[%dma_wait3A_1546, %dma_wait3A_1547] : memref<1000x32xf32, #tpu.memory_space<vmem_shared>> -> memref<1000x32xf32, #tpu.memory_space<vmem_shared>>
      %dma_wait3A_1549 = tpu.memref_slice %arg13[%dma_wait3A_1538] : memref<3x!tpu.dma_semaphore, #tpu.memory_space<semaphore_mem>> -> memref<1x!tpu.dma_semaphore, #tpu.memory_space<semaphore_mem>>
      %dma_wait3A_1550 = tpu.memref_squeeze %dma_wait3A_1549 : memref<1x!tpu.dma_semaphore, #tpu.memory_space<semaphore_mem>> -> memref<!tpu.dma_semaphore, #tpu.memory_space<semaphore_mem>>
      tpu.wait_indirect_dma semaphore(%dma_wait3A_1550 : memref<!tpu.dma_semaphore, #tpu.memory_space<semaphore_mem>>) src(%dma_wait3A_1548 : memref<1000x32xf32, #tpu.memory_space<vmem_shared>>) dst(%dma_wait3A_1542 : memref<128x32xf32, #tpu.memory_space<vmem>>)
      %dma_wait3A_1551 = arith.constant 0 : i32
      %dma_wait3A_1552 = arith.constant 1 : i32
      %dma_wait3A_1553 = arith.constant 1 : i32
      %dma_wait3A_1554 = arith.constant 128 : i32
      %dma_wait3A_1555 = arith.constant 0 : i32
      %dma_wait3A_1556 = tpu.memref_slice %arg9[%dma_wait3A_1552, %dma_wait3A_1554, %dma_wait3A_1555] : memref<3x256x64xf32, #tpu.memory_space<vmem>> -> memref<1x128x64xf32, #tpu.memory_space<vmem>>
      %dma_wait3A_1557 = tpu.memref_squeeze %dma_wait3A_1556 : memref<1x128x64xf32, #tpu.memory_space<vmem>> -> memref<128x64xf32, #tpu.memory_space<vmem>>
      %dma_wait3A_1558 = arith.constant 0 : i32
      %dma_wait3A_1559 = tpu.memref_slice %arg7[%dma_wait3A_1551, %dma_wait3A_1558] : memref<200x128xi32, #tpu.memory_space<vmem>> -> memref<1x128xi32, #tpu.memory_space<vmem>>
      %dma_wait3A_1560 = tpu.memref_squeeze %dma_wait3A_1559 : memref<1x128xi32, #tpu.memory_space<vmem>> -> memref<128xi32, #tpu.memory_space<vmem>>
      %dma_wait3A_1561 = arith.constant 0 : i32
      %dma_wait3A_1562 = arith.constant 0 : i32
      %dma_wait3A_1563 = tpu.memref_slice %arg11[%dma_wait3A_1561, %dma_wait3A_1562] : memref<1000x64xf32, #tpu.memory_space<vmem_shared>> -> memref<1000x64xf32, #tpu.memory_space<vmem_shared>>
      %dma_wait3A_1564 = tpu.memref_slice %arg13[%dma_wait3A_1553] : memref<3x!tpu.dma_semaphore, #tpu.memory_space<semaphore_mem>> -> memref<1x!tpu.dma_semaphore, #tpu.memory_space<semaphore_mem>>
      %dma_wait3A_1565 = tpu.memref_squeeze %dma_wait3A_1564 : memref<1x!tpu.dma_semaphore, #tpu.memory_space<semaphore_mem>> -> memref<!tpu.dma_semaphore, #tpu.memory_space<semaphore_mem>>
      tpu.wait_indirect_dma semaphore(%dma_wait3A_1565 : memref<!tpu.dma_semaphore, #tpu.memory_space<semaphore_mem>>) src(%dma_wait3A_1563 : memref<1000x64xf32, #tpu.memory_space<vmem_shared>>) dst(%dma_wait3A_1557 : memref<128x64xf32, #tpu.memory_space<vmem>>)
      %dma_wait3A_1566 = arith.constant 0 : i32
      %dma_wait3A_1567 = arith.constant 1 : i32
      %dma_wait3A_1568 = arith.constant 1 : i32
      %dma_wait3A_1569 = arith.constant 128 : i32
      %dma_wait3A_1570 = arith.constant 0 : i32
      %dma_wait3A_1571 = tpu.memref_slice %arg10[%dma_wait3A_1567, %dma_wait3A_1569, %dma_wait3A_1570] : memref<3x256x32xf32, #tpu.memory_space<vmem>> -> memref<1x128x32xf32, #tpu.memory_space<vmem>>
      %dma_wait3A_1572 = tpu.memref_squeeze %dma_wait3A_1571 : memref<1x128x32xf32, #tpu.memory_space<vmem>> -> memref<128x32xf32, #tpu.memory_space<vmem>>
      %dma_wait3A_1573 = arith.constant 0 : i32
      %dma_wait3A_1574 = tpu.memref_slice %arg8[%dma_wait3A_1566, %dma_wait3A_1573] : memref<200x128xi32, #tpu.memory_space<vmem>> -> memref<1x128xi32, #tpu.memory_space<vmem>>
      %dma_wait3A_1575 = tpu.memref_squeeze %dma_wait3A_1574 : memref<1x128xi32, #tpu.memory_space<vmem>> -> memref<128xi32, #tpu.memory_space<vmem>>
      %dma_wait3A_1576 = arith.constant 0 : i32
      %dma_wait3A_1577 = arith.constant 0 : i32
      %dma_wait3A_1578 = tpu.memref_slice %arg12[%dma_wait3A_1576, %dma_wait3A_1577] : memref<1000x32xf32, #tpu.memory_space<vmem_shared>> -> memref<1000x32xf32, #tpu.memory_space<vmem_shared>>
      %dma_wait3A_1579 = tpu.memref_slice %arg13[%dma_wait3A_1568] : memref<3x!tpu.dma_semaphore, #tpu.memory_space<semaphore_mem>> -> memref<1x!tpu.dma_semaphore, #tpu.memory_space<semaphore_mem>>
      %dma_wait3A_1580 = tpu.memref_squeeze %dma_wait3A_1579 : memref<1x!tpu.dma_semaphore, #tpu.memory_space<semaphore_mem>> -> memref<!tpu.dma_semaphore, #tpu.memory_space<semaphore_mem>>
      tpu.wait_indirect_dma semaphore(%dma_wait3A_1580 : memref<!tpu.dma_semaphore, #tpu.memory_space<semaphore_mem>>) src(%dma_wait3A_1578 : memref<1000x32xf32, #tpu.memory_space<vmem_shared>>) dst(%dma_wait3A_1572 : memref<128x32xf32, #tpu.memory_space<vmem>>)
      %mul3A_1581 = arith.constant 256 : i32
      %mul3A_1582 = arith.muli %add3A_1520, %mul3A_1581 : i32
      %add3A_1583 = arith.addi %mul3A_2, %mul3A_1582 : i32
      %dma_start3A_1584 = arith.constant 1 : i32
      %dma_start3A_1585 = arith.constant 1 : i32
      %dma_start3A_1586 = arith.constant 0 : i32
      %dma_start3A_1587 = arith.constant 0 : i32
      %dma_start3A_1588 = tpu.memref_slice %arg9[%dma_start3A_1584, %dma_start3A_1586, %dma_start3A_1587] : memref<3x256x64xf32, #tpu.memory_space<vmem>> -> memref<1x256x64xf32, #tpu.memory_space<vmem>>
      %dma_start3A_1589 = tpu.memref_squeeze %dma_start3A_1588 : memref<1x256x64xf32, #tpu.memory_space<vmem>> -> memref<256x64xf32, #tpu.memory_space<vmem>>
      %dma_start3A_1590 = arith.constant 0 : i32
      %dma_start3A_1591 = tpu.memref_slice %arg6[%add3A_1583, %dma_start3A_1590] : memref<819200x128xf32, #tpu.memory_space<hbm>> -> memref<256x64xf32, #tpu.memory_space<hbm>>
      %dma_start3A_1592 = tpu.memref_slice %arg14[%dma_start3A_1585] : memref<3x!tpu.dma_semaphore, #tpu.memory_space<semaphore_mem>> -> memref<1x!tpu.dma_semaphore, #tpu.memory_space<semaphore_mem>>
      %dma_start3A_1593 = tpu.memref_squeeze %dma_start3A_1592 : memref<1x!tpu.dma_semaphore, #tpu.memory_space<semaphore_mem>> -> memref<!tpu.dma_semaphore, #tpu.memory_space<semaphore_mem>>
      %dma_start3A_1594 = arith.constant 0 : i32
      %dma_start3A_1595 = tpu.memref_slice %arg6[%add3A_1583, %dma_start3A_1594] : memref<819200x128xf32, #tpu.memory_space<hbm>> -> memref<256x64xf32, #tpu.memory_space<hbm>>
      %dma_start3A_1596 = arith.constant 0 : i32
      %dma_start3A_1597 = arith.constant 0 : i32
      %dma_start3A_1598 = tpu.memref_slice %arg9[%dma_start3A_1584, %dma_start3A_1596, %dma_start3A_1597] : memref<3x256x64xf32, #tpu.memory_space<vmem>> -> memref<1x256x64xf32, #tpu.memory_space<vmem>>
      %dma_start3A_1599 = tpu.memref_squeeze %dma_start3A_1598 : memref<1x256x64xf32, #tpu.memory_space<vmem>> -> memref<256x64xf32, #tpu.memory_space<vmem>>
      tpu.enqueue_dma source(%dma_start3A_1599 : memref<256x64xf32, #tpu.memory_space<vmem>>) target(%dma_start3A_1595 : memref<256x64xf32, #tpu.memory_space<hbm>>) target_semaphore(%dma_start3A_1593 : memref<!tpu.dma_semaphore, #tpu.memory_space<semaphore_mem>>)
      %dma_start3A_1600 = arith.constant 1 : i32
      %dma_start3A_1601 = arith.constant 1 : i32
      %dma_start3A_1602 = arith.constant 0 : i32
      %dma_start3A_1603 = arith.constant 0 : i32
      %dma_start3A_1604 = tpu.memref_slice %arg10[%dma_start3A_1600, %dma_start3A_1602, %dma_start3A_1603] : memref<3x256x32xf32, #tpu.memory_space<vmem>> -> memref<1x256x32xf32, #tpu.memory_space<vmem>>
      %dma_start3A_1605 = tpu.memref_squeeze %dma_start3A_1604 : memref<1x256x32xf32, #tpu.memory_space<vmem>> -> memref<256x32xf32, #tpu.memory_space<vmem>>
      %dma_start3A_1606 = arith.constant 64 : i32
      %dma_start3A_1607 = tpu.memref_slice %arg6[%add3A_1583, %dma_start3A_1606] : memref<819200x128xf32, #tpu.memory_space<hbm>> -> memref<256x32xf32, #tpu.memory_space<hbm>>
      %dma_start3A_1608 = tpu.memref_slice %arg14[%dma_start3A_1601] : memref<3x!tpu.dma_semaphore, #tpu.memory_space<semaphore_mem>> -> memref<1x!tpu.dma_semaphore, #tpu.memory_space<semaphore_mem>>
      %dma_start3A_1609 = tpu.memref_squeeze %dma_start3A_1608 : memref<1x!tpu.dma_semaphore, #tpu.memory_space<semaphore_mem>> -> memref<!tpu.dma_semaphore, #tpu.memory_space<semaphore_mem>>
      %dma_start3A_1610 = arith.constant 64 : i32
      %dma_start3A_1611 = tpu.memref_slice %arg6[%add3A_1583, %dma_start3A_1610] : memref<819200x128xf32, #tpu.memory_space<hbm>> -> memref<256x32xf32, #tpu.memory_space<hbm>>
      %dma_start3A_1612 = arith.constant 0 : i32
      %dma_start3A_1613 = arith.constant 0 : i32
      %dma_start3A_1614 = tpu.memref_slice %arg10[%dma_start3A_1600, %dma_start3A_1612, %dma_start3A_1613] : memref<3x256x32xf32, #tpu.memory_space<vmem>> -> memref<1x256x32xf32, #tpu.memory_space<vmem>>
      %dma_start3A_1615 = tpu.memref_squeeze %dma_start3A_1614 : memref<1x256x32xf32, #tpu.memory_space<vmem>> -> memref<256x32xf32, #tpu.memory_space<vmem>>
      tpu.enqueue_dma source(%dma_start3A_1615 : memref<256x32xf32, #tpu.memory_space<vmem>>) target(%dma_start3A_1611 : memref<256x32xf32, #tpu.memory_space<hbm>>) target_semaphore(%dma_start3A_1609 : memref<!tpu.dma_semaphore, #tpu.memory_space<semaphore_mem>>)
      %dma_wait3A_1616 = arith.constant 0 : i32
      %dma_wait3A_1617 = arith.constant 0 : i32
      %dma_wait3A_1618 = arith.constant 0 : i32
      %dma_wait3A_1619 = arith.constant 0 : i32
      %dma_wait3A_1620 = tpu.memref_slice %arg9[%dma_wait3A_1616, %dma_wait3A_1618, %dma_wait3A_1619] : memref<3x256x64xf32, #tpu.memory_space<vmem>> -> memref<1x256x64xf32, #tpu.memory_space<vmem>>
      %dma_wait3A_1621 = tpu.memref_squeeze %dma_wait3A_1620 : memref<1x256x64xf32, #tpu.memory_space<vmem>> -> memref<256x64xf32, #tpu.memory_space<vmem>>
      %dma_wait3A_1622 = arith.constant 0 : i32
      %dma_wait3A_1623 = tpu.memref_slice %arg6[%mul3A_2, %dma_wait3A_1622] : memref<819200x128xf32, #tpu.memory_space<hbm>> -> memref<256x64xf32, #tpu.memory_space<hbm>>
      %dma_wait3A_1624 = tpu.memref_slice %arg14[%dma_wait3A_1617] : memref<3x!tpu.dma_semaphore, #tpu.memory_space<semaphore_mem>> -> memref<1x!tpu.dma_semaphore, #tpu.memory_space<semaphore_mem>>
      %dma_wait3A_1625 = tpu.memref_squeeze %dma_wait3A_1624 : memref<1x!tpu.dma_semaphore, #tpu.memory_space<semaphore_mem>> -> memref<!tpu.dma_semaphore, #tpu.memory_space<semaphore_mem>>
      %dma_wait3A_1626 = arith.constant 0 : i32
      %dma_wait3A_1627 = tpu.memref_slice %arg6[%mul3A_2, %dma_wait3A_1626] : memref<819200x128xf32, #tpu.memory_space<hbm>> -> memref<256x64xf32, #tpu.memory_space<hbm>>
      %dma_wait3A_1628 = arith.constant 0 : i32
      %dma_wait3A_1629 = arith.constant 0 : i32
      %dma_wait3A_1630 = tpu.memref_slice %arg9[%dma_wait3A_1616, %dma_wait3A_1628, %dma_wait3A_1629] : memref<3x256x64xf32, #tpu.memory_space<vmem>> -> memref<1x256x64xf32, #tpu.memory_space<vmem>>
      %dma_wait3A_1631 = tpu.memref_squeeze %dma_wait3A_1630 : memref<1x256x64xf32, #tpu.memory_space<vmem>> -> memref<256x64xf32, #tpu.memory_space<vmem>>
      tpu.wait_dma2 semaphore(%dma_wait3A_1625 : memref<!tpu.dma_semaphore, #tpu.memory_space<semaphore_mem>>) src(%dma_wait3A_1631 : memref<256x64xf32, #tpu.memory_space<vmem>>) dst(%dma_wait3A_1627 : memref<256x64xf32, #tpu.memory_space<hbm>>)
      %dma_wait3A_1632 = arith.constant 0 : i32
      %dma_wait3A_1633 = arith.constant 0 : i32
      %dma_wait3A_1634 = arith.constant 0 : i32
      %dma_wait3A_1635 = arith.constant 0 : i32
      %dma_wait3A_1636 = tpu.memref_slice %arg10[%dma_wait3A_1632, %dma_wait3A_1634, %dma_wait3A_1635] : memref<3x256x32xf32, #tpu.memory_space<vmem>> -> memref<1x256x32xf32, #tpu.memory_space<vmem>>
      %dma_wait3A_1637 = tpu.memref_squeeze %dma_wait3A_1636 : memref<1x256x32xf32, #tpu.memory_space<vmem>> -> memref<256x32xf32, #tpu.memory_space<vmem>>
      %dma_wait3A_1638 = arith.constant 64 : i32
      %dma_wait3A_1639 = tpu.memref_slice %arg6[%mul3A_2, %dma_wait3A_1638] : memref<819200x128xf32, #tpu.memory_space<hbm>> -> memref<256x32xf32, #tpu.memory_space<hbm>>
      %dma_wait3A_1640 = tpu.memref_slice %arg14[%dma_wait3A_1633] : memref<3x!tpu.dma_semaphore, #tpu.memory_space<semaphore_mem>> -> memref<1x!tpu.dma_semaphore, #tpu.memory_space<semaphore_mem>>
      %dma_wait3A_1641 = tpu.memref_squeeze %dma_wait3A_1640 : memref<1x!tpu.dma_semaphore, #tpu.memory_space<semaphore_mem>> -> memref<!tpu.dma_semaphore, #tpu.memory_space<semaphore_mem>>
      %dma_wait3A_1642 = arith.constant 64 : i32
      %dma_wait3A_1643 = tpu.memref_slice %arg6[%mul3A_2, %dma_wait3A_1642] : memref<819200x128xf32, #tpu.memory_space<hbm>> -> memref<256x32xf32, #tpu.memory_space<hbm>>
      %dma_wait3A_1644 = arith.constant 0 : i32
      %dma_wait3A_1645 = arith.constant 0 : i32
      %dma_wait3A_1646 = tpu.memref_slice %arg10[%dma_wait3A_1632, %dma_wait3A_1644, %dma_wait3A_1645] : memref<3x256x32xf32, #tpu.memory_space<vmem>> -> memref<1x256x32xf32, #tpu.memory_space<vmem>>
      %dma_wait3A_1647 = tpu.memref_squeeze %dma_wait3A_1646 : memref<1x256x32xf32, #tpu.memory_space<vmem>> -> memref<256x32xf32, #tpu.memory_space<vmem>>
      tpu.wait_dma2 semaphore(%dma_wait3A_1641 : memref<!tpu.dma_semaphore, #tpu.memory_space<semaphore_mem>>) src(%dma_wait3A_1647 : memref<256x32xf32, #tpu.memory_space<vmem>>) dst(%dma_wait3A_1643 : memref<256x32xf32, #tpu.memory_space<hbm>>)
      %add3A_1648 = arith.constant 2 : i32
      %add3A_1649 = arith.addi %add3A_1520, %add3A_1648 : i32
      %mul3A_1650 = arith.constant 2 : i32
      %mul3A_1651 = arith.muli %mul3A_1650, %add3A_1649 : i32
      %add3A_1652 = arith.constant 0 : i32
      %add3A_1653 = arith.addi %mul3A_1651, %add3A_1652 : i32
      %dma_start3A_1654 = arith.constant 0 : i32
      %dma_start3A_1655 = arith.constant 0 : i32
      %dma_start3A_1656 = arith.constant 0 : i32
      %dma_start3A_1657 = arith.constant 0 : i32
      %dma_start3A_1658 = tpu.memref_slice %arg9[%dma_start3A_1654, %dma_start3A_1656, %dma_start3A_1657] : memref<3x256x64xf32, #tpu.memory_space<vmem>> -> memref<1x128x64xf32, #tpu.memory_space<vmem>>
      %dma_start3A_1659 = tpu.memref_squeeze %dma_start3A_1658 : memref<1x128x64xf32, #tpu.memory_space<vmem>> -> memref<128x64xf32, #tpu.memory_space<vmem>>
      %dma_start3A_1660 = arith.constant 0 : i32
      %dma_start3A_1661 = tpu.memref_slice %arg7[%add3A_1653, %dma_start3A_1660] : memref<200x128xi32, #tpu.memory_space<vmem>> -> memref<1x128xi32, #tpu.memory_space<vmem>>
      %dma_start3A_1662 = tpu.memref_squeeze %dma_start3A_1661 : memref<1x128xi32, #tpu.memory_space<vmem>> -> memref<128xi32, #tpu.memory_space<vmem>>
      %dma_start3A_1663 = arith.constant 0 : i32
      %dma_start3A_1664 = arith.constant 0 : i32
      %dma_start3A_1665 = tpu.memref_slice %arg11[%dma_start3A_1663, %dma_start3A_1664] : memref<1000x64xf32, #tpu.memory_space<vmem_shared>> -> memref<1000x64xf32, #tpu.memory_space<vmem_shared>>
      %dma_start3A_1666 = tpu.memref_slice %arg13[%dma_start3A_1655] : memref<3x!tpu.dma_semaphore, #tpu.memory_space<semaphore_mem>> -> memref<1x!tpu.dma_semaphore, #tpu.memory_space<semaphore_mem>>
      %dma_start3A_1667 = tpu.memref_squeeze %dma_start3A_1666 : memref<1x!tpu.dma_semaphore, #tpu.memory_space<semaphore_mem>> -> memref<!tpu.dma_semaphore, #tpu.memory_space<semaphore_mem>>
      tpu.enqueue_indirect_dma source(%dma_start3A_1665 : memref<1000x64xf32, #tpu.memory_space<vmem_shared>>) target(%dma_start3A_1659 : memref<128x64xf32, #tpu.memory_space<vmem>>) offsets(%dma_start3A_1662 : memref<128xi32, #tpu.memory_space<vmem>>) semaphore(%dma_start3A_1667 : memref<!tpu.dma_semaphore, #tpu.memory_space<semaphore_mem>>)
      %mul3A_1668 = arith.constant 2 : i32
      %mul3A_1669 = arith.muli %mul3A_1668, %add3A_1649 : i32
      %add3A_1670 = arith.constant 0 : i32
      %add3A_1671 = arith.addi %mul3A_1669, %add3A_1670 : i32
      %dma_start3A_1672 = arith.constant 0 : i32
      %dma_start3A_1673 = arith.constant 0 : i32
      %dma_start3A_1674 = arith.constant 0 : i32
      %dma_start3A_1675 = arith.constant 0 : i32
      %dma_start3A_1676 = tpu.memref_slice %arg10[%dma_start3A_1672, %dma_start3A_1674, %dma_start3A_1675] : memref<3x256x32xf32, #tpu.memory_space<vmem>> -> memref<1x128x32xf32, #tpu.memory_space<vmem>>
      %dma_start3A_1677 = tpu.memref_squeeze %dma_start3A_1676 : memref<1x128x32xf32, #tpu.memory_space<vmem>> -> memref<128x32xf32, #tpu.memory_space<vmem>>
      %dma_start3A_1678 = arith.constant 0 : i32
      %dma_start3A_1679 = tpu.memref_slice %arg8[%add3A_1671, %dma_start3A_1678] : memref<200x128xi32, #tpu.memory_space<vmem>> -> memref<1x128xi32, #tpu.memory_space<vmem>>
      %dma_start3A_1680 = tpu.memref_squeeze %dma_start3A_1679 : memref<1x128xi32, #tpu.memory_space<vmem>> -> memref<128xi32, #tpu.memory_space<vmem>>
      %dma_start3A_1681 = arith.constant 0 : i32
      %dma_start3A_1682 = arith.constant 0 : i32
      %dma_start3A_1683 = tpu.memref_slice %arg12[%dma_start3A_1681, %dma_start3A_1682] : memref<1000x32xf32, #tpu.memory_space<vmem_shared>> -> memref<1000x32xf32, #tpu.memory_space<vmem_shared>>
      %dma_start3A_1684 = tpu.memref_slice %arg13[%dma_start3A_1673] : memref<3x!tpu.dma_semaphore, #tpu.memory_space<semaphore_mem>> -> memref<1x!tpu.dma_semaphore, #tpu.memory_space<semaphore_mem>>
      %dma_start3A_1685 = tpu.memref_squeeze %dma_start3A_1684 : memref<1x!tpu.dma_semaphore, #tpu.memory_space<semaphore_mem>> -> memref<!tpu.dma_semaphore, #tpu.memory_space<semaphore_mem>>
      tpu.enqueue_indirect_dma source(%dma_start3A_1683 : memref<1000x32xf32, #tpu.memory_space<vmem_shared>>) target(%dma_start3A_1677 : memref<128x32xf32, #tpu.memory_space<vmem>>) offsets(%dma_start3A_1680 : memref<128xi32, #tpu.memory_space<vmem>>) semaphore(%dma_start3A_1685 : memref<!tpu.dma_semaphore, #tpu.memory_space<semaphore_mem>>)
      %mul3A_1686 = arith.constant 2 : i32
      %mul3A_1687 = arith.muli %mul3A_1686, %add3A_1649 : i32
      %add3A_1688 = arith.constant 1 : i32
      %add3A_1689 = arith.addi %mul3A_1687, %add3A_1688 : i32
      %dma_start3A_1690 = arith.constant 0 : i32
      %dma_start3A_1691 = arith.constant 0 : i32
      %dma_start3A_1692 = arith.constant 128 : i32
      %dma_start3A_1693 = arith.constant 0 : i32
      %dma_start3A_1694 = tpu.memref_slice %arg9[%dma_start3A_1690, %dma_start3A_1692, %dma_start3A_1693] : memref<3x256x64xf32, #tpu.memory_space<vmem>> -> memref<1x128x64xf32, #tpu.memory_space<vmem>>
      %dma_start3A_1695 = tpu.memref_squeeze %dma_start3A_1694 : memref<1x128x64xf32, #tpu.memory_space<vmem>> -> memref<128x64xf32, #tpu.memory_space<vmem>>
      %dma_start3A_1696 = arith.constant 0 : i32
      %dma_start3A_1697 = tpu.memref_slice %arg7[%add3A_1689, %dma_start3A_1696] : memref<200x128xi32, #tpu.memory_space<vmem>> -> memref<1x128xi32, #tpu.memory_space<vmem>>
      %dma_start3A_1698 = tpu.memref_squeeze %dma_start3A_1697 : memref<1x128xi32, #tpu.memory_space<vmem>> -> memref<128xi32, #tpu.memory_space<vmem>>
      %dma_start3A_1699 = arith.constant 0 : i32
      %dma_start3A_1700 = arith.constant 0 : i32
      %dma_start3A_1701 = tpu.memref_slice %arg11[%dma_start3A_1699, %dma_start3A_1700] : memref<1000x64xf32, #tpu.memory_space<vmem_shared>> -> memref<1000x64xf32, #tpu.memory_space<vmem_shared>>
      %dma_start3A_1702 = tpu.memref_slice %arg13[%dma_start3A_1691] : memref<3x!tpu.dma_semaphore, #tpu.memory_space<semaphore_mem>> -> memref<1x!tpu.dma_semaphore, #tpu.memory_space<semaphore_mem>>
      %dma_start3A_1703 = tpu.memref_squeeze %dma_start3A_1702 : memref<1x!tpu.dma_semaphore, #tpu.memory_space<semaphore_mem>> -> memref<!tpu.dma_semaphore, #tpu.memory_space<semaphore_mem>>
      tpu.enqueue_indirect_dma source(%dma_start3A_1701 : memref<1000x64xf32, #tpu.memory_space<vmem_shared>>) target(%dma_start3A_1695 : memref<128x64xf32, #tpu.memory_space<vmem>>) offsets(%dma_start3A_1698 : memref<128xi32, #tpu.memory_space<vmem>>) semaphore(%dma_start3A_1703 : memref<!tpu.dma_semaphore, #tpu.memory_space<semaphore_mem>>)
      %mul3A_1704 = arith.constant 2 : i32
      %mul3A_1705 = arith.muli %mul3A_1704, %add3A_1649 : i32
      %add3A_1706 = arith.constant 1 : i32
      %add3A_1707 = arith.addi %mul3A_1705, %add3A_1706 : i32
      %dma_start3A_1708 = arith.constant 0 : i32
      %dma_start3A_1709 = arith.constant 0 : i32
      %dma_start3A_1710 = arith.constant 128 : i32
      %dma_start3A_1711 = arith.constant 0 : i32
      %dma_start3A_1712 = tpu.memref_slice %arg10[%dma_start3A_1708, %dma_start3A_1710, %dma_start3A_1711] : memref<3x256x32xf32, #tpu.memory_space<vmem>> -> memref<1x128x32xf32, #tpu.memory_space<vmem>>
      %dma_start3A_1713 = tpu.memref_squeeze %dma_start3A_1712 : memref<1x128x32xf32, #tpu.memory_space<vmem>> -> memref<128x32xf32, #tpu.memory_space<vmem>>
      %dma_start3A_1714 = arith.constant 0 : i32
      %dma_start3A_1715 = tpu.memref_slice %arg8[%add3A_1707, %dma_start3A_1714] : memref<200x128xi32, #tpu.memory_space<vmem>> -> memref<1x128xi32, #tpu.memory_space<vmem>>
      %dma_start3A_1716 = tpu.memref_squeeze %dma_start3A_1715 : memref<1x128xi32, #tpu.memory_space<vmem>> -> memref<128xi32, #tpu.memory_space<vmem>>
      %dma_start3A_1717 = arith.constant 0 : i32
      %dma_start3A_1718 = arith.constant 0 : i32
      %dma_start3A_1719 = tpu.memref_slice %arg12[%dma_start3A_1717, %dma_start3A_1718] : memref<1000x32xf32, #tpu.memory_space<vmem_shared>> -> memref<1000x32xf32, #tpu.memory_space<vmem_shared>>
      %dma_start3A_1720 = tpu.memref_slice %arg13[%dma_start3A_1709] : memref<3x!tpu.dma_semaphore, #tpu.memory_space<semaphore_mem>> -> memref<1x!tpu.dma_semaphore, #tpu.memory_space<semaphore_mem>>
      %dma_start3A_1721 = tpu.memref_squeeze %dma_start3A_1720 : memref<1x!tpu.dma_semaphore, #tpu.memory_space<semaphore_mem>> -> memref<!tpu.dma_semaphore, #tpu.memory_space<semaphore_mem>>
      tpu.enqueue_indirect_dma source(%dma_start3A_1719 : memref<1000x32xf32, #tpu.memory_space<vmem_shared>>) target(%dma_start3A_1713 : memref<128x32xf32, #tpu.memory_space<vmem>>) offsets(%dma_start3A_1716 : memref<128xi32, #tpu.memory_space<vmem>>) semaphore(%dma_start3A_1721 : memref<!tpu.dma_semaphore, #tpu.memory_space<semaphore_mem>>)
      %add3A_1722 = arith.constant 2 : i32
      %add3A_1723 = arith.addi %add3A_1315, %add3A_1722 : i32
      %dma_wait3A_1724 = arith.constant 0 : i32
      %dma_wait3A_1725 = arith.constant 2 : i32
      %dma_wait3A_1726 = arith.constant 2 : i32
      %dma_wait3A_1727 = arith.constant 0 : i32
      %dma_wait3A_1728 = arith.constant 0 : i32
      %dma_wait3A_1729 = tpu.memref_slice %arg9[%dma_wait3A_1725, %dma_wait3A_1727, %dma_wait3A_1728] : memref<3x256x64xf32, #tpu.memory_space<vmem>> -> memref<1x128x64xf32, #tpu.memory_space<vmem>>
      %dma_wait3A_1730 = tpu.memref_squeeze %dma_wait3A_1729 : memref<1x128x64xf32, #tpu.memory_space<vmem>> -> memref<128x64xf32, #tpu.memory_space<vmem>>
      %dma_wait3A_1731 = arith.constant 0 : i32
      %dma_wait3A_1732 = tpu.memref_slice %arg7[%dma_wait3A_1724, %dma_wait3A_1731] : memref<200x128xi32, #tpu.memory_space<vmem>> -> memref<1x128xi32, #tpu.memory_space<vmem>>
      %dma_wait3A_1733 = tpu.memref_squeeze %dma_wait3A_1732 : memref<1x128xi32, #tpu.memory_space<vmem>> -> memref<128xi32, #tpu.memory_space<vmem>>
      %dma_wait3A_1734 = arith.constant 0 : i32
      %dma_wait3A_1735 = arith.constant 0 : i32
      %dma_wait3A_1736 = tpu.memref_slice %arg11[%dma_wait3A_1734, %dma_wait3A_1735] : memref<1000x64xf32, #tpu.memory_space<vmem_shared>> -> memref<1000x64xf32, #tpu.memory_space<vmem_shared>>
      %dma_wait3A_1737 = tpu.memref_slice %arg13[%dma_wait3A_1726] : memref<3x!tpu.dma_semaphore, #tpu.memory_space<semaphore_mem>> -> memref<1x!tpu.dma_semaphore, #tpu.memory_space<semaphore_mem>>
      %dma_wait3A_1738 = tpu.memref_squeeze %dma_wait3A_1737 : memref<1x!tpu.dma_semaphore, #tpu.memory_space<semaphore_mem>> -> memref<!tpu.dma_semaphore, #tpu.memory_space<semaphore_mem>>
      tpu.wait_indirect_dma semaphore(%dma_wait3A_1738 : memref<!tpu.dma_semaphore, #tpu.memory_space<semaphore_mem>>) src(%dma_wait3A_1736 : memref<1000x64xf32, #tpu.memory_space<vmem_shared>>) dst(%dma_wait3A_1730 : memref<128x64xf32, #tpu.memory_space<vmem>>)
      %dma_wait3A_1739 = arith.constant 0 : i32
      %dma_wait3A_1740 = arith.constant 2 : i32
      %dma_wait3A_1741 = arith.constant 2 : i32
      %dma_wait3A_1742 = arith.constant 0 : i32
      %dma_wait3A_1743 = arith.constant 0 : i32
      %dma_wait3A_1744 = tpu.memref_slice %arg10[%dma_wait3A_1740, %dma_wait3A_1742, %dma_wait3A_1743] : memref<3x256x32xf32, #tpu.memory_space<vmem>> -> memref<1x128x32xf32, #tpu.memory_space<vmem>>
      %dma_wait3A_1745 = tpu.memref_squeeze %dma_wait3A_1744 : memref<1x128x32xf32, #tpu.memory_space<vmem>> -> memref<128x32xf32, #tpu.memory_space<vmem>>
      %dma_wait3A_1746 = arith.constant 0 : i32
      %dma_wait3A_1747 = tpu.memref_slice %arg8[%dma_wait3A_1739, %dma_wait3A_1746] : memref<200x128xi32, #tpu.memory_space<vmem>> -> memref<1x128xi32, #tpu.memory_space<vmem>>
      %dma_wait3A_1748 = tpu.memref_squeeze %dma_wait3A_1747 : memref<1x128xi32, #tpu.memory_space<vmem>> -> memref<128xi32, #tpu.memory_space<vmem>>
      %dma_wait3A_1749 = arith.constant 0 : i32
      %dma_wait3A_1750 = arith.constant 0 : i32
      %dma_wait3A_1751 = tpu.memref_slice %arg12[%dma_wait3A_1749, %dma_wait3A_1750] : memref<1000x32xf32, #tpu.memory_space<vmem_shared>> -> memref<1000x32xf32, #tpu.memory_space<vmem_shared>>
      %dma_wait3A_1752 = tpu.memref_slice %arg13[%dma_wait3A_1741] : memref<3x!tpu.dma_semaphore, #tpu.memory_space<semaphore_mem>> -> memref<1x!tpu.dma_semaphore, #tpu.memory_space<semaphore_mem>>
      %dma_wait3A_1753 = tpu.memref_squeeze %dma_wait3A_1752 : memref<1x!tpu.dma_semaphore, #tpu.memory_space<semaphore_mem>> -> memref<!tpu.dma_semaphore, #tpu.memory_space<semaphore_mem>>
      tpu.wait_indirect_dma semaphore(%dma_wait3A_1753 : memref<!tpu.dma_semaphore, #tpu.memory_space<semaphore_mem>>) src(%dma_wait3A_1751 : memref<1000x32xf32, #tpu.memory_space<vmem_shared>>) dst(%dma_wait3A_1745 : memref<128x32xf32, #tpu.memory_space<vmem>>)
      %dma_wait3A_1754 = arith.constant 0 : i32
      %dma_wait3A_1755 = arith.constant 2 : i32
      %dma_wait3A_1756 = arith.constant 2 : i32
      %dma_wait3A_1757 = arith.constant 128 : i32
      %dma_wait3A_1758 = arith.constant 0 : i32
      %dma_wait3A_1759 = tpu.memref_slice %arg9[%dma_wait3A_1755, %dma_wait3A_1757, %dma_wait3A_1758] : memref<3x256x64xf32, #tpu.memory_space<vmem>> -> memref<1x128x64xf32, #tpu.memory_space<vmem>>
      %dma_wait3A_1760 = tpu.memref_squeeze %dma_wait3A_1759 : memref<1x128x64xf32, #tpu.memory_space<vmem>> -> memref<128x64xf32, #tpu.memory_space<vmem>>
      %dma_wait3A_1761 = arith.constant 0 : i32
      %dma_wait3A_1762 = tpu.memref_slice %arg7[%dma_wait3A_1754, %dma_wait3A_1761] : memref<200x128xi32, #tpu.memory_space<vmem>> -> memref<1x128xi32, #tpu.memory_space<vmem>>
      %dma_wait3A_1763 = tpu.memref_squeeze %dma_wait3A_1762 : memref<1x128xi32, #tpu.memory_space<vmem>> -> memref<128xi32, #tpu.memory_space<vmem>>
      %dma_wait3A_1764 = arith.constant 0 : i32
      %dma_wait3A_1765 = arith.constant 0 : i32
      %dma_wait3A_1766 = tpu.memref_slice %arg11[%dma_wait3A_1764, %dma_wait3A_1765] : memref<1000x64xf32, #tpu.memory_space<vmem_shared>> -> memref<1000x64xf32, #tpu.memory_space<vmem_shared>>
      %dma_wait3A_1767 = tpu.memref_slice %arg13[%dma_wait3A_1756] : memref<3x!tpu.dma_semaphore, #tpu.memory_space<semaphore_mem>> -> memref<1x!tpu.dma_semaphore, #tpu.memory_space<semaphore_mem>>
      %dma_wait3A_1768 = tpu.memref_squeeze %dma_wait3A_1767 : memref<1x!tpu.dma_semaphore, #tpu.memory_space<semaphore_mem>> -> memref<!tpu.dma_semaphore, #tpu.memory_space<semaphore_mem>>
      tpu.wait_indirect_dma semaphore(%dma_wait3A_1768 : memref<!tpu.dma_semaphore, #tpu.memory_space<semaphore_mem>>) src(%dma_wait3A_1766 : memref<1000x64xf32, #tpu.memory_space<vmem_shared>>) dst(%dma_wait3A_1760 : memref<128x64xf32, #tpu.memory_space<vmem>>)
      %dma_wait3A_1769 = arith.constant 0 : i32
      %dma_wait3A_1770 = arith.constant 2 : i32
      %dma_wait3A_1771 = arith.constant 2 : i32
      %dma_wait3A_1772 = arith.constant 128 : i32
      %dma_wait3A_1773 = arith.constant 0 : i32
      %dma_wait3A_1774 = tpu.memref_slice %arg10[%dma_wait3A_1770, %dma_wait3A_1772, %dma_wait3A_1773] : memref<3x256x32xf32, #tpu.memory_space<vmem>> -> memref<1x128x32xf32, #tpu.memory_space<vmem>>
      %dma_wait3A_1775 = tpu.memref_squeeze %dma_wait3A_1774 : memref<1x128x32xf32, #tpu.memory_space<vmem>> -> memref<128x32xf32, #tpu.memory_space<vmem>>
      %dma_wait3A_1776 = arith.constant 0 : i32
      %dma_wait3A_1777 = tpu.memref_slice %arg8[%dma_wait3A_1769, %dma_wait3A_1776] : memref<200x128xi32, #tpu.memory_space<vmem>> -> memref<1x128xi32, #tpu.memory_space<vmem>>
      %dma_wait3A_1778 = tpu.memref_squeeze %dma_wait3A_1777 : memref<1x128xi32, #tpu.memory_space<vmem>> -> memref<128xi32, #tpu.memory_space<vmem>>
      %dma_wait3A_1779 = arith.constant 0 : i32
      %dma_wait3A_1780 = arith.constant 0 : i32
      %dma_wait3A_1781 = tpu.memref_slice %arg12[%dma_wait3A_1779, %dma_wait3A_1780] : memref<1000x32xf32, #tpu.memory_space<vmem_shared>> -> memref<1000x32xf32, #tpu.memory_space<vmem_shared>>
      %dma_wait3A_1782 = tpu.memref_slice %arg13[%dma_wait3A_1771] : memref<3x!tpu.dma_semaphore, #tpu.memory_space<semaphore_mem>> -> memref<1x!tpu.dma_semaphore, #tpu.memory_space<semaphore_mem>>
      %dma_wait3A_1783 = tpu.memref_squeeze %dma_wait3A_1782 : memref<1x!tpu.dma_semaphore, #tpu.memory_space<semaphore_mem>> -> memref<!tpu.dma_semaphore, #tpu.memory_space<semaphore_mem>>
      tpu.wait_indirect_dma semaphore(%dma_wait3A_1783 : memref<!tpu.dma_semaphore, #tpu.memory_space<semaphore_mem>>) src(%dma_wait3A_1781 : memref<1000x32xf32, #tpu.memory_space<vmem_shared>>) dst(%dma_wait3A_1775 : memref<128x32xf32, #tpu.memory_space<vmem>>)
      %mul3A_1784 = arith.constant 256 : i32
      %mul3A_1785 = arith.muli %add3A_1723, %mul3A_1784 : i32
      %add3A_1786 = arith.addi %mul3A_2, %mul3A_1785 : i32
      %dma_start3A_1787 = arith.constant 2 : i32
      %dma_start3A_1788 = arith.constant 2 : i32
      %dma_start3A_1789 = arith.constant 0 : i32
      %dma_start3A_1790 = arith.constant 0 : i32
      %dma_start3A_1791 = tpu.memref_slice %arg9[%dma_start3A_1787, %dma_start3A_1789, %dma_start3A_1790] : memref<3x256x64xf32, #tpu.memory_space<vmem>> -> memref<1x256x64xf32, #tpu.memory_space<vmem>>
      %dma_start3A_1792 = tpu.memref_squeeze %dma_start3A_1791 : memref<1x256x64xf32, #tpu.memory_space<vmem>> -> memref<256x64xf32, #tpu.memory_space<vmem>>
      %dma_start3A_1793 = arith.constant 0 : i32
      %dma_start3A_1794 = tpu.memref_slice %arg6[%add3A_1786, %dma_start3A_1793] : memref<819200x128xf32, #tpu.memory_space<hbm>> -> memref<256x64xf32, #tpu.memory_space<hbm>>
      %dma_start3A_1795 = tpu.memref_slice %arg14[%dma_start3A_1788] : memref<3x!tpu.dma_semaphore, #tpu.memory_space<semaphore_mem>> -> memref<1x!tpu.dma_semaphore, #tpu.memory_space<semaphore_mem>>
      %dma_start3A_1796 = tpu.memref_squeeze %dma_start3A_1795 : memref<1x!tpu.dma_semaphore, #tpu.memory_space<semaphore_mem>> -> memref<!tpu.dma_semaphore, #tpu.memory_space<semaphore_mem>>
      %dma_start3A_1797 = arith.constant 0 : i32
      %dma_start3A_1798 = tpu.memref_slice %arg6[%add3A_1786, %dma_start3A_1797] : memref<819200x128xf32, #tpu.memory_space<hbm>> -> memref<256x64xf32, #tpu.memory_space<hbm>>
      %dma_start3A_1799 = arith.constant 0 : i32
      %dma_start3A_1800 = arith.constant 0 : i32
      %dma_start3A_1801 = tpu.memref_slice %arg9[%dma_start3A_1787, %dma_start3A_1799, %dma_start3A_1800] : memref<3x256x64xf32, #tpu.memory_space<vmem>> -> memref<1x256x64xf32, #tpu.memory_space<vmem>>
      %dma_start3A_1802 = tpu.memref_squeeze %dma_start3A_1801 : memref<1x256x64xf32, #tpu.memory_space<vmem>> -> memref<256x64xf32, #tpu.memory_space<vmem>>
      tpu.enqueue_dma source(%dma_start3A_1802 : memref<256x64xf32, #tpu.memory_space<vmem>>) target(%dma_start3A_1798 : memref<256x64xf32, #tpu.memory_space<hbm>>) target_semaphore(%dma_start3A_1796 : memref<!tpu.dma_semaphore, #tpu.memory_space<semaphore_mem>>)
      %dma_start3A_1803 = arith.constant 2 : i32
      %dma_start3A_1804 = arith.constant 2 : i32
      %dma_start3A_1805 = arith.constant 0 : i32
      %dma_start3A_1806 = arith.constant 0 : i32
      %dma_start3A_1807 = tpu.memref_slice %arg10[%dma_start3A_1803, %dma_start3A_1805, %dma_start3A_1806] : memref<3x256x32xf32, #tpu.memory_space<vmem>> -> memref<1x256x32xf32, #tpu.memory_space<vmem>>
      %dma_start3A_1808 = tpu.memref_squeeze %dma_start3A_1807 : memref<1x256x32xf32, #tpu.memory_space<vmem>> -> memref<256x32xf32, #tpu.memory_space<vmem>>
      %dma_start3A_1809 = arith.constant 64 : i32
      %dma_start3A_1810 = tpu.memref_slice %arg6[%add3A_1786, %dma_start3A_1809] : memref<819200x128xf32, #tpu.memory_space<hbm>> -> memref<256x32xf32, #tpu.memory_space<hbm>>
      %dma_start3A_1811 = tpu.memref_slice %arg14[%dma_start3A_1804] : memref<3x!tpu.dma_semaphore, #tpu.memory_space<semaphore_mem>> -> memref<1x!tpu.dma_semaphore, #tpu.memory_space<semaphore_mem>>
      %dma_start3A_1812 = tpu.memref_squeeze %dma_start3A_1811 : memref<1x!tpu.dma_semaphore, #tpu.memory_space<semaphore_mem>> -> memref<!tpu.dma_semaphore, #tpu.memory_space<semaphore_mem>>
      %dma_start3A_1813 = arith.constant 64 : i32
      %dma_start3A_1814 = tpu.memref_slice %arg6[%add3A_1786, %dma_start3A_1813] : memref<819200x128xf32, #tpu.memory_space<hbm>> -> memref<256x32xf32, #tpu.memory_space<hbm>>
      %dma_start3A_1815 = arith.constant 0 : i32
      %dma_start3A_1816 = arith.constant 0 : i32
      %dma_start3A_1817 = tpu.memref_slice %arg10[%dma_start3A_1803, %dma_start3A_1815, %dma_start3A_1816] : memref<3x256x32xf32, #tpu.memory_space<vmem>> -> memref<1x256x32xf32, #tpu.memory_space<vmem>>
      %dma_start3A_1818 = tpu.memref_squeeze %dma_start3A_1817 : memref<1x256x32xf32, #tpu.memory_space<vmem>> -> memref<256x32xf32, #tpu.memory_space<vmem>>
      tpu.enqueue_dma source(%dma_start3A_1818 : memref<256x32xf32, #tpu.memory_space<vmem>>) target(%dma_start3A_1814 : memref<256x32xf32, #tpu.memory_space<hbm>>) target_semaphore(%dma_start3A_1812 : memref<!tpu.dma_semaphore, #tpu.memory_space<semaphore_mem>>)
      %dma_wait3A_1819 = arith.constant 1 : i32
      %dma_wait3A_1820 = arith.constant 1 : i32
      %dma_wait3A_1821 = arith.constant 0 : i32
      %dma_wait3A_1822 = arith.constant 0 : i32
      %dma_wait3A_1823 = tpu.memref_slice %arg9[%dma_wait3A_1819, %dma_wait3A_1821, %dma_wait3A_1822] : memref<3x256x64xf32, #tpu.memory_space<vmem>> -> memref<1x256x64xf32, #tpu.memory_space<vmem>>
      %dma_wait3A_1824 = tpu.memref_squeeze %dma_wait3A_1823 : memref<1x256x64xf32, #tpu.memory_space<vmem>> -> memref<256x64xf32, #tpu.memory_space<vmem>>
      %dma_wait3A_1825 = arith.constant 0 : i32
      %dma_wait3A_1826 = tpu.memref_slice %arg6[%mul3A_2, %dma_wait3A_1825] : memref<819200x128xf32, #tpu.memory_space<hbm>> -> memref<256x64xf32, #tpu.memory_space<hbm>>
      %dma_wait3A_1827 = tpu.memref_slice %arg14[%dma_wait3A_1820] : memref<3x!tpu.dma_semaphore, #tpu.memory_space<semaphore_mem>> -> memref<1x!tpu.dma_semaphore, #tpu.memory_space<semaphore_mem>>
      %dma_wait3A_1828 = tpu.memref_squeeze %dma_wait3A_1827 : memref<1x!tpu.dma_semaphore, #tpu.memory_space<semaphore_mem>> -> memref<!tpu.dma_semaphore, #tpu.memory_space<semaphore_mem>>
      %dma_wait3A_1829 = arith.constant 0 : i32
      %dma_wait3A_1830 = tpu.memref_slice %arg6[%mul3A_2, %dma_wait3A_1829] : memref<819200x128xf32, #tpu.memory_space<hbm>> -> memref<256x64xf32, #tpu.memory_space<hbm>>
      %dma_wait3A_1831 = arith.constant 0 : i32
      %dma_wait3A_1832 = arith.constant 0 : i32
      %dma_wait3A_1833 = tpu.memref_slice %arg9[%dma_wait3A_1819, %dma_wait3A_1831, %dma_wait3A_1832] : memref<3x256x64xf32, #tpu.memory_space<vmem>> -> memref<1x256x64xf32, #tpu.memory_space<vmem>>
      %dma_wait3A_1834 = tpu.memref_squeeze %dma_wait3A_1833 : memref<1x256x64xf32, #tpu.memory_space<vmem>> -> memref<256x64xf32, #tpu.memory_space<vmem>>
      tpu.wait_dma2 semaphore(%dma_wait3A_1828 : memref<!tpu.dma_semaphore, #tpu.memory_space<semaphore_mem>>) src(%dma_wait3A_1834 : memref<256x64xf32, #tpu.memory_space<vmem>>) dst(%dma_wait3A_1830 : memref<256x64xf32, #tpu.memory_space<hbm>>)
      %dma_wait3A_1835 = arith.constant 1 : i32
      %dma_wait3A_1836 = arith.constant 1 : i32
      %dma_wait3A_1837 = arith.constant 0 : i32
      %dma_wait3A_1838 = arith.constant 0 : i32
      %dma_wait3A_1839 = tpu.memref_slice %arg10[%dma_wait3A_1835, %dma_wait3A_1837, %dma_wait3A_1838] : memref<3x256x32xf32, #tpu.memory_space<vmem>> -> memref<1x256x32xf32, #tpu.memory_space<vmem>>
      %dma_wait3A_1840 = tpu.memref_squeeze %dma_wait3A_1839 : memref<1x256x32xf32, #tpu.memory_space<vmem>> -> memref<256x32xf32, #tpu.memory_space<vmem>>
      %dma_wait3A_1841 = arith.constant 64 : i32
      %dma_wait3A_1842 = tpu.memref_slice %arg6[%mul3A_2, %dma_wait3A_1841] : memref<819200x128xf32, #tpu.memory_space<hbm>> -> memref<256x32xf32, #tpu.memory_space<hbm>>
      %dma_wait3A_1843 = tpu.memref_slice %arg14[%dma_wait3A_1836] : memref<3x!tpu.dma_semaphore, #tpu.memory_space<semaphore_mem>> -> memref<1x!tpu.dma_semaphore, #tpu.memory_space<semaphore_mem>>
      %dma_wait3A_1844 = tpu.memref_squeeze %dma_wait3A_1843 : memref<1x!tpu.dma_semaphore, #tpu.memory_space<semaphore_mem>> -> memref<!tpu.dma_semaphore, #tpu.memory_space<semaphore_mem>>
      %dma_wait3A_1845 = arith.constant 64 : i32
      %dma_wait3A_1846 = tpu.memref_slice %arg6[%mul3A_2, %dma_wait3A_1845] : memref<819200x128xf32, #tpu.memory_space<hbm>> -> memref<256x32xf32, #tpu.memory_space<hbm>>
      %dma_wait3A_1847 = arith.constant 0 : i32
      %dma_wait3A_1848 = arith.constant 0 : i32
      %dma_wait3A_1849 = tpu.memref_slice %arg10[%dma_wait3A_1835, %dma_wait3A_1847, %dma_wait3A_1848] : memref<3x256x32xf32, #tpu.memory_space<vmem>> -> memref<1x256x32xf32, #tpu.memory_space<vmem>>
      %dma_wait3A_1850 = tpu.memref_squeeze %dma_wait3A_1849 : memref<1x256x32xf32, #tpu.memory_space<vmem>> -> memref<256x32xf32, #tpu.memory_space<vmem>>
      tpu.wait_dma2 semaphore(%dma_wait3A_1844 : memref<!tpu.dma_semaphore, #tpu.memory_space<semaphore_mem>>) src(%dma_wait3A_1850 : memref<256x32xf32, #tpu.memory_space<vmem>>) dst(%dma_wait3A_1846 : memref<256x32xf32, #tpu.memory_space<hbm>>)
      %add3A_1851 = arith.constant 2 : i32
      %add3A_1852 = arith.addi %add3A_1723, %add3A_1851 : i32
      %mul3A_1853 = arith.constant 2 : i32
      %mul3A_1854 = arith.muli %mul3A_1853, %add3A_1852 : i32
      %add3A_1855 = arith.constant 0 : i32
      %add3A_1856 = arith.addi %mul3A_1854, %add3A_1855 : i32
      %dma_start3A_1857 = arith.constant 1 : i32
      %dma_start3A_1858 = arith.constant 1 : i32
      %dma_start3A_1859 = arith.constant 0 : i32
      %dma_start3A_1860 = arith.constant 0 : i32
      %dma_start3A_1861 = tpu.memref_slice %arg9[%dma_start3A_1857, %dma_start3A_1859, %dma_start3A_1860] : memref<3x256x64xf32, #tpu.memory_space<vmem>> -> memref<1x128x64xf32, #tpu.memory_space<vmem>>
      %dma_start3A_1862 = tpu.memref_squeeze %dma_start3A_1861 : memref<1x128x64xf32, #tpu.memory_space<vmem>> -> memref<128x64xf32, #tpu.memory_space<vmem>>
      %dma_start3A_1863 = arith.constant 0 : i32
      %dma_start3A_1864 = tpu.memref_slice %arg7[%add3A_1856, %dma_start3A_1863] : memref<200x128xi32, #tpu.memory_space<vmem>> -> memref<1x128xi32, #tpu.memory_space<vmem>>
      %dma_start3A_1865 = tpu.memref_squeeze %dma_start3A_1864 : memref<1x128xi32, #tpu.memory_space<vmem>> -> memref<128xi32, #tpu.memory_space<vmem>>
      %dma_start3A_1866 = arith.constant 0 : i32
      %dma_start3A_1867 = arith.constant 0 : i32
      %dma_start3A_1868 = tpu.memref_slice %arg11[%dma_start3A_1866, %dma_start3A_1867] : memref<1000x64xf32, #tpu.memory_space<vmem_shared>> -> memref<1000x64xf32, #tpu.memory_space<vmem_shared>>
      %dma_start3A_1869 = tpu.memref_slice %arg13[%dma_start3A_1858] : memref<3x!tpu.dma_semaphore, #tpu.memory_space<semaphore_mem>> -> memref<1x!tpu.dma_semaphore, #tpu.memory_space<semaphore_mem>>
      %dma_start3A_1870 = tpu.memref_squeeze %dma_start3A_1869 : memref<1x!tpu.dma_semaphore, #tpu.memory_space<semaphore_mem>> -> memref<!tpu.dma_semaphore, #tpu.memory_space<semaphore_mem>>
      tpu.enqueue_indirect_dma source(%dma_start3A_1868 : memref<1000x64xf32, #tpu.memory_space<vmem_shared>>) target(%dma_start3A_1862 : memref<128x64xf32, #tpu.memory_space<vmem>>) offsets(%dma_start3A_1865 : memref<128xi32, #tpu.memory_space<vmem>>) semaphore(%dma_start3A_1870 : memref<!tpu.dma_semaphore, #tpu.memory_space<semaphore_mem>>)
      %mul3A_1871 = arith.constant 2 : i32
      %mul3A_1872 = arith.muli %mul3A_1871, %add3A_1852 : i32
      %add3A_1873 = arith.constant 0 : i32
      %add3A_1874 = arith.addi %mul3A_1872, %add3A_1873 : i32
      %dma_start3A_1875 = arith.constant 1 : i32
      %dma_start3A_1876 = arith.constant 1 : i32
      %dma_start3A_1877 = arith.constant 0 : i32
      %dma_start3A_1878 = arith.constant 0 : i32
      %dma_start3A_1879 = tpu.memref_slice %arg10[%dma_start3A_1875, %dma_start3A_1877, %dma_start3A_1878] : memref<3x256x32xf32, #tpu.memory_space<vmem>> -> memref<1x128x32xf32, #tpu.memory_space<vmem>>
      %dma_start3A_1880 = tpu.memref_squeeze %dma_start3A_1879 : memref<1x128x32xf32, #tpu.memory_space<vmem>> -> memref<128x32xf32, #tpu.memory_space<vmem>>
      %dma_start3A_1881 = arith.constant 0 : i32
      %dma_start3A_1882 = tpu.memref_slice %arg8[%add3A_1874, %dma_start3A_1881] : memref<200x128xi32, #tpu.memory_space<vmem>> -> memref<1x128xi32, #tpu.memory_space<vmem>>
      %dma_start3A_1883 = tpu.memref_squeeze %dma_start3A_1882 : memref<1x128xi32, #tpu.memory_space<vmem>> -> memref<128xi32, #tpu.memory_space<vmem>>
      %dma_start3A_1884 = arith.constant 0 : i32
      %dma_start3A_1885 = arith.constant 0 : i32
      %dma_start3A_1886 = tpu.memref_slice %arg12[%dma_start3A_1884, %dma_start3A_1885] : memref<1000x32xf32, #tpu.memory_space<vmem_shared>> -> memref<1000x32xf32, #tpu.memory_space<vmem_shared>>
      %dma_start3A_1887 = tpu.memref_slice %arg13[%dma_start3A_1876] : memref<3x!tpu.dma_semaphore, #tpu.memory_space<semaphore_mem>> -> memref<1x!tpu.dma_semaphore, #tpu.memory_space<semaphore_mem>>
      %dma_start3A_1888 = tpu.memref_squeeze %dma_start3A_1887 : memref<1x!tpu.dma_semaphore, #tpu.memory_space<semaphore_mem>> -> memref<!tpu.dma_semaphore, #tpu.memory_space<semaphore_mem>>
      tpu.enqueue_indirect_dma source(%dma_start3A_1886 : memref<1000x32xf32, #tpu.memory_space<vmem_shared>>) target(%dma_start3A_1880 : memref<128x32xf32, #tpu.memory_space<vmem>>) offsets(%dma_start3A_1883 : memref<128xi32, #tpu.memory_space<vmem>>) semaphore(%dma_start3A_1888 : memref<!tpu.dma_semaphore, #tpu.memory_space<semaphore_mem>>)
      %mul3A_1889 = arith.constant 2 : i32
      %mul3A_1890 = arith.muli %mul3A_1889, %add3A_1852 : i32
      %add3A_1891 = arith.constant 1 : i32
      %add3A_1892 = arith.addi %mul3A_1890, %add3A_1891 : i32
      %dma_start3A_1893 = arith.constant 1 : i32
      %dma_start3A_1894 = arith.constant 1 : i32
      %dma_start3A_1895 = arith.constant 128 : i32
      %dma_start3A_1896 = arith.constant 0 : i32
      %dma_start3A_1897 = tpu.memref_slice %arg9[%dma_start3A_1893, %dma_start3A_1895, %dma_start3A_1896] : memref<3x256x64xf32, #tpu.memory_space<vmem>> -> memref<1x128x64xf32, #tpu.memory_space<vmem>>
      %dma_start3A_1898 = tpu.memref_squeeze %dma_start3A_1897 : memref<1x128x64xf32, #tpu.memory_space<vmem>> -> memref<128x64xf32, #tpu.memory_space<vmem>>
      %dma_start3A_1899 = arith.constant 0 : i32
      %dma_start3A_1900 = tpu.memref_slice %arg7[%add3A_1892, %dma_start3A_1899] : memref<200x128xi32, #tpu.memory_space<vmem>> -> memref<1x128xi32, #tpu.memory_space<vmem>>
      %dma_start3A_1901 = tpu.memref_squeeze %dma_start3A_1900 : memref<1x128xi32, #tpu.memory_space<vmem>> -> memref<128xi32, #tpu.memory_space<vmem>>
      %dma_start3A_1902 = arith.constant 0 : i32
      %dma_start3A_1903 = arith.constant 0 : i32
      %dma_start3A_1904 = tpu.memref_slice %arg11[%dma_start3A_1902, %dma_start3A_1903] : memref<1000x64xf32, #tpu.memory_space<vmem_shared>> -> memref<1000x64xf32, #tpu.memory_space<vmem_shared>>
      %dma_start3A_1905 = tpu.memref_slice %arg13[%dma_start3A_1894] : memref<3x!tpu.dma_semaphore, #tpu.memory_space<semaphore_mem>> -> memref<1x!tpu.dma_semaphore, #tpu.memory_space<semaphore_mem>>
      %dma_start3A_1906 = tpu.memref_squeeze %dma_start3A_1905 : memref<1x!tpu.dma_semaphore, #tpu.memory_space<semaphore_mem>> -> memref<!tpu.dma_semaphore, #tpu.memory_space<semaphore_mem>>
      tpu.enqueue_indirect_dma source(%dma_start3A_1904 : memref<1000x64xf32, #tpu.memory_space<vmem_shared>>) target(%dma_start3A_1898 : memref<128x64xf32, #tpu.memory_space<vmem>>) offsets(%dma_start3A_1901 : memref<128xi32, #tpu.memory_space<vmem>>) semaphore(%dma_start3A_1906 : memref<!tpu.dma_semaphore, #tpu.memory_space<semaphore_mem>>)
      %mul3A_1907 = arith.constant 2 : i32
      %mul3A_1908 = arith.muli %mul3A_1907, %add3A_1852 : i32
      %add3A_1909 = arith.constant 1 : i32
      %add3A_1910 = arith.addi %mul3A_1908, %add3A_1909 : i32
      %dma_start3A_1911 = arith.constant 1 : i32
      %dma_start3A_1912 = arith.constant 1 : i32
      %dma_start3A_1913 = arith.constant 128 : i32
      %dma_start3A_1914 = arith.constant 0 : i32
      %dma_start3A_1915 = tpu.memref_slice %arg10[%dma_start3A_1911, %dma_start3A_1913, %dma_start3A_1914] : memref<3x256x32xf32, #tpu.memory_space<vmem>> -> memref<1x128x32xf32, #tpu.memory_space<vmem>>
      %dma_start3A_1916 = tpu.memref_squeeze %dma_start3A_1915 : memref<1x128x32xf32, #tpu.memory_space<vmem>> -> memref<128x32xf32, #tpu.memory_space<vmem>>
      %dma_start3A_1917 = arith.constant 0 : i32
      %dma_start3A_1918 = tpu.memref_slice %arg8[%add3A_1910, %dma_start3A_1917] : memref<200x128xi32, #tpu.memory_space<vmem>> -> memref<1x128xi32, #tpu.memory_space<vmem>>
      %dma_start3A_1919 = tpu.memref_squeeze %dma_start3A_1918 : memref<1x128xi32, #tpu.memory_space<vmem>> -> memref<128xi32, #tpu.memory_space<vmem>>
      %dma_start3A_1920 = arith.constant 0 : i32
      %dma_start3A_1921 = arith.constant 0 : i32
      %dma_start3A_1922 = tpu.memref_slice %arg12[%dma_start3A_1920, %dma_start3A_1921] : memref<1000x32xf32, #tpu.memory_space<vmem_shared>> -> memref<1000x32xf32, #tpu.memory_space<vmem_shared>>
      %dma_start3A_1923 = tpu.memref_slice %arg13[%dma_start3A_1912] : memref<3x!tpu.dma_semaphore, #tpu.memory_space<semaphore_mem>> -> memref<1x!tpu.dma_semaphore, #tpu.memory_space<semaphore_mem>>
      %dma_start3A_1924 = tpu.memref_squeeze %dma_start3A_1923 : memref<1x!tpu.dma_semaphore, #tpu.memory_space<semaphore_mem>> -> memref<!tpu.dma_semaphore, #tpu.memory_space<semaphore_mem>>
      tpu.enqueue_indirect_dma source(%dma_start3A_1922 : memref<1000x32xf32, #tpu.memory_space<vmem_shared>>) target(%dma_start3A_1916 : memref<128x32xf32, #tpu.memory_space<vmem>>) offsets(%dma_start3A_1919 : memref<128xi32, #tpu.memory_space<vmem>>) semaphore(%dma_start3A_1924 : memref<!tpu.dma_semaphore, #tpu.memory_space<semaphore_mem>>)
    }
    %scan3A_654 = arith.constant 31 : i32
    %dma_wait3A_655 = arith.constant 0 : i32
    %dma_wait3A_656 = arith.constant 0 : i32
    %dma_wait3A_657 = arith.constant 0 : i32
    %dma_wait3A_658 = arith.constant 0 : i32
    %dma_wait3A_659 = arith.constant 0 : i32
    %dma_wait3A_660 = tpu.memref_slice %arg9[%dma_wait3A_656, %dma_wait3A_658, %dma_wait3A_659] : memref<3x256x64xf32, #tpu.memory_space<vmem>> -> memref<1x128x64xf32, #tpu.memory_space<vmem>>
    %dma_wait3A_661 = tpu.memref_squeeze %dma_wait3A_660 : memref<1x128x64xf32, #tpu.memory_space<vmem>> -> memref<128x64xf32, #tpu.memory_space<vmem>>
    %dma_wait3A_662 = arith.constant 0 : i32
    %dma_wait3A_663 = tpu.memref_slice %arg7[%dma_wait3A_655, %dma_wait3A_662] : memref<200x128xi32, #tpu.memory_space<vmem>> -> memref<1x128xi32, #tpu.memory_space<vmem>>
    %dma_wait3A_664 = tpu.memref_squeeze %dma_wait3A_663 : memref<1x128xi32, #tpu.memory_space<vmem>> -> memref<128xi32, #tpu.memory_space<vmem>>
    %dma_wait3A_665 = arith.constant 0 : i32
    %dma_wait3A_666 = arith.constant 0 : i32
    %dma_wait3A_667 = tpu.memref_slice %arg11[%dma_wait3A_665, %dma_wait3A_666] : memref<1000x64xf32, #tpu.memory_space<vmem_shared>> -> memref<1000x64xf32, #tpu.memory_space<vmem_shared>>
    %dma_wait3A_668 = tpu.memref_slice %arg13[%dma_wait3A_657] : memref<3x!tpu.dma_semaphore, #tpu.memory_space<semaphore_mem>> -> memref<1x!tpu.dma_semaphore, #tpu.memory_space<semaphore_mem>>
    %dma_wait3A_669 = tpu.memref_squeeze %dma_wait3A_668 : memref<1x!tpu.dma_semaphore, #tpu.memory_space<semaphore_mem>> -> memref<!tpu.dma_semaphore, #tpu.memory_space<semaphore_mem>>
    tpu.wait_indirect_dma semaphore(%dma_wait3A_669 : memref<!tpu.dma_semaphore, #tpu.memory_space<semaphore_mem>>) src(%dma_wait3A_667 : memref<1000x64xf32, #tpu.memory_space<vmem_shared>>) dst(%dma_wait3A_661 : memref<128x64xf32, #tpu.memory_space<vmem>>)
    %dma_wait3A_670 = arith.constant 0 : i32
    %dma_wait3A_671 = arith.constant 0 : i32
    %dma_wait3A_672 = arith.constant 0 : i32
    %dma_wait3A_673 = arith.constant 0 : i32
    %dma_wait3A_674 = arith.constant 0 : i32
    %dma_wait3A_675 = tpu.memref_slice %arg10[%dma_wait3A_671, %dma_wait3A_673, %dma_wait3A_674] : memref<3x256x32xf32, #tpu.memory_space<vmem>> -> memref<1x128x32xf32, #tpu.memory_space<vmem>>
    %dma_wait3A_676 = tpu.memref_squeeze %dma_wait3A_675 : memref<1x128x32xf32, #tpu.memory_space<vmem>> -> memref<128x32xf32, #tpu.memory_space<vmem>>
    %dma_wait3A_677 = arith.constant 0 : i32
    %dma_wait3A_678 = tpu.memref_slice %arg8[%dma_wait3A_670, %dma_wait3A_677] : memref<200x128xi32, #tpu.memory_space<vmem>> -> memref<1x128xi32, #tpu.memory_space<vmem>>
    %dma_wait3A_679 = tpu.memref_squeeze %dma_wait3A_678 : memref<1x128xi32, #tpu.memory_space<vmem>> -> memref<128xi32, #tpu.memory_space<vmem>>
    %dma_wait3A_680 = arith.constant 0 : i32
    %dma_wait3A_681 = arith.constant 0 : i32
    %dma_wait3A_682 = tpu.memref_slice %arg12[%dma_wait3A_680, %dma_wait3A_681] : memref<1000x32xf32, #tpu.memory_space<vmem_shared>> -> memref<1000x32xf32, #tpu.memory_space<vmem_shared>>
    %dma_wait3A_683 = tpu.memref_slice %arg13[%dma_wait3A_672] : memref<3x!tpu.dma_semaphore, #tpu.memory_space<semaphore_mem>> -> memref<1x!tpu.dma_semaphore, #tpu.memory_space<semaphore_mem>>
    %dma_wait3A_684 = tpu.memref_squeeze %dma_wait3A_683 : memref<1x!tpu.dma_semaphore, #tpu.memory_space<semaphore_mem>> -> memref<!tpu.dma_semaphore, #tpu.memory_space<semaphore_mem>>
    tpu.wait_indirect_dma semaphore(%dma_wait3A_684 : memref<!tpu.dma_semaphore, #tpu.memory_space<semaphore_mem>>) src(%dma_wait3A_682 : memref<1000x32xf32, #tpu.memory_space<vmem_shared>>) dst(%dma_wait3A_676 : memref<128x32xf32, #tpu.memory_space<vmem>>)
    %dma_wait3A_685 = arith.constant 0 : i32
    %dma_wait3A_686 = arith.constant 0 : i32
    %dma_wait3A_687 = arith.constant 0 : i32
    %dma_wait3A_688 = arith.constant 128 : i32
    %dma_wait3A_689 = arith.constant 0 : i32
    %dma_wait3A_690 = tpu.memref_slice %arg9[%dma_wait3A_686, %dma_wait3A_688, %dma_wait3A_689] : memref<3x256x64xf32, #tpu.memory_space<vmem>> -> memref<1x128x64xf32, #tpu.memory_space<vmem>>
    %dma_wait3A_691 = tpu.memref_squeeze %dma_wait3A_690 : memref<1x128x64xf32, #tpu.memory_space<vmem>> -> memref<128x64xf32, #tpu.memory_space<vmem>>
    %dma_wait3A_692 = arith.constant 0 : i32
    %dma_wait3A_693 = tpu.memref_slice %arg7[%dma_wait3A_685, %dma_wait3A_692] : memref<200x128xi32, #tpu.memory_space<vmem>> -> memref<1x128xi32, #tpu.memory_space<vmem>>
    %dma_wait3A_694 = tpu.memref_squeeze %dma_wait3A_693 : memref<1x128xi32, #tpu.memory_space<vmem>> -> memref<128xi32, #tpu.memory_space<vmem>>
    %dma_wait3A_695 = arith.constant 0 : i32
    %dma_wait3A_696 = arith.constant 0 : i32
    %dma_wait3A_697 = tpu.memref_slice %arg11[%dma_wait3A_695, %dma_wait3A_696] : memref<1000x64xf32, #tpu.memory_space<vmem_shared>> -> memref<1000x64xf32, #tpu.memory_space<vmem_shared>>
    %dma_wait3A_698 = tpu.memref_slice %arg13[%dma_wait3A_687] : memref<3x!tpu.dma_semaphore, #tpu.memory_space<semaphore_mem>> -> memref<1x!tpu.dma_semaphore, #tpu.memory_space<semaphore_mem>>
    %dma_wait3A_699 = tpu.memref_squeeze %dma_wait3A_698 : memref<1x!tpu.dma_semaphore, #tpu.memory_space<semaphore_mem>> -> memref<!tpu.dma_semaphore, #tpu.memory_space<semaphore_mem>>
    tpu.wait_indirect_dma semaphore(%dma_wait3A_699 : memref<!tpu.dma_semaphore, #tpu.memory_space<semaphore_mem>>) src(%dma_wait3A_697 : memref<1000x64xf32, #tpu.memory_space<vmem_shared>>) dst(%dma_wait3A_691 : memref<128x64xf32, #tpu.memory_space<vmem>>)
    %dma_wait3A_700 = arith.constant 0 : i32
    %dma_wait3A_701 = arith.constant 0 : i32
    %dma_wait3A_702 = arith.constant 0 : i32
    %dma_wait3A_703 = arith.constant 128 : i32
    %dma_wait3A_704 = arith.constant 0 : i32
    %dma_wait3A_705 = tpu.memref_slice %arg10[%dma_wait3A_701, %dma_wait3A_703, %dma_wait3A_704] : memref<3x256x32xf32, #tpu.memory_space<vmem>> -> memref<1x128x32xf32, #tpu.memory_space<vmem>>
    %dma_wait3A_706 = tpu.memref_squeeze %dma_wait3A_705 : memref<1x128x32xf32, #tpu.memory_space<vmem>> -> memref<128x32xf32, #tpu.memory_space<vmem>>
    %dma_wait3A_707 = arith.constant 0 : i32
    %dma_wait3A_708 = tpu.memref_slice %arg8[%dma_wait3A_700, %dma_wait3A_707] : memref<200x128xi32, #tpu.memory_space<vmem>> -> memref<1x128xi32, #tpu.memory_space<vmem>>
    %dma_wait3A_709 = tpu.memref_squeeze %dma_wait3A_708 : memref<1x128xi32, #tpu.memory_space<vmem>> -> memref<128xi32, #tpu.memory_space<vmem>>
    %dma_wait3A_710 = arith.constant 0 : i32
    %dma_wait3A_711 = arith.constant 0 : i32
    %dma_wait3A_712 = tpu.memref_slice %arg12[%dma_wait3A_710, %dma_wait3A_711] : memref<1000x32xf32, #tpu.memory_space<vmem_shared>> -> memref<1000x32xf32, #tpu.memory_space<vmem_shared>>
    %dma_wait3A_713 = tpu.memref_slice %arg13[%dma_wait3A_702] : memref<3x!tpu.dma_semaphore, #tpu.memory_space<semaphore_mem>> -> memref<1x!tpu.dma_semaphore, #tpu.memory_space<semaphore_mem>>
    %dma_wait3A_714 = tpu.memref_squeeze %dma_wait3A_713 : memref<1x!tpu.dma_semaphore, #tpu.memory_space<semaphore_mem>> -> memref<!tpu.dma_semaphore, #tpu.memory_space<semaphore_mem>>
    tpu.wait_indirect_dma semaphore(%dma_wait3A_714 : memref<!tpu.dma_semaphore, #tpu.memory_space<semaphore_mem>>) src(%dma_wait3A_712 : memref<1000x32xf32, #tpu.memory_space<vmem_shared>>) dst(%dma_wait3A_706 : memref<128x32xf32, #tpu.memory_space<vmem>>)
    %add3A_715 = arith.constant 24576 : i32
    %add3A_716 = arith.addi %mul3A_2, %add3A_715 : i32
    %dma_start3A_717 = arith.constant 0 : i32
    %dma_start3A_718 = arith.constant 0 : i32
    %dma_start3A_719 = arith.constant 0 : i32
    %dma_start3A_720 = arith.constant 0 : i32
    %dma_start3A_721 = tpu.memref_slice %arg9[%dma_start3A_717, %dma_start3A_719, %dma_start3A_720] : memref<3x256x64xf32, #tpu.memory_space<vmem>> -> memref<1x256x64xf32, #tpu.memory_space<vmem>>
    %dma_start3A_722 = tpu.memref_squeeze %dma_start3A_721 : memref<1x256x64xf32, #tpu.memory_space<vmem>> -> memref<256x64xf32, #tpu.memory_space<vmem>>
    %dma_start3A_723 = arith.constant 0 : i32
    %dma_start3A_724 = tpu.memref_slice %arg6[%add3A_716, %dma_start3A_723] : memref<819200x128xf32, #tpu.memory_space<hbm>> -> memref<256x64xf32, #tpu.memory_space<hbm>>
    %dma_start3A_725 = tpu.memref_slice %arg14[%dma_start3A_718] : memref<3x!tpu.dma_semaphore, #tpu.memory_space<semaphore_mem>> -> memref<1x!tpu.dma_semaphore, #tpu.memory_space<semaphore_mem>>
    %dma_start3A_726 = tpu.memref_squeeze %dma_start3A_725 : memref<1x!tpu.dma_semaphore, #tpu.memory_space<semaphore_mem>> -> memref<!tpu.dma_semaphore, #tpu.memory_space<semaphore_mem>>
    %dma_start3A_727 = arith.constant 0 : i32
    %dma_start3A_728 = tpu.memref_slice %arg6[%add3A_716, %dma_start3A_727] : memref<819200x128xf32, #tpu.memory_space<hbm>> -> memref<256x64xf32, #tpu.memory_space<hbm>>
    %dma_start3A_729 = arith.constant 0 : i32
    %dma_start3A_730 = arith.constant 0 : i32
    %dma_start3A_731 = tpu.memref_slice %arg9[%dma_start3A_717, %dma_start3A_729, %dma_start3A_730] : memref<3x256x64xf32, #tpu.memory_space<vmem>> -> memref<1x256x64xf32, #tpu.memory_space<vmem>>
    %dma_start3A_732 = tpu.memref_squeeze %dma_start3A_731 : memref<1x256x64xf32, #tpu.memory_space<vmem>> -> memref<256x64xf32, #tpu.memory_space<vmem>>
    tpu.enqueue_dma source(%dma_start3A_732 : memref<256x64xf32, #tpu.memory_space<vmem>>) target(%dma_start3A_728 : memref<256x64xf32, #tpu.memory_space<hbm>>) target_semaphore(%dma_start3A_726 : memref<!tpu.dma_semaphore, #tpu.memory_space<semaphore_mem>>)
    %dma_start3A_733 = arith.constant 0 : i32
    %dma_start3A_734 = arith.constant 0 : i32
    %dma_start3A_735 = arith.constant 0 : i32
    %dma_start3A_736 = arith.constant 0 : i32
    %dma_start3A_737 = tpu.memref_slice %arg10[%dma_start3A_733, %dma_start3A_735, %dma_start3A_736] : memref<3x256x32xf32, #tpu.memory_space<vmem>> -> memref<1x256x32xf32, #tpu.memory_space<vmem>>
    %dma_start3A_738 = tpu.memref_squeeze %dma_start3A_737 : memref<1x256x32xf32, #tpu.memory_space<vmem>> -> memref<256x32xf32, #tpu.memory_space<vmem>>
    %dma_start3A_739 = arith.constant 64 : i32
    %dma_start3A_740 = tpu.memref_slice %arg6[%add3A_716, %dma_start3A_739] : memref<819200x128xf32, #tpu.memory_space<hbm>> -> memref<256x32xf32, #tpu.memory_space<hbm>>
    %dma_start3A_741 = tpu.memref_slice %arg14[%dma_start3A_734] : memref<3x!tpu.dma_semaphore, #tpu.memory_space<semaphore_mem>> -> memref<1x!tpu.dma_semaphore, #tpu.memory_space<semaphore_mem>>
    %dma_start3A_742 = tpu.memref_squeeze %dma_start3A_741 : memref<1x!tpu.dma_semaphore, #tpu.memory_space<semaphore_mem>> -> memref<!tpu.dma_semaphore, #tpu.memory_space<semaphore_mem>>
    %dma_start3A_743 = arith.constant 64 : i32
    %dma_start3A_744 = tpu.memref_slice %arg6[%add3A_716, %dma_start3A_743] : memref<819200x128xf32, #tpu.memory_space<hbm>> -> memref<256x32xf32, #tpu.memory_space<hbm>>
    %dma_start3A_745 = arith.constant 0 : i32
    %dma_start3A_746 = arith.constant 0 : i32
    %dma_start3A_747 = tpu.memref_slice %arg10[%dma_start3A_733, %dma_start3A_745, %dma_start3A_746] : memref<3x256x32xf32, #tpu.memory_space<vmem>> -> memref<1x256x32xf32, #tpu.memory_space<vmem>>
    %dma_start3A_748 = tpu.memref_squeeze %dma_start3A_747 : memref<1x256x32xf32, #tpu.memory_space<vmem>> -> memref<256x32xf32, #tpu.memory_space<vmem>>
    tpu.enqueue_dma source(%dma_start3A_748 : memref<256x32xf32, #tpu.memory_space<vmem>>) target(%dma_start3A_744 : memref<256x32xf32, #tpu.memory_space<hbm>>) target_semaphore(%dma_start3A_742 : memref<!tpu.dma_semaphore, #tpu.memory_space<semaphore_mem>>)
    %dma_wait3A_749 = arith.constant 2 : i32
    %dma_wait3A_750 = arith.constant 2 : i32
    %dma_wait3A_751 = arith.constant 0 : i32
    %dma_wait3A_752 = arith.constant 0 : i32
    %dma_wait3A_753 = tpu.memref_slice %arg9[%dma_wait3A_749, %dma_wait3A_751, %dma_wait3A_752] : memref<3x256x64xf32, #tpu.memory_space<vmem>> -> memref<1x256x64xf32, #tpu.memory_space<vmem>>
    %dma_wait3A_754 = tpu.memref_squeeze %dma_wait3A_753 : memref<1x256x64xf32, #tpu.memory_space<vmem>> -> memref<256x64xf32, #tpu.memory_space<vmem>>
    %dma_wait3A_755 = arith.constant 0 : i32
    %dma_wait3A_756 = tpu.memref_slice %arg6[%mul3A_2, %dma_wait3A_755] : memref<819200x128xf32, #tpu.memory_space<hbm>> -> memref<256x64xf32, #tpu.memory_space<hbm>>
    %dma_wait3A_757 = tpu.memref_slice %arg14[%dma_wait3A_750] : memref<3x!tpu.dma_semaphore, #tpu.memory_space<semaphore_mem>> -> memref<1x!tpu.dma_semaphore, #tpu.memory_space<semaphore_mem>>
    %dma_wait3A_758 = tpu.memref_squeeze %dma_wait3A_757 : memref<1x!tpu.dma_semaphore, #tpu.memory_space<semaphore_mem>> -> memref<!tpu.dma_semaphore, #tpu.memory_space<semaphore_mem>>
    %dma_wait3A_759 = arith.constant 0 : i32
    %dma_wait3A_760 = tpu.memref_slice %arg6[%mul3A_2, %dma_wait3A_759] : memref<819200x128xf32, #tpu.memory_space<hbm>> -> memref<256x64xf32, #tpu.memory_space<hbm>>
    %dma_wait3A_761 = arith.constant 0 : i32
    %dma_wait3A_762 = arith.constant 0 : i32
    %dma_wait3A_763 = tpu.memref_slice %arg9[%dma_wait3A_749, %dma_wait3A_761, %dma_wait3A_762] : memref<3x256x64xf32, #tpu.memory_space<vmem>> -> memref<1x256x64xf32, #tpu.memory_space<vmem>>
    %dma_wait3A_764 = tpu.memref_squeeze %dma_wait3A_763 : memref<1x256x64xf32, #tpu.memory_space<vmem>> -> memref<256x64xf32, #tpu.memory_space<vmem>>
    tpu.wait_dma2 semaphore(%dma_wait3A_758 : memref<!tpu.dma_semaphore, #tpu.memory_space<semaphore_mem>>) src(%dma_wait3A_764 : memref<256x64xf32, #tpu.memory_space<vmem>>) dst(%dma_wait3A_760 : memref<256x64xf32, #tpu.memory_space<hbm>>)
    %dma_wait3A_765 = arith.constant 2 : i32
    %dma_wait3A_766 = arith.constant 2 : i32
    %dma_wait3A_767 = arith.constant 0 : i32
    %dma_wait3A_768 = arith.constant 0 : i32
    %dma_wait3A_769 = tpu.memref_slice %arg10[%dma_wait3A_765, %dma_wait3A_767, %dma_wait3A_768] : memref<3x256x32xf32, #tpu.memory_space<vmem>> -> memref<1x256x32xf32, #tpu.memory_space<vmem>>
    %dma_wait3A_770 = tpu.memref_squeeze %dma_wait3A_769 : memref<1x256x32xf32, #tpu.memory_space<vmem>> -> memref<256x32xf32, #tpu.memory_space<vmem>>
    %dma_wait3A_771 = arith.constant 64 : i32
    %dma_wait3A_772 = tpu.memref_slice %arg6[%mul3A_2, %dma_wait3A_771] : memref<819200x128xf32, #tpu.memory_space<hbm>> -> memref<256x32xf32, #tpu.memory_space<hbm>>
    %dma_wait3A_773 = tpu.memref_slice %arg14[%dma_wait3A_766] : memref<3x!tpu.dma_semaphore, #tpu.memory_space<semaphore_mem>> -> memref<1x!tpu.dma_semaphore, #tpu.memory_space<semaphore_mem>>
    %dma_wait3A_774 = tpu.memref_squeeze %dma_wait3A_773 : memref<1x!tpu.dma_semaphore, #tpu.memory_space<semaphore_mem>> -> memref<!tpu.dma_semaphore, #tpu.memory_space<semaphore_mem>>
    %dma_wait3A_775 = arith.constant 64 : i32
    %dma_wait3A_776 = tpu.memref_slice %arg6[%mul3A_2, %dma_wait3A_775] : memref<819200x128xf32, #tpu.memory_space<hbm>> -> memref<256x32xf32, #tpu.memory_space<hbm>>
    %dma_wait3A_777 = arith.constant 0 : i32
    %dma_wait3A_778 = arith.constant 0 : i32
    %dma_wait3A_779 = tpu.memref_slice %arg10[%dma_wait3A_765, %dma_wait3A_777, %dma_wait3A_778] : memref<3x256x32xf32, #tpu.memory_space<vmem>> -> memref<1x256x32xf32, #tpu.memory_space<vmem>>
    %dma_wait3A_780 = tpu.memref_squeeze %dma_wait3A_779 : memref<1x256x32xf32, #tpu.memory_space<vmem>> -> memref<256x32xf32, #tpu.memory_space<vmem>>
    tpu.wait_dma2 semaphore(%dma_wait3A_774 : memref<!tpu.dma_semaphore, #tpu.memory_space<semaphore_mem>>) src(%dma_wait3A_780 : memref<256x32xf32, #tpu.memory_space<vmem>>) dst(%dma_wait3A_776 : memref<256x32xf32, #tpu.memory_space<hbm>>)
    %dma_start3A_781 = arith.constant 196 : i32
    %dma_start3A_782 = arith.constant 2 : i32
    %dma_start3A_783 = arith.constant 2 : i32
    %dma_start3A_784 = arith.constant 0 : i32
    %dma_start3A_785 = arith.constant 0 : i32
    %dma_start3A_786 = tpu.memref_slice %arg9[%dma_start3A_782, %dma_start3A_784, %dma_start3A_785] : memref<3x256x64xf32, #tpu.memory_space<vmem>> -> memref<1x128x64xf32, #tpu.memory_space<vmem>>
    %dma_start3A_787 = tpu.memref_squeeze %dma_start3A_786 : memref<1x128x64xf32, #tpu.memory_space<vmem>> -> memref<128x64xf32, #tpu.memory_space<vmem>>
    %dma_start3A_788 = arith.constant 0 : i32
    %dma_start3A_789 = tpu.memref_slice %arg7[%dma_start3A_781, %dma_start3A_788] : memref<200x128xi32, #tpu.memory_space<vmem>> -> memref<1x128xi32, #tpu.memory_space<vmem>>
    %dma_start3A_790 = tpu.memref_squeeze %dma_start3A_789 : memref<1x128xi32, #tpu.memory_space<vmem>> -> memref<128xi32, #tpu.memory_space<vmem>>
    %dma_start3A_791 = arith.constant 0 : i32
    %dma_start3A_792 = arith.constant 0 : i32
    %dma_start3A_793 = tpu.memref_slice %arg11[%dma_start3A_791, %dma_start3A_792] : memref<1000x64xf32, #tpu.memory_space<vmem_shared>> -> memref<1000x64xf32, #tpu.memory_space<vmem_shared>>
    %dma_start3A_794 = tpu.memref_slice %arg13[%dma_start3A_783] : memref<3x!tpu.dma_semaphore, #tpu.memory_space<semaphore_mem>> -> memref<1x!tpu.dma_semaphore, #tpu.memory_space<semaphore_mem>>
    %dma_start3A_795 = tpu.memref_squeeze %dma_start3A_794 : memref<1x!tpu.dma_semaphore, #tpu.memory_space<semaphore_mem>> -> memref<!tpu.dma_semaphore, #tpu.memory_space<semaphore_mem>>
    tpu.enqueue_indirect_dma source(%dma_start3A_793 : memref<1000x64xf32, #tpu.memory_space<vmem_shared>>) target(%dma_start3A_787 : memref<128x64xf32, #tpu.memory_space<vmem>>) offsets(%dma_start3A_790 : memref<128xi32, #tpu.memory_space<vmem>>) semaphore(%dma_start3A_795 : memref<!tpu.dma_semaphore, #tpu.memory_space<semaphore_mem>>)
    %dma_start3A_796 = arith.constant 196 : i32
    %dma_start3A_797 = arith.constant 2 : i32
    %dma_start3A_798 = arith.constant 2 : i32
    %dma_start3A_799 = arith.constant 0 : i32
    %dma_start3A_800 = arith.constant 0 : i32
    %dma_start3A_801 = tpu.memref_slice %arg10[%dma_start3A_797, %dma_start3A_799, %dma_start3A_800] : memref<3x256x32xf32, #tpu.memory_space<vmem>> -> memref<1x128x32xf32, #tpu.memory_space<vmem>>
    %dma_start3A_802 = tpu.memref_squeeze %dma_start3A_801 : memref<1x128x32xf32, #tpu.memory_space<vmem>> -> memref<128x32xf32, #tpu.memory_space<vmem>>
    %dma_start3A_803 = arith.constant 0 : i32
    %dma_start3A_804 = tpu.memref_slice %arg8[%dma_start3A_796, %dma_start3A_803] : memref<200x128xi32, #tpu.memory_space<vmem>> -> memref<1x128xi32, #tpu.memory_space<vmem>>
    %dma_start3A_805 = tpu.memref_squeeze %dma_start3A_804 : memref<1x128xi32, #tpu.memory_space<vmem>> -> memref<128xi32, #tpu.memory_space<vmem>>
    %dma_start3A_806 = arith.constant 0 : i32
    %dma_start3A_807 = arith.constant 0 : i32
    %dma_start3A_808 = tpu.memref_slice %arg12[%dma_start3A_806, %dma_start3A_807] : memref<1000x32xf32, #tpu.memory_space<vmem_shared>> -> memref<1000x32xf32, #tpu.memory_space<vmem_shared>>
    %dma_start3A_809 = tpu.memref_slice %arg13[%dma_start3A_798] : memref<3x!tpu.dma_semaphore, #tpu.memory_space<semaphore_mem>> -> memref<1x!tpu.dma_semaphore, #tpu.memory_space<semaphore_mem>>
    %dma_start3A_810 = tpu.memref_squeeze %dma_start3A_809 : memref<1x!tpu.dma_semaphore, #tpu.memory_space<semaphore_mem>> -> memref<!tpu.dma_semaphore, #tpu.memory_space<semaphore_mem>>
    tpu.enqueue_indirect_dma source(%dma_start3A_808 : memref<1000x32xf32, #tpu.memory_space<vmem_shared>>) target(%dma_start3A_802 : memref<128x32xf32, #tpu.memory_space<vmem>>) offsets(%dma_start3A_805 : memref<128xi32, #tpu.memory_space<vmem>>) semaphore(%dma_start3A_810 : memref<!tpu.dma_semaphore, #tpu.memory_space<semaphore_mem>>)
    %dma_start3A_811 = arith.constant 197 : i32
    %dma_start3A_812 = arith.constant 2 : i32
    %dma_start3A_813 = arith.constant 2 : i32
    %dma_start3A_814 = arith.constant 128 : i32
    %dma_start3A_815 = arith.constant 0 : i32
    %dma_start3A_816 = tpu.memref_slice %arg9[%dma_start3A_812, %dma_start3A_814, %dma_start3A_815] : memref<3x256x64xf32, #tpu.memory_space<vmem>> -> memref<1x128x64xf32, #tpu.memory_space<vmem>>
    %dma_start3A_817 = tpu.memref_squeeze %dma_start3A_816 : memref<1x128x64xf32, #tpu.memory_space<vmem>> -> memref<128x64xf32, #tpu.memory_space<vmem>>
    %dma_start3A_818 = arith.constant 0 : i32
    %dma_start3A_819 = tpu.memref_slice %arg7[%dma_start3A_811, %dma_start3A_818] : memref<200x128xi32, #tpu.memory_space<vmem>> -> memref<1x128xi32, #tpu.memory_space<vmem>>
    %dma_start3A_820 = tpu.memref_squeeze %dma_start3A_819 : memref<1x128xi32, #tpu.memory_space<vmem>> -> memref<128xi32, #tpu.memory_space<vmem>>
    %dma_start3A_821 = arith.constant 0 : i32
    %dma_start3A_822 = arith.constant 0 : i32
    %dma_start3A_823 = tpu.memref_slice %arg11[%dma_start3A_821, %dma_start3A_822] : memref<1000x64xf32, #tpu.memory_space<vmem_shared>> -> memref<1000x64xf32, #tpu.memory_space<vmem_shared>>
    %dma_start3A_824 = tpu.memref_slice %arg13[%dma_start3A_813] : memref<3x!tpu.dma_semaphore, #tpu.memory_space<semaphore_mem>> -> memref<1x!tpu.dma_semaphore, #tpu.memory_space<semaphore_mem>>
    %dma_start3A_825 = tpu.memref_squeeze %dma_start3A_824 : memref<1x!tpu.dma_semaphore, #tpu.memory_space<semaphore_mem>> -> memref<!tpu.dma_semaphore, #tpu.memory_space<semaphore_mem>>
    tpu.enqueue_indirect_dma source(%dma_start3A_823 : memref<1000x64xf32, #tpu.memory_space<vmem_shared>>) target(%dma_start3A_817 : memref<128x64xf32, #tpu.memory_space<vmem>>) offsets(%dma_start3A_820 : memref<128xi32, #tpu.memory_space<vmem>>) semaphore(%dma_start3A_825 : memref<!tpu.dma_semaphore, #tpu.memory_space<semaphore_mem>>)
    %dma_start3A_826 = arith.constant 197 : i32
    %dma_start3A_827 = arith.constant 2 : i32
    %dma_start3A_828 = arith.constant 2 : i32
    %dma_start3A_829 = arith.constant 128 : i32
    %dma_start3A_830 = arith.constant 0 : i32
    %dma_start3A_831 = tpu.memref_slice %arg10[%dma_start3A_827, %dma_start3A_829, %dma_start3A_830] : memref<3x256x32xf32, #tpu.memory_space<vmem>> -> memref<1x128x32xf32, #tpu.memory_space<vmem>>
    %dma_start3A_832 = tpu.memref_squeeze %dma_start3A_831 : memref<1x128x32xf32, #tpu.memory_space<vmem>> -> memref<128x32xf32, #tpu.memory_space<vmem>>
    %dma_start3A_833 = arith.constant 0 : i32
    %dma_start3A_834 = tpu.memref_slice %arg8[%dma_start3A_826, %dma_start3A_833] : memref<200x128xi32, #tpu.memory_space<vmem>> -> memref<1x128xi32, #tpu.memory_space<vmem>>
    %dma_start3A_835 = tpu.memref_squeeze %dma_start3A_834 : memref<1x128xi32, #tpu.memory_space<vmem>> -> memref<128xi32, #tpu.memory_space<vmem>>
    %dma_start3A_836 = arith.constant 0 : i32
    %dma_start3A_837 = arith.constant 0 : i32
    %dma_start3A_838 = tpu.memref_slice %arg12[%dma_start3A_836, %dma_start3A_837] : memref<1000x32xf32, #tpu.memory_space<vmem_shared>> -> memref<1000x32xf32, #tpu.memory_space<vmem_shared>>
    %dma_start3A_839 = tpu.memref_slice %arg13[%dma_start3A_828] : memref<3x!tpu.dma_semaphore, #tpu.memory_space<semaphore_mem>> -> memref<1x!tpu.dma_semaphore, #tpu.memory_space<semaphore_mem>>
    %dma_start3A_840 = tpu.memref_squeeze %dma_start3A_839 : memref<1x!tpu.dma_semaphore, #tpu.memory_space<semaphore_mem>> -> memref<!tpu.dma_semaphore, #tpu.memory_space<semaphore_mem>>
    tpu.enqueue_indirect_dma source(%dma_start3A_838 : memref<1000x32xf32, #tpu.memory_space<vmem_shared>>) target(%dma_start3A_832 : memref<128x32xf32, #tpu.memory_space<vmem>>) offsets(%dma_start3A_835 : memref<128xi32, #tpu.memory_space<vmem>>) semaphore(%dma_start3A_840 : memref<!tpu.dma_semaphore, #tpu.memory_space<semaphore_mem>>)
    %dma_wait3A_841 = arith.constant 0 : i32
    %dma_wait3A_842 = arith.constant 1 : i32
    %dma_wait3A_843 = arith.constant 1 : i32
    %dma_wait3A_844 = arith.constant 0 : i32
    %dma_wait3A_845 = arith.constant 0 : i32
    %dma_wait3A_846 = tpu.memref_slice %arg9[%dma_wait3A_842, %dma_wait3A_844, %dma_wait3A_845] : memref<3x256x64xf32, #tpu.memory_space<vmem>> -> memref<1x128x64xf32, #tpu.memory_space<vmem>>
    %dma_wait3A_847 = tpu.memref_squeeze %dma_wait3A_846 : memref<1x128x64xf32, #tpu.memory_space<vmem>> -> memref<128x64xf32, #tpu.memory_space<vmem>>
    %dma_wait3A_848 = arith.constant 0 : i32
    %dma_wait3A_849 = tpu.memref_slice %arg7[%dma_wait3A_841, %dma_wait3A_848] : memref<200x128xi32, #tpu.memory_space<vmem>> -> memref<1x128xi32, #tpu.memory_space<vmem>>
    %dma_wait3A_850 = tpu.memref_squeeze %dma_wait3A_849 : memref<1x128xi32, #tpu.memory_space<vmem>> -> memref<128xi32, #tpu.memory_space<vmem>>
    %dma_wait3A_851 = arith.constant 0 : i32
    %dma_wait3A_852 = arith.constant 0 : i32
    %dma_wait3A_853 = tpu.memref_slice %arg11[%dma_wait3A_851, %dma_wait3A_852] : memref<1000x64xf32, #tpu.memory_space<vmem_shared>> -> memref<1000x64xf32, #tpu.memory_space<vmem_shared>>
    %dma_wait3A_854 = tpu.memref_slice %arg13[%dma_wait3A_843] : memref<3x!tpu.dma_semaphore, #tpu.memory_space<semaphore_mem>> -> memref<1x!tpu.dma_semaphore, #tpu.memory_space<semaphore_mem>>
    %dma_wait3A_855 = tpu.memref_squeeze %dma_wait3A_854 : memref<1x!tpu.dma_semaphore, #tpu.memory_space<semaphore_mem>> -> memref<!tpu.dma_semaphore, #tpu.memory_space<semaphore_mem>>
    tpu.wait_indirect_dma semaphore(%dma_wait3A_855 : memref<!tpu.dma_semaphore, #tpu.memory_space<semaphore_mem>>) src(%dma_wait3A_853 : memref<1000x64xf32, #tpu.memory_space<vmem_shared>>) dst(%dma_wait3A_847 : memref<128x64xf32, #tpu.memory_space<vmem>>)
    %dma_wait3A_856 = arith.constant 0 : i32
    %dma_wait3A_857 = arith.constant 1 : i32
    %dma_wait3A_858 = arith.constant 1 : i32
    %dma_wait3A_859 = arith.constant 0 : i32
    %dma_wait3A_860 = arith.constant 0 : i32
    %dma_wait3A_861 = tpu.memref_slice %arg10[%dma_wait3A_857, %dma_wait3A_859, %dma_wait3A_860] : memref<3x256x32xf32, #tpu.memory_space<vmem>> -> memref<1x128x32xf32, #tpu.memory_space<vmem>>
    %dma_wait3A_862 = tpu.memref_squeeze %dma_wait3A_861 : memref<1x128x32xf32, #tpu.memory_space<vmem>> -> memref<128x32xf32, #tpu.memory_space<vmem>>
    %dma_wait3A_863 = arith.constant 0 : i32
    %dma_wait3A_864 = tpu.memref_slice %arg8[%dma_wait3A_856, %dma_wait3A_863] : memref<200x128xi32, #tpu.memory_space<vmem>> -> memref<1x128xi32, #tpu.memory_space<vmem>>
    %dma_wait3A_865 = tpu.memref_squeeze %dma_wait3A_864 : memref<1x128xi32, #tpu.memory_space<vmem>> -> memref<128xi32, #tpu.memory_space<vmem>>
    %dma_wait3A_866 = arith.constant 0 : i32
    %dma_wait3A_867 = arith.constant 0 : i32
    %dma_wait3A_868 = tpu.memref_slice %arg12[%dma_wait3A_866, %dma_wait3A_867] : memref<1000x32xf32, #tpu.memory_space<vmem_shared>> -> memref<1000x32xf32, #tpu.memory_space<vmem_shared>>
    %dma_wait3A_869 = tpu.memref_slice %arg13[%dma_wait3A_858] : memref<3x!tpu.dma_semaphore, #tpu.memory_space<semaphore_mem>> -> memref<1x!tpu.dma_semaphore, #tpu.memory_space<semaphore_mem>>
    %dma_wait3A_870 = tpu.memref_squeeze %dma_wait3A_869 : memref<1x!tpu.dma_semaphore, #tpu.memory_space<semaphore_mem>> -> memref<!tpu.dma_semaphore, #tpu.memory_space<semaphore_mem>>
    tpu.wait_indirect_dma semaphore(%dma_wait3A_870 : memref<!tpu.dma_semaphore, #tpu.memory_space<semaphore_mem>>) src(%dma_wait3A_868 : memref<1000x32xf32, #tpu.memory_space<vmem_shared>>) dst(%dma_wait3A_862 : memref<128x32xf32, #tpu.memory_space<vmem>>)
    %dma_wait3A_871 = arith.constant 0 : i32
    %dma_wait3A_872 = arith.constant 1 : i32
    %dma_wait3A_873 = arith.constant 1 : i32
    %dma_wait3A_874 = arith.constant 128 : i32
    %dma_wait3A_875 = arith.constant 0 : i32
    %dma_wait3A_876 = tpu.memref_slice %arg9[%dma_wait3A_872, %dma_wait3A_874, %dma_wait3A_875] : memref<3x256x64xf32, #tpu.memory_space<vmem>> -> memref<1x128x64xf32, #tpu.memory_space<vmem>>
    %dma_wait3A_877 = tpu.memref_squeeze %dma_wait3A_876 : memref<1x128x64xf32, #tpu.memory_space<vmem>> -> memref<128x64xf32, #tpu.memory_space<vmem>>
    %dma_wait3A_878 = arith.constant 0 : i32
    %dma_wait3A_879 = tpu.memref_slice %arg7[%dma_wait3A_871, %dma_wait3A_878] : memref<200x128xi32, #tpu.memory_space<vmem>> -> memref<1x128xi32, #tpu.memory_space<vmem>>
    %dma_wait3A_880 = tpu.memref_squeeze %dma_wait3A_879 : memref<1x128xi32, #tpu.memory_space<vmem>> -> memref<128xi32, #tpu.memory_space<vmem>>
    %dma_wait3A_881 = arith.constant 0 : i32
    %dma_wait3A_882 = arith.constant 0 : i32
    %dma_wait3A_883 = tpu.memref_slice %arg11[%dma_wait3A_881, %dma_wait3A_882] : memref<1000x64xf32, #tpu.memory_space<vmem_shared>> -> memref<1000x64xf32, #tpu.memory_space<vmem_shared>>
    %dma_wait3A_884 = tpu.memref_slice %arg13[%dma_wait3A_873] : memref<3x!tpu.dma_semaphore, #tpu.memory_space<semaphore_mem>> -> memref<1x!tpu.dma_semaphore, #tpu.memory_space<semaphore_mem>>
    %dma_wait3A_885 = tpu.memref_squeeze %dma_wait3A_884 : memref<1x!tpu.dma_semaphore, #tpu.memory_space<semaphore_mem>> -> memref<!tpu.dma_semaphore, #tpu.memory_space<semaphore_mem>>
    tpu.wait_indirect_dma semaphore(%dma_wait3A_885 : memref<!tpu.dma_semaphore, #tpu.memory_space<semaphore_mem>>) src(%dma_wait3A_883 : memref<1000x64xf32, #tpu.memory_space<vmem_shared>>) dst(%dma_wait3A_877 : memref<128x64xf32, #tpu.memory_space<vmem>>)
    %dma_wait3A_886 = arith.constant 0 : i32
    %dma_wait3A_887 = arith.constant 1 : i32
    %dma_wait3A_888 = arith.constant 1 : i32
    %dma_wait3A_889 = arith.constant 128 : i32
    %dma_wait3A_890 = arith.constant 0 : i32
    %dma_wait3A_891 = tpu.memref_slice %arg10[%dma_wait3A_887, %dma_wait3A_889, %dma_wait3A_890] : memref<3x256x32xf32, #tpu.memory_space<vmem>> -> memref<1x128x32xf32, #tpu.memory_space<vmem>>
    %dma_wait3A_892 = tpu.memref_squeeze %dma_wait3A_891 : memref<1x128x32xf32, #tpu.memory_space<vmem>> -> memref<128x32xf32, #tpu.memory_space<vmem>>
    %dma_wait3A_893 = arith.constant 0 : i32
    %dma_wait3A_894 = tpu.memref_slice %arg8[%dma_wait3A_886, %dma_wait3A_893] : memref<200x128xi32, #tpu.memory_space<vmem>> -> memref<1x128xi32, #tpu.memory_space<vmem>>
    %dma_wait3A_895 = tpu.memref_squeeze %dma_wait3A_894 : memref<1x128xi32, #tpu.memory_space<vmem>> -> memref<128xi32, #tpu.memory_space<vmem>>
    %dma_wait3A_896 = arith.constant 0 : i32
    %dma_wait3A_897 = arith.constant 0 : i32
    %dma_wait3A_898 = tpu.memref_slice %arg12[%dma_wait3A_896, %dma_wait3A_897] : memref<1000x32xf32, #tpu.memory_space<vmem_shared>> -> memref<1000x32xf32, #tpu.memory_space<vmem_shared>>
    %dma_wait3A_899 = tpu.memref_slice %arg13[%dma_wait3A_888] : memref<3x!tpu.dma_semaphore, #tpu.memory_space<semaphore_mem>> -> memref<1x!tpu.dma_semaphore, #tpu.memory_space<semaphore_mem>>
    %dma_wait3A_900 = tpu.memref_squeeze %dma_wait3A_899 : memref<1x!tpu.dma_semaphore, #tpu.memory_space<semaphore_mem>> -> memref<!tpu.dma_semaphore, #tpu.memory_space<semaphore_mem>>
    tpu.wait_indirect_dma semaphore(%dma_wait3A_900 : memref<!tpu.dma_semaphore, #tpu.memory_space<semaphore_mem>>) src(%dma_wait3A_898 : memref<1000x32xf32, #tpu.memory_space<vmem_shared>>) dst(%dma_wait3A_892 : memref<128x32xf32, #tpu.memory_space<vmem>>)
    %add3A_901 = arith.constant 24832 : i32
    %add3A_902 = arith.addi %mul3A_2, %add3A_901 : i32
    %dma_start3A_903 = arith.constant 1 : i32
    %dma_start3A_904 = arith.constant 1 : i32
    %dma_start3A_905 = arith.constant 0 : i32
    %dma_start3A_906 = arith.constant 0 : i32
    %dma_start3A_907 = tpu.memref_slice %arg9[%dma_start3A_903, %dma_start3A_905, %dma_start3A_906] : memref<3x256x64xf32, #tpu.memory_space<vmem>> -> memref<1x256x64xf32, #tpu.memory_space<vmem>>
    %dma_start3A_908 = tpu.memref_squeeze %dma_start3A_907 : memref<1x256x64xf32, #tpu.memory_space<vmem>> -> memref<256x64xf32, #tpu.memory_space<vmem>>
    %dma_start3A_909 = arith.constant 0 : i32
    %dma_start3A_910 = tpu.memref_slice %arg6[%add3A_902, %dma_start3A_909] : memref<819200x128xf32, #tpu.memory_space<hbm>> -> memref<256x64xf32, #tpu.memory_space<hbm>>
    %dma_start3A_911 = tpu.memref_slice %arg14[%dma_start3A_904] : memref<3x!tpu.dma_semaphore, #tpu.memory_space<semaphore_mem>> -> memref<1x!tpu.dma_semaphore, #tpu.memory_space<semaphore_mem>>
    %dma_start3A_912 = tpu.memref_squeeze %dma_start3A_911 : memref<1x!tpu.dma_semaphore, #tpu.memory_space<semaphore_mem>> -> memref<!tpu.dma_semaphore, #tpu.memory_space<semaphore_mem>>
    %dma_start3A_913 = arith.constant 0 : i32
    %dma_start3A_914 = tpu.memref_slice %arg6[%add3A_902, %dma_start3A_913] : memref<819200x128xf32, #tpu.memory_space<hbm>> -> memref<256x64xf32, #tpu.memory_space<hbm>>
    %dma_start3A_915 = arith.constant 0 : i32
    %dma_start3A_916 = arith.constant 0 : i32
    %dma_start3A_917 = tpu.memref_slice %arg9[%dma_start3A_903, %dma_start3A_915, %dma_start3A_916] : memref<3x256x64xf32, #tpu.memory_space<vmem>> -> memref<1x256x64xf32, #tpu.memory_space<vmem>>
    %dma_start3A_918 = tpu.memref_squeeze %dma_start3A_917 : memref<1x256x64xf32, #tpu.memory_space<vmem>> -> memref<256x64xf32, #tpu.memory_space<vmem>>
    tpu.enqueue_dma source(%dma_start3A_918 : memref<256x64xf32, #tpu.memory_space<vmem>>) target(%dma_start3A_914 : memref<256x64xf32, #tpu.memory_space<hbm>>) target_semaphore(%dma_start3A_912 : memref<!tpu.dma_semaphore, #tpu.memory_space<semaphore_mem>>)
    %dma_start3A_919 = arith.constant 1 : i32
    %dma_start3A_920 = arith.constant 1 : i32
    %dma_start3A_921 = arith.constant 0 : i32
    %dma_start3A_922 = arith.constant 0 : i32
    %dma_start3A_923 = tpu.memref_slice %arg10[%dma_start3A_919, %dma_start3A_921, %dma_start3A_922] : memref<3x256x32xf32, #tpu.memory_space<vmem>> -> memref<1x256x32xf32, #tpu.memory_space<vmem>>
    %dma_start3A_924 = tpu.memref_squeeze %dma_start3A_923 : memref<1x256x32xf32, #tpu.memory_space<vmem>> -> memref<256x32xf32, #tpu.memory_space<vmem>>
    %dma_start3A_925 = arith.constant 64 : i32
    %dma_start3A_926 = tpu.memref_slice %arg6[%add3A_902, %dma_start3A_925] : memref<819200x128xf32, #tpu.memory_space<hbm>> -> memref<256x32xf32, #tpu.memory_space<hbm>>
    %dma_start3A_927 = tpu.memref_slice %arg14[%dma_start3A_920] : memref<3x!tpu.dma_semaphore, #tpu.memory_space<semaphore_mem>> -> memref<1x!tpu.dma_semaphore, #tpu.memory_space<semaphore_mem>>
    %dma_start3A_928 = tpu.memref_squeeze %dma_start3A_927 : memref<1x!tpu.dma_semaphore, #tpu.memory_space<semaphore_mem>> -> memref<!tpu.dma_semaphore, #tpu.memory_space<semaphore_mem>>
    %dma_start3A_929 = arith.constant 64 : i32
    %dma_start3A_930 = tpu.memref_slice %arg6[%add3A_902, %dma_start3A_929] : memref<819200x128xf32, #tpu.memory_space<hbm>> -> memref<256x32xf32, #tpu.memory_space<hbm>>
    %dma_start3A_931 = arith.constant 0 : i32
    %dma_start3A_932 = arith.constant 0 : i32
    %dma_start3A_933 = tpu.memref_slice %arg10[%dma_start3A_919, %dma_start3A_931, %dma_start3A_932] : memref<3x256x32xf32, #tpu.memory_space<vmem>> -> memref<1x256x32xf32, #tpu.memory_space<vmem>>
    %dma_start3A_934 = tpu.memref_squeeze %dma_start3A_933 : memref<1x256x32xf32, #tpu.memory_space<vmem>> -> memref<256x32xf32, #tpu.memory_space<vmem>>
    tpu.enqueue_dma source(%dma_start3A_934 : memref<256x32xf32, #tpu.memory_space<vmem>>) target(%dma_start3A_930 : memref<256x32xf32, #tpu.memory_space<hbm>>) target_semaphore(%dma_start3A_928 : memref<!tpu.dma_semaphore, #tpu.memory_space<semaphore_mem>>)
    %dma_wait3A_935 = arith.constant 0 : i32
    %dma_wait3A_936 = arith.constant 0 : i32
    %dma_wait3A_937 = arith.constant 0 : i32
    %dma_wait3A_938 = arith.constant 0 : i32
    %dma_wait3A_939 = tpu.memref_slice %arg9[%dma_wait3A_935, %dma_wait3A_937, %dma_wait3A_938] : memref<3x256x64xf32, #tpu.memory_space<vmem>> -> memref<1x256x64xf32, #tpu.memory_space<vmem>>
    %dma_wait3A_940 = tpu.memref_squeeze %dma_wait3A_939 : memref<1x256x64xf32, #tpu.memory_space<vmem>> -> memref<256x64xf32, #tpu.memory_space<vmem>>
    %dma_wait3A_941 = arith.constant 0 : i32
    %dma_wait3A_942 = tpu.memref_slice %arg6[%mul3A_2, %dma_wait3A_941] : memref<819200x128xf32, #tpu.memory_space<hbm>> -> memref<256x64xf32, #tpu.memory_space<hbm>>
    %dma_wait3A_943 = tpu.memref_slice %arg14[%dma_wait3A_936] : memref<3x!tpu.dma_semaphore, #tpu.memory_space<semaphore_mem>> -> memref<1x!tpu.dma_semaphore, #tpu.memory_space<semaphore_mem>>
    %dma_wait3A_944 = tpu.memref_squeeze %dma_wait3A_943 : memref<1x!tpu.dma_semaphore, #tpu.memory_space<semaphore_mem>> -> memref<!tpu.dma_semaphore, #tpu.memory_space<semaphore_mem>>
    %dma_wait3A_945 = arith.constant 0 : i32
    %dma_wait3A_946 = tpu.memref_slice %arg6[%mul3A_2, %dma_wait3A_945] : memref<819200x128xf32, #tpu.memory_space<hbm>> -> memref<256x64xf32, #tpu.memory_space<hbm>>
    %dma_wait3A_947 = arith.constant 0 : i32
    %dma_wait3A_948 = arith.constant 0 : i32
    %dma_wait3A_949 = tpu.memref_slice %arg9[%dma_wait3A_935, %dma_wait3A_947, %dma_wait3A_948] : memref<3x256x64xf32, #tpu.memory_space<vmem>> -> memref<1x256x64xf32, #tpu.memory_space<vmem>>
    %dma_wait3A_950 = tpu.memref_squeeze %dma_wait3A_949 : memref<1x256x64xf32, #tpu.memory_space<vmem>> -> memref<256x64xf32, #tpu.memory_space<vmem>>
    tpu.wait_dma2 semaphore(%dma_wait3A_944 : memref<!tpu.dma_semaphore, #tpu.memory_space<semaphore_mem>>) src(%dma_wait3A_950 : memref<256x64xf32, #tpu.memory_space<vmem>>) dst(%dma_wait3A_946 : memref<256x64xf32, #tpu.memory_space<hbm>>)
    %dma_wait3A_951 = arith.constant 0 : i32
    %dma_wait3A_952 = arith.constant 0 : i32
    %dma_wait3A_953 = arith.constant 0 : i32
    %dma_wait3A_954 = arith.constant 0 : i32
    %dma_wait3A_955 = tpu.memref_slice %arg10[%dma_wait3A_951, %dma_wait3A_953, %dma_wait3A_954] : memref<3x256x32xf32, #tpu.memory_space<vmem>> -> memref<1x256x32xf32, #tpu.memory_space<vmem>>
    %dma_wait3A_956 = tpu.memref_squeeze %dma_wait3A_955 : memref<1x256x32xf32, #tpu.memory_space<vmem>> -> memref<256x32xf32, #tpu.memory_space<vmem>>
    %dma_wait3A_957 = arith.constant 64 : i32
    %dma_wait3A_958 = tpu.memref_slice %arg6[%mul3A_2, %dma_wait3A_957] : memref<819200x128xf32, #tpu.memory_space<hbm>> -> memref<256x32xf32, #tpu.memory_space<hbm>>
    %dma_wait3A_959 = tpu.memref_slice %arg14[%dma_wait3A_952] : memref<3x!tpu.dma_semaphore, #tpu.memory_space<semaphore_mem>> -> memref<1x!tpu.dma_semaphore, #tpu.memory_space<semaphore_mem>>
    %dma_wait3A_960 = tpu.memref_squeeze %dma_wait3A_959 : memref<1x!tpu.dma_semaphore, #tpu.memory_space<semaphore_mem>> -> memref<!tpu.dma_semaphore, #tpu.memory_space<semaphore_mem>>
    %dma_wait3A_961 = arith.constant 64 : i32
    %dma_wait3A_962 = tpu.memref_slice %arg6[%mul3A_2, %dma_wait3A_961] : memref<819200x128xf32, #tpu.memory_space<hbm>> -> memref<256x32xf32, #tpu.memory_space<hbm>>
    %dma_wait3A_963 = arith.constant 0 : i32
    %dma_wait3A_964 = arith.constant 0 : i32
    %dma_wait3A_965 = tpu.memref_slice %arg10[%dma_wait3A_951, %dma_wait3A_963, %dma_wait3A_964] : memref<3x256x32xf32, #tpu.memory_space<vmem>> -> memref<1x256x32xf32, #tpu.memory_space<vmem>>
    %dma_wait3A_966 = tpu.memref_squeeze %dma_wait3A_965 : memref<1x256x32xf32, #tpu.memory_space<vmem>> -> memref<256x32xf32, #tpu.memory_space<vmem>>
    tpu.wait_dma2 semaphore(%dma_wait3A_960 : memref<!tpu.dma_semaphore, #tpu.memory_space<semaphore_mem>>) src(%dma_wait3A_966 : memref<256x32xf32, #tpu.memory_space<vmem>>) dst(%dma_wait3A_962 : memref<256x32xf32, #tpu.memory_space<hbm>>)
    %dma_start3A_967 = arith.constant 198 : i32
    %dma_start3A_968 = arith.constant 0 : i32
    %dma_start3A_969 = arith.constant 0 : i32
    %dma_start3A_970 = arith.constant 0 : i32
    %dma_start3A_971 = arith.constant 0 : i32
    %dma_start3A_972 = tpu.memref_slice %arg9[%dma_start3A_968, %dma_start3A_970, %dma_start3A_971] : memref<3x256x64xf32, #tpu.memory_space<vmem>> -> memref<1x128x64xf32, #tpu.memory_space<vmem>>
    %dma_start3A_973 = tpu.memref_squeeze %dma_start3A_972 : memref<1x128x64xf32, #tpu.memory_space<vmem>> -> memref<128x64xf32, #tpu.memory_space<vmem>>
    %dma_start3A_974 = arith.constant 0 : i32
    %dma_start3A_975 = tpu.memref_slice %arg7[%dma_start3A_967, %dma_start3A_974] : memref<200x128xi32, #tpu.memory_space<vmem>> -> memref<1x128xi32, #tpu.memory_space<vmem>>
    %dma_start3A_976 = tpu.memref_squeeze %dma_start3A_975 : memref<1x128xi32, #tpu.memory_space<vmem>> -> memref<128xi32, #tpu.memory_space<vmem>>
    %dma_start3A_977 = arith.constant 0 : i32
    %dma_start3A_978 = arith.constant 0 : i32
    %dma_start3A_979 = tpu.memref_slice %arg11[%dma_start3A_977, %dma_start3A_978] : memref<1000x64xf32, #tpu.memory_space<vmem_shared>> -> memref<1000x64xf32, #tpu.memory_space<vmem_shared>>
    %dma_start3A_980 = tpu.memref_slice %arg13[%dma_start3A_969] : memref<3x!tpu.dma_semaphore, #tpu.memory_space<semaphore_mem>> -> memref<1x!tpu.dma_semaphore, #tpu.memory_space<semaphore_mem>>
    %dma_start3A_981 = tpu.memref_squeeze %dma_start3A_980 : memref<1x!tpu.dma_semaphore, #tpu.memory_space<semaphore_mem>> -> memref<!tpu.dma_semaphore, #tpu.memory_space<semaphore_mem>>
    tpu.enqueue_indirect_dma source(%dma_start3A_979 : memref<1000x64xf32, #tpu.memory_space<vmem_shared>>) target(%dma_start3A_973 : memref<128x64xf32, #tpu.memory_space<vmem>>) offsets(%dma_start3A_976 : memref<128xi32, #tpu.memory_space<vmem>>) semaphore(%dma_start3A_981 : memref<!tpu.dma_semaphore, #tpu.memory_space<semaphore_mem>>)
    %dma_start3A_982 = arith.constant 198 : i32
    %dma_start3A_983 = arith.constant 0 : i32
    %dma_start3A_984 = arith.constant 0 : i32
    %dma_start3A_985 = arith.constant 0 : i32
    %dma_start3A_986 = arith.constant 0 : i32
    %dma_start3A_987 = tpu.memref_slice %arg10[%dma_start3A_983, %dma_start3A_985, %dma_start3A_986] : memref<3x256x32xf32, #tpu.memory_space<vmem>> -> memref<1x128x32xf32, #tpu.memory_space<vmem>>
    %dma_start3A_988 = tpu.memref_squeeze %dma_start3A_987 : memref<1x128x32xf32, #tpu.memory_space<vmem>> -> memref<128x32xf32, #tpu.memory_space<vmem>>
    %dma_start3A_989 = arith.constant 0 : i32
    %dma_start3A_990 = tpu.memref_slice %arg8[%dma_start3A_982, %dma_start3A_989] : memref<200x128xi32, #tpu.memory_space<vmem>> -> memref<1x128xi32, #tpu.memory_space<vmem>>
    %dma_start3A_991 = tpu.memref_squeeze %dma_start3A_990 : memref<1x128xi32, #tpu.memory_space<vmem>> -> memref<128xi32, #tpu.memory_space<vmem>>
    %dma_start3A_992 = arith.constant 0 : i32
    %dma_start3A_993 = arith.constant 0 : i32
    %dma_start3A_994 = tpu.memref_slice %arg12[%dma_start3A_992, %dma_start3A_993] : memref<1000x32xf32, #tpu.memory_space<vmem_shared>> -> memref<1000x32xf32, #tpu.memory_space<vmem_shared>>
    %dma_start3A_995 = tpu.memref_slice %arg13[%dma_start3A_984] : memref<3x!tpu.dma_semaphore, #tpu.memory_space<semaphore_mem>> -> memref<1x!tpu.dma_semaphore, #tpu.memory_space<semaphore_mem>>
    %dma_start3A_996 = tpu.memref_squeeze %dma_start3A_995 : memref<1x!tpu.dma_semaphore, #tpu.memory_space<semaphore_mem>> -> memref<!tpu.dma_semaphore, #tpu.memory_space<semaphore_mem>>
    tpu.enqueue_indirect_dma source(%dma_start3A_994 : memref<1000x32xf32, #tpu.memory_space<vmem_shared>>) target(%dma_start3A_988 : memref<128x32xf32, #tpu.memory_space<vmem>>) offsets(%dma_start3A_991 : memref<128xi32, #tpu.memory_space<vmem>>) semaphore(%dma_start3A_996 : memref<!tpu.dma_semaphore, #tpu.memory_space<semaphore_mem>>)
    %dma_start3A_997 = arith.constant 199 : i32
    %dma_start3A_998 = arith.constant 0 : i32
    %dma_start3A_999 = arith.constant 0 : i32
    %dma_start3A_1000 = arith.constant 128 : i32
    %dma_start3A_1001 = arith.constant 0 : i32
    %dma_start3A_1002 = tpu.memref_slice %arg9[%dma_start3A_998, %dma_start3A_1000, %dma_start3A_1001] : memref<3x256x64xf32, #tpu.memory_space<vmem>> -> memref<1x128x64xf32, #tpu.memory_space<vmem>>
    %dma_start3A_1003 = tpu.memref_squeeze %dma_start3A_1002 : memref<1x128x64xf32, #tpu.memory_space<vmem>> -> memref<128x64xf32, #tpu.memory_space<vmem>>
    %dma_start3A_1004 = arith.constant 0 : i32
    %dma_start3A_1005 = tpu.memref_slice %arg7[%dma_start3A_997, %dma_start3A_1004] : memref<200x128xi32, #tpu.memory_space<vmem>> -> memref<1x128xi32, #tpu.memory_space<vmem>>
    %dma_start3A_1006 = tpu.memref_squeeze %dma_start3A_1005 : memref<1x128xi32, #tpu.memory_space<vmem>> -> memref<128xi32, #tpu.memory_space<vmem>>
    %dma_start3A_1007 = arith.constant 0 : i32
    %dma_start3A_1008 = arith.constant 0 : i32
    %dma_start3A_1009 = tpu.memref_slice %arg11[%dma_start3A_1007, %dma_start3A_1008] : memref<1000x64xf32, #tpu.memory_space<vmem_shared>> -> memref<1000x64xf32, #tpu.memory_space<vmem_shared>>
    %dma_start3A_1010 = tpu.memref_slice %arg13[%dma_start3A_999] : memref<3x!tpu.dma_semaphore, #tpu.memory_space<semaphore_mem>> -> memref<1x!tpu.dma_semaphore, #tpu.memory_space<semaphore_mem>>
    %dma_start3A_1011 = tpu.memref_squeeze %dma_start3A_1010 : memref<1x!tpu.dma_semaphore, #tpu.memory_space<semaphore_mem>> -> memref<!tpu.dma_semaphore, #tpu.memory_space<semaphore_mem>>
    tpu.enqueue_indirect_dma source(%dma_start3A_1009 : memref<1000x64xf32, #tpu.memory_space<vmem_shared>>) target(%dma_start3A_1003 : memref<128x64xf32, #tpu.memory_space<vmem>>) offsets(%dma_start3A_1006 : memref<128xi32, #tpu.memory_space<vmem>>) semaphore(%dma_start3A_1011 : memref<!tpu.dma_semaphore, #tpu.memory_space<semaphore_mem>>)
    %dma_start3A_1012 = arith.constant 199 : i32
    %dma_start3A_1013 = arith.constant 0 : i32
    %dma_start3A_1014 = arith.constant 0 : i32
    %dma_start3A_1015 = arith.constant 128 : i32
    %dma_start3A_1016 = arith.constant 0 : i32
    %dma_start3A_1017 = tpu.memref_slice %arg10[%dma_start3A_1013, %dma_start3A_1015, %dma_start3A_1016] : memref<3x256x32xf32, #tpu.memory_space<vmem>> -> memref<1x128x32xf32, #tpu.memory_space<vmem>>
    %dma_start3A_1018 = tpu.memref_squeeze %dma_start3A_1017 : memref<1x128x32xf32, #tpu.memory_space<vmem>> -> memref<128x32xf32, #tpu.memory_space<vmem>>
    %dma_start3A_1019 = arith.constant 0 : i32
    %dma_start3A_1020 = tpu.memref_slice %arg8[%dma_start3A_1012, %dma_start3A_1019] : memref<200x128xi32, #tpu.memory_space<vmem>> -> memref<1x128xi32, #tpu.memory_space<vmem>>
    %dma_start3A_1021 = tpu.memref_squeeze %dma_start3A_1020 : memref<1x128xi32, #tpu.memory_space<vmem>> -> memref<128xi32, #tpu.memory_space<vmem>>
    %dma_start3A_1022 = arith.constant 0 : i32
    %dma_start3A_1023 = arith.constant 0 : i32
    %dma_start3A_1024 = tpu.memref_slice %arg12[%dma_start3A_1022, %dma_start3A_1023] : memref<1000x32xf32, #tpu.memory_space<vmem_shared>> -> memref<1000x32xf32, #tpu.memory_space<vmem_shared>>
    %dma_start3A_1025 = tpu.memref_slice %arg13[%dma_start3A_1014] : memref<3x!tpu.dma_semaphore, #tpu.memory_space<semaphore_mem>> -> memref<1x!tpu.dma_semaphore, #tpu.memory_space<semaphore_mem>>
    %dma_start3A_1026 = tpu.memref_squeeze %dma_start3A_1025 : memref<1x!tpu.dma_semaphore, #tpu.memory_space<semaphore_mem>> -> memref<!tpu.dma_semaphore, #tpu.memory_space<semaphore_mem>>
    tpu.enqueue_indirect_dma source(%dma_start3A_1024 : memref<1000x32xf32, #tpu.memory_space<vmem_shared>>) target(%dma_start3A_1018 : memref<128x32xf32, #tpu.memory_space<vmem>>) offsets(%dma_start3A_1021 : memref<128xi32, #tpu.memory_space<vmem>>) semaphore(%dma_start3A_1026 : memref<!tpu.dma_semaphore, #tpu.memory_space<semaphore_mem>>)
    %dma_wait3A_1027 = arith.constant 0 : i32
    %dma_wait3A_1028 = arith.constant 2 : i32
    %dma_wait3A_1029 = arith.constant 2 : i32
    %dma_wait3A_1030 = arith.constant 0 : i32
    %dma_wait3A_1031 = arith.constant 0 : i32
    %dma_wait3A_1032 = tpu.memref_slice %arg9[%dma_wait3A_1028, %dma_wait3A_1030, %dma_wait3A_1031] : memref<3x256x64xf32, #tpu.memory_space<vmem>> -> memref<1x128x64xf32, #tpu.memory_space<vmem>>
    %dma_wait3A_1033 = tpu.memref_squeeze %dma_wait3A_1032 : memref<1x128x64xf32, #tpu.memory_space<vmem>> -> memref<128x64xf32, #tpu.memory_space<vmem>>
    %dma_wait3A_1034 = arith.constant 0 : i32
    %dma_wait3A_1035 = tpu.memref_slice %arg7[%dma_wait3A_1027, %dma_wait3A_1034] : memref<200x128xi32, #tpu.memory_space<vmem>> -> memref<1x128xi32, #tpu.memory_space<vmem>>
    %dma_wait3A_1036 = tpu.memref_squeeze %dma_wait3A_1035 : memref<1x128xi32, #tpu.memory_space<vmem>> -> memref<128xi32, #tpu.memory_space<vmem>>
    %dma_wait3A_1037 = arith.constant 0 : i32
    %dma_wait3A_1038 = arith.constant 0 : i32
    %dma_wait3A_1039 = tpu.memref_slice %arg11[%dma_wait3A_1037, %dma_wait3A_1038] : memref<1000x64xf32, #tpu.memory_space<vmem_shared>> -> memref<1000x64xf32, #tpu.memory_space<vmem_shared>>
    %dma_wait3A_1040 = tpu.memref_slice %arg13[%dma_wait3A_1029] : memref<3x!tpu.dma_semaphore, #tpu.memory_space<semaphore_mem>> -> memref<1x!tpu.dma_semaphore, #tpu.memory_space<semaphore_mem>>
    %dma_wait3A_1041 = tpu.memref_squeeze %dma_wait3A_1040 : memref<1x!tpu.dma_semaphore, #tpu.memory_space<semaphore_mem>> -> memref<!tpu.dma_semaphore, #tpu.memory_space<semaphore_mem>>
    tpu.wait_indirect_dma semaphore(%dma_wait3A_1041 : memref<!tpu.dma_semaphore, #tpu.memory_space<semaphore_mem>>) src(%dma_wait3A_1039 : memref<1000x64xf32, #tpu.memory_space<vmem_shared>>) dst(%dma_wait3A_1033 : memref<128x64xf32, #tpu.memory_space<vmem>>)
    %dma_wait3A_1042 = arith.constant 0 : i32
    %dma_wait3A_1043 = arith.constant 2 : i32
    %dma_wait3A_1044 = arith.constant 2 : i32
    %dma_wait3A_1045 = arith.constant 0 : i32
    %dma_wait3A_1046 = arith.constant 0 : i32
    %dma_wait3A_1047 = tpu.memref_slice %arg10[%dma_wait3A_1043, %dma_wait3A_1045, %dma_wait3A_1046] : memref<3x256x32xf32, #tpu.memory_space<vmem>> -> memref<1x128x32xf32, #tpu.memory_space<vmem>>
    %dma_wait3A_1048 = tpu.memref_squeeze %dma_wait3A_1047 : memref<1x128x32xf32, #tpu.memory_space<vmem>> -> memref<128x32xf32, #tpu.memory_space<vmem>>
    %dma_wait3A_1049 = arith.constant 0 : i32
    %dma_wait3A_1050 = tpu.memref_slice %arg8[%dma_wait3A_1042, %dma_wait3A_1049] : memref<200x128xi32, #tpu.memory_space<vmem>> -> memref<1x128xi32, #tpu.memory_space<vmem>>
    %dma_wait3A_1051 = tpu.memref_squeeze %dma_wait3A_1050 : memref<1x128xi32, #tpu.memory_space<vmem>> -> memref<128xi32, #tpu.memory_space<vmem>>
    %dma_wait3A_1052 = arith.constant 0 : i32
    %dma_wait3A_1053 = arith.constant 0 : i32
    %dma_wait3A_1054 = tpu.memref_slice %arg12[%dma_wait3A_1052, %dma_wait3A_1053] : memref<1000x32xf32, #tpu.memory_space<vmem_shared>> -> memref<1000x32xf32, #tpu.memory_space<vmem_shared>>
    %dma_wait3A_1055 = tpu.memref_slice %arg13[%dma_wait3A_1044] : memref<3x!tpu.dma_semaphore, #tpu.memory_space<semaphore_mem>> -> memref<1x!tpu.dma_semaphore, #tpu.memory_space<semaphore_mem>>
    %dma_wait3A_1056 = tpu.memref_squeeze %dma_wait3A_1055 : memref<1x!tpu.dma_semaphore, #tpu.memory_space<semaphore_mem>> -> memref<!tpu.dma_semaphore, #tpu.memory_space<semaphore_mem>>
    tpu.wait_indirect_dma semaphore(%dma_wait3A_1056 : memref<!tpu.dma_semaphore, #tpu.memory_space<semaphore_mem>>) src(%dma_wait3A_1054 : memref<1000x32xf32, #tpu.memory_space<vmem_shared>>) dst(%dma_wait3A_1048 : memref<128x32xf32, #tpu.memory_space<vmem>>)
    %dma_wait3A_1057 = arith.constant 0 : i32
    %dma_wait3A_1058 = arith.constant 2 : i32
    %dma_wait3A_1059 = arith.constant 2 : i32
    %dma_wait3A_1060 = arith.constant 128 : i32
    %dma_wait3A_1061 = arith.constant 0 : i32
    %dma_wait3A_1062 = tpu.memref_slice %arg9[%dma_wait3A_1058, %dma_wait3A_1060, %dma_wait3A_1061] : memref<3x256x64xf32, #tpu.memory_space<vmem>> -> memref<1x128x64xf32, #tpu.memory_space<vmem>>
    %dma_wait3A_1063 = tpu.memref_squeeze %dma_wait3A_1062 : memref<1x128x64xf32, #tpu.memory_space<vmem>> -> memref<128x64xf32, #tpu.memory_space<vmem>>
    %dma_wait3A_1064 = arith.constant 0 : i32
    %dma_wait3A_1065 = tpu.memref_slice %arg7[%dma_wait3A_1057, %dma_wait3A_1064] : memref<200x128xi32, #tpu.memory_space<vmem>> -> memref<1x128xi32, #tpu.memory_space<vmem>>
    %dma_wait3A_1066 = tpu.memref_squeeze %dma_wait3A_1065 : memref<1x128xi32, #tpu.memory_space<vmem>> -> memref<128xi32, #tpu.memory_space<vmem>>
    %dma_wait3A_1067 = arith.constant 0 : i32
    %dma_wait3A_1068 = arith.constant 0 : i32
    %dma_wait3A_1069 = tpu.memref_slice %arg11[%dma_wait3A_1067, %dma_wait3A_1068] : memref<1000x64xf32, #tpu.memory_space<vmem_shared>> -> memref<1000x64xf32, #tpu.memory_space<vmem_shared>>
    %dma_wait3A_1070 = tpu.memref_slice %arg13[%dma_wait3A_1059] : memref<3x!tpu.dma_semaphore, #tpu.memory_space<semaphore_mem>> -> memref<1x!tpu.dma_semaphore, #tpu.memory_space<semaphore_mem>>
    %dma_wait3A_1071 = tpu.memref_squeeze %dma_wait3A_1070 : memref<1x!tpu.dma_semaphore, #tpu.memory_space<semaphore_mem>> -> memref<!tpu.dma_semaphore, #tpu.memory_space<semaphore_mem>>
    tpu.wait_indirect_dma semaphore(%dma_wait3A_1071 : memref<!tpu.dma_semaphore, #tpu.memory_space<semaphore_mem>>) src(%dma_wait3A_1069 : memref<1000x64xf32, #tpu.memory_space<vmem_shared>>) dst(%dma_wait3A_1063 : memref<128x64xf32, #tpu.memory_space<vmem>>)
    %dma_wait3A_1072 = arith.constant 0 : i32
    %dma_wait3A_1073 = arith.constant 2 : i32
    %dma_wait3A_1074 = arith.constant 2 : i32
    %dma_wait3A_1075 = arith.constant 128 : i32
    %dma_wait3A_1076 = arith.constant 0 : i32
    %dma_wait3A_1077 = tpu.memref_slice %arg10[%dma_wait3A_1073, %dma_wait3A_1075, %dma_wait3A_1076] : memref<3x256x32xf32, #tpu.memory_space<vmem>> -> memref<1x128x32xf32, #tpu.memory_space<vmem>>
    %dma_wait3A_1078 = tpu.memref_squeeze %dma_wait3A_1077 : memref<1x128x32xf32, #tpu.memory_space<vmem>> -> memref<128x32xf32, #tpu.memory_space<vmem>>
    %dma_wait3A_1079 = arith.constant 0 : i32
    %dma_wait3A_1080 = tpu.memref_slice %arg8[%dma_wait3A_1072, %dma_wait3A_1079] : memref<200x128xi32, #tpu.memory_space<vmem>> -> memref<1x128xi32, #tpu.memory_space<vmem>>
    %dma_wait3A_1081 = tpu.memref_squeeze %dma_wait3A_1080 : memref<1x128xi32, #tpu.memory_space<vmem>> -> memref<128xi32, #tpu.memory_space<vmem>>
    %dma_wait3A_1082 = arith.constant 0 : i32
    %dma_wait3A_1083 = arith.constant 0 : i32
    %dma_wait3A_1084 = tpu.memref_slice %arg12[%dma_wait3A_1082, %dma_wait3A_1083] : memref<1000x32xf32, #tpu.memory_space<vmem_shared>> -> memref<1000x32xf32, #tpu.memory_space<vmem_shared>>
    %dma_wait3A_1085 = tpu.memref_slice %arg13[%dma_wait3A_1074] : memref<3x!tpu.dma_semaphore, #tpu.memory_space<semaphore_mem>> -> memref<1x!tpu.dma_semaphore, #tpu.memory_space<semaphore_mem>>
    %dma_wait3A_1086 = tpu.memref_squeeze %dma_wait3A_1085 : memref<1x!tpu.dma_semaphore, #tpu.memory_space<semaphore_mem>> -> memref<!tpu.dma_semaphore, #tpu.memory_space<semaphore_mem>>
    tpu.wait_indirect_dma semaphore(%dma_wait3A_1086 : memref<!tpu.dma_semaphore, #tpu.memory_space<semaphore_mem>>) src(%dma_wait3A_1084 : memref<1000x32xf32, #tpu.memory_space<vmem_shared>>) dst(%dma_wait3A_1078 : memref<128x32xf32, #tpu.memory_space<vmem>>)
    %add3A_1087 = arith.constant 25088 : i32
    %add3A_1088 = arith.addi %mul3A_2, %add3A_1087 : i32
    %dma_start3A_1089 = arith.constant 2 : i32
    %dma_start3A_1090 = arith.constant 2 : i32
    %dma_start3A_1091 = arith.constant 0 : i32
    %dma_start3A_1092 = arith.constant 0 : i32
    %dma_start3A_1093 = tpu.memref_slice %arg9[%dma_start3A_1089, %dma_start3A_1091, %dma_start3A_1092] : memref<3x256x64xf32, #tpu.memory_space<vmem>> -> memref<1x256x64xf32, #tpu.memory_space<vmem>>
    %dma_start3A_1094 = tpu.memref_squeeze %dma_start3A_1093 : memref<1x256x64xf32, #tpu.memory_space<vmem>> -> memref<256x64xf32, #tpu.memory_space<vmem>>
    %dma_start3A_1095 = arith.constant 0 : i32
    %dma_start3A_1096 = tpu.memref_slice %arg6[%add3A_1088, %dma_start3A_1095] : memref<819200x128xf32, #tpu.memory_space<hbm>> -> memref<256x64xf32, #tpu.memory_space<hbm>>
    %dma_start3A_1097 = tpu.memref_slice %arg14[%dma_start3A_1090] : memref<3x!tpu.dma_semaphore, #tpu.memory_space<semaphore_mem>> -> memref<1x!tpu.dma_semaphore, #tpu.memory_space<semaphore_mem>>
    %dma_start3A_1098 = tpu.memref_squeeze %dma_start3A_1097 : memref<1x!tpu.dma_semaphore, #tpu.memory_space<semaphore_mem>> -> memref<!tpu.dma_semaphore, #tpu.memory_space<semaphore_mem>>
    %dma_start3A_1099 = arith.constant 0 : i32
    %dma_start3A_1100 = tpu.memref_slice %arg6[%add3A_1088, %dma_start3A_1099] : memref<819200x128xf32, #tpu.memory_space<hbm>> -> memref<256x64xf32, #tpu.memory_space<hbm>>
    %dma_start3A_1101 = arith.constant 0 : i32
    %dma_start3A_1102 = arith.constant 0 : i32
    %dma_start3A_1103 = tpu.memref_slice %arg9[%dma_start3A_1089, %dma_start3A_1101, %dma_start3A_1102] : memref<3x256x64xf32, #tpu.memory_space<vmem>> -> memref<1x256x64xf32, #tpu.memory_space<vmem>>
    %dma_start3A_1104 = tpu.memref_squeeze %dma_start3A_1103 : memref<1x256x64xf32, #tpu.memory_space<vmem>> -> memref<256x64xf32, #tpu.memory_space<vmem>>
    tpu.enqueue_dma source(%dma_start3A_1104 : memref<256x64xf32, #tpu.memory_space<vmem>>) target(%dma_start3A_1100 : memref<256x64xf32, #tpu.memory_space<hbm>>) target_semaphore(%dma_start3A_1098 : memref<!tpu.dma_semaphore, #tpu.memory_space<semaphore_mem>>)
    %dma_start3A_1105 = arith.constant 2 : i32
    %dma_start3A_1106 = arith.constant 2 : i32
    %dma_start3A_1107 = arith.constant 0 : i32
    %dma_start3A_1108 = arith.constant 0 : i32
    %dma_start3A_1109 = tpu.memref_slice %arg10[%dma_start3A_1105, %dma_start3A_1107, %dma_start3A_1108] : memref<3x256x32xf32, #tpu.memory_space<vmem>> -> memref<1x256x32xf32, #tpu.memory_space<vmem>>
    %dma_start3A_1110 = tpu.memref_squeeze %dma_start3A_1109 : memref<1x256x32xf32, #tpu.memory_space<vmem>> -> memref<256x32xf32, #tpu.memory_space<vmem>>
    %dma_start3A_1111 = arith.constant 64 : i32
    %dma_start3A_1112 = tpu.memref_slice %arg6[%add3A_1088, %dma_start3A_1111] : memref<819200x128xf32, #tpu.memory_space<hbm>> -> memref<256x32xf32, #tpu.memory_space<hbm>>
    %dma_start3A_1113 = tpu.memref_slice %arg14[%dma_start3A_1106] : memref<3x!tpu.dma_semaphore, #tpu.memory_space<semaphore_mem>> -> memref<1x!tpu.dma_semaphore, #tpu.memory_space<semaphore_mem>>
    %dma_start3A_1114 = tpu.memref_squeeze %dma_start3A_1113 : memref<1x!tpu.dma_semaphore, #tpu.memory_space<semaphore_mem>> -> memref<!tpu.dma_semaphore, #tpu.memory_space<semaphore_mem>>
    %dma_start3A_1115 = arith.constant 64 : i32
    %dma_start3A_1116 = tpu.memref_slice %arg6[%add3A_1088, %dma_start3A_1115] : memref<819200x128xf32, #tpu.memory_space<hbm>> -> memref<256x32xf32, #tpu.memory_space<hbm>>
    %dma_start3A_1117 = arith.constant 0 : i32
    %dma_start3A_1118 = arith.constant 0 : i32
    %dma_start3A_1119 = tpu.memref_slice %arg10[%dma_start3A_1105, %dma_start3A_1117, %dma_start3A_1118] : memref<3x256x32xf32, #tpu.memory_space<vmem>> -> memref<1x256x32xf32, #tpu.memory_space<vmem>>
    %dma_start3A_1120 = tpu.memref_squeeze %dma_start3A_1119 : memref<1x256x32xf32, #tpu.memory_space<vmem>> -> memref<256x32xf32, #tpu.memory_space<vmem>>
    tpu.enqueue_dma source(%dma_start3A_1120 : memref<256x32xf32, #tpu.memory_space<vmem>>) target(%dma_start3A_1116 : memref<256x32xf32, #tpu.memory_space<hbm>>) target_semaphore(%dma_start3A_1114 : memref<!tpu.dma_semaphore, #tpu.memory_space<semaphore_mem>>)
    %dma_wait3A_1121 = arith.constant 0 : i32
    %dma_wait3A_1122 = arith.constant 0 : i32
    %dma_wait3A_1123 = arith.constant 0 : i32
    %dma_wait3A_1124 = arith.constant 0 : i32
    %dma_wait3A_1125 = arith.constant 0 : i32
    %dma_wait3A_1126 = tpu.memref_slice %arg9[%dma_wait3A_1122, %dma_wait3A_1124, %dma_wait3A_1125] : memref<3x256x64xf32, #tpu.memory_space<vmem>> -> memref<1x128x64xf32, #tpu.memory_space<vmem>>
    %dma_wait3A_1127 = tpu.memref_squeeze %dma_wait3A_1126 : memref<1x128x64xf32, #tpu.memory_space<vmem>> -> memref<128x64xf32, #tpu.memory_space<vmem>>
    %dma_wait3A_1128 = arith.constant 0 : i32
    %dma_wait3A_1129 = tpu.memref_slice %arg7[%dma_wait3A_1121, %dma_wait3A_1128] : memref<200x128xi32, #tpu.memory_space<vmem>> -> memref<1x128xi32, #tpu.memory_space<vmem>>
    %dma_wait3A_1130 = tpu.memref_squeeze %dma_wait3A_1129 : memref<1x128xi32, #tpu.memory_space<vmem>> -> memref<128xi32, #tpu.memory_space<vmem>>
    %dma_wait3A_1131 = arith.constant 0 : i32
    %dma_wait3A_1132 = arith.constant 0 : i32
    %dma_wait3A_1133 = tpu.memref_slice %arg11[%dma_wait3A_1131, %dma_wait3A_1132] : memref<1000x64xf32, #tpu.memory_space<vmem_shared>> -> memref<1000x64xf32, #tpu.memory_space<vmem_shared>>
    %dma_wait3A_1134 = tpu.memref_slice %arg13[%dma_wait3A_1123] : memref<3x!tpu.dma_semaphore, #tpu.memory_space<semaphore_mem>> -> memref<1x!tpu.dma_semaphore, #tpu.memory_space<semaphore_mem>>
    %dma_wait3A_1135 = tpu.memref_squeeze %dma_wait3A_1134 : memref<1x!tpu.dma_semaphore, #tpu.memory_space<semaphore_mem>> -> memref<!tpu.dma_semaphore, #tpu.memory_space<semaphore_mem>>
    tpu.wait_indirect_dma semaphore(%dma_wait3A_1135 : memref<!tpu.dma_semaphore, #tpu.memory_space<semaphore_mem>>) src(%dma_wait3A_1133 : memref<1000x64xf32, #tpu.memory_space<vmem_shared>>) dst(%dma_wait3A_1127 : memref<128x64xf32, #tpu.memory_space<vmem>>)
    %dma_wait3A_1136 = arith.constant 0 : i32
    %dma_wait3A_1137 = arith.constant 0 : i32
    %dma_wait3A_1138 = arith.constant 0 : i32
    %dma_wait3A_1139 = arith.constant 0 : i32
    %dma_wait3A_1140 = arith.constant 0 : i32
    %dma_wait3A_1141 = tpu.memref_slice %arg10[%dma_wait3A_1137, %dma_wait3A_1139, %dma_wait3A_1140] : memref<3x256x32xf32, #tpu.memory_space<vmem>> -> memref<1x128x32xf32, #tpu.memory_space<vmem>>
    %dma_wait3A_1142 = tpu.memref_squeeze %dma_wait3A_1141 : memref<1x128x32xf32, #tpu.memory_space<vmem>> -> memref<128x32xf32, #tpu.memory_space<vmem>>
    %dma_wait3A_1143 = arith.constant 0 : i32
    %dma_wait3A_1144 = tpu.memref_slice %arg8[%dma_wait3A_1136, %dma_wait3A_1143] : memref<200x128xi32, #tpu.memory_space<vmem>> -> memref<1x128xi32, #tpu.memory_space<vmem>>
    %dma_wait3A_1145 = tpu.memref_squeeze %dma_wait3A_1144 : memref<1x128xi32, #tpu.memory_space<vmem>> -> memref<128xi32, #tpu.memory_space<vmem>>
    %dma_wait3A_1146 = arith.constant 0 : i32
    %dma_wait3A_1147 = arith.constant 0 : i32
    %dma_wait3A_1148 = tpu.memref_slice %arg12[%dma_wait3A_1146, %dma_wait3A_1147] : memref<1000x32xf32, #tpu.memory_space<vmem_shared>> -> memref<1000x32xf32, #tpu.memory_space<vmem_shared>>
    %dma_wait3A_1149 = tpu.memref_slice %arg13[%dma_wait3A_1138] : memref<3x!tpu.dma_semaphore, #tpu.memory_space<semaphore_mem>> -> memref<1x!tpu.dma_semaphore, #tpu.memory_space<semaphore_mem>>
    %dma_wait3A_1150 = tpu.memref_squeeze %dma_wait3A_1149 : memref<1x!tpu.dma_semaphore, #tpu.memory_space<semaphore_mem>> -> memref<!tpu.dma_semaphore, #tpu.memory_space<semaphore_mem>>
    tpu.wait_indirect_dma semaphore(%dma_wait3A_1150 : memref<!tpu.dma_semaphore, #tpu.memory_space<semaphore_mem>>) src(%dma_wait3A_1148 : memref<1000x32xf32, #tpu.memory_space<vmem_shared>>) dst(%dma_wait3A_1142 : memref<128x32xf32, #tpu.memory_space<vmem>>)
    %dma_wait3A_1151 = arith.constant 0 : i32
    %dma_wait3A_1152 = arith.constant 0 : i32
    %dma_wait3A_1153 = arith.constant 0 : i32
    %dma_wait3A_1154 = arith.constant 128 : i32
    %dma_wait3A_1155 = arith.constant 0 : i32
    %dma_wait3A_1156 = tpu.memref_slice %arg9[%dma_wait3A_1152, %dma_wait3A_1154, %dma_wait3A_1155] : memref<3x256x64xf32, #tpu.memory_space<vmem>> -> memref<1x128x64xf32, #tpu.memory_space<vmem>>
    %dma_wait3A_1157 = tpu.memref_squeeze %dma_wait3A_1156 : memref<1x128x64xf32, #tpu.memory_space<vmem>> -> memref<128x64xf32, #tpu.memory_space<vmem>>
    %dma_wait3A_1158 = arith.constant 0 : i32
    %dma_wait3A_1159 = tpu.memref_slice %arg7[%dma_wait3A_1151, %dma_wait3A_1158] : memref<200x128xi32, #tpu.memory_space<vmem>> -> memref<1x128xi32, #tpu.memory_space<vmem>>
    %dma_wait3A_1160 = tpu.memref_squeeze %dma_wait3A_1159 : memref<1x128xi32, #tpu.memory_space<vmem>> -> memref<128xi32, #tpu.memory_space<vmem>>
    %dma_wait3A_1161 = arith.constant 0 : i32
    %dma_wait3A_1162 = arith.constant 0 : i32
    %dma_wait3A_1163 = tpu.memref_slice %arg11[%dma_wait3A_1161, %dma_wait3A_1162] : memref<1000x64xf32, #tpu.memory_space<vmem_shared>> -> memref<1000x64xf32, #tpu.memory_space<vmem_shared>>
    %dma_wait3A_1164 = tpu.memref_slice %arg13[%dma_wait3A_1153] : memref<3x!tpu.dma_semaphore, #tpu.memory_space<semaphore_mem>> -> memref<1x!tpu.dma_semaphore, #tpu.memory_space<semaphore_mem>>
    %dma_wait3A_1165 = tpu.memref_squeeze %dma_wait3A_1164 : memref<1x!tpu.dma_semaphore, #tpu.memory_space<semaphore_mem>> -> memref<!tpu.dma_semaphore, #tpu.memory_space<semaphore_mem>>
    tpu.wait_indirect_dma semaphore(%dma_wait3A_1165 : memref<!tpu.dma_semaphore, #tpu.memory_space<semaphore_mem>>) src(%dma_wait3A_1163 : memref<1000x64xf32, #tpu.memory_space<vmem_shared>>) dst(%dma_wait3A_1157 : memref<128x64xf32, #tpu.memory_space<vmem>>)
    %dma_wait3A_1166 = arith.constant 0 : i32
    %dma_wait3A_1167 = arith.constant 0 : i32
    %dma_wait3A_1168 = arith.constant 0 : i32
    %dma_wait3A_1169 = arith.constant 128 : i32
    %dma_wait3A_1170 = arith.constant 0 : i32
    %dma_wait3A_1171 = tpu.memref_slice %arg10[%dma_wait3A_1167, %dma_wait3A_1169, %dma_wait3A_1170] : memref<3x256x32xf32, #tpu.memory_space<vmem>> -> memref<1x128x32xf32, #tpu.memory_space<vmem>>
    %dma_wait3A_1172 = tpu.memref_squeeze %dma_wait3A_1171 : memref<1x128x32xf32, #tpu.memory_space<vmem>> -> memref<128x32xf32, #tpu.memory_space<vmem>>
    %dma_wait3A_1173 = arith.constant 0 : i32
    %dma_wait3A_1174 = tpu.memref_slice %arg8[%dma_wait3A_1166, %dma_wait3A_1173] : memref<200x128xi32, #tpu.memory_space<vmem>> -> memref<1x128xi32, #tpu.memory_space<vmem>>
    %dma_wait3A_1175 = tpu.memref_squeeze %dma_wait3A_1174 : memref<1x128xi32, #tpu.memory_space<vmem>> -> memref<128xi32, #tpu.memory_space<vmem>>
    %dma_wait3A_1176 = arith.constant 0 : i32
    %dma_wait3A_1177 = arith.constant 0 : i32
    %dma_wait3A_1178 = tpu.memref_slice %arg12[%dma_wait3A_1176, %dma_wait3A_1177] : memref<1000x32xf32, #tpu.memory_space<vmem_shared>> -> memref<1000x32xf32, #tpu.memory_space<vmem_shared>>
    %dma_wait3A_1179 = tpu.memref_slice %arg13[%dma_wait3A_1168] : memref<3x!tpu.dma_semaphore, #tpu.memory_space<semaphore_mem>> -> memref<1x!tpu.dma_semaphore, #tpu.memory_space<semaphore_mem>>
    %dma_wait3A_1180 = tpu.memref_squeeze %dma_wait3A_1179 : memref<1x!tpu.dma_semaphore, #tpu.memory_space<semaphore_mem>> -> memref<!tpu.dma_semaphore, #tpu.memory_space<semaphore_mem>>
    tpu.wait_indirect_dma semaphore(%dma_wait3A_1180 : memref<!tpu.dma_semaphore, #tpu.memory_space<semaphore_mem>>) src(%dma_wait3A_1178 : memref<1000x32xf32, #tpu.memory_space<vmem_shared>>) dst(%dma_wait3A_1172 : memref<128x32xf32, #tpu.memory_space<vmem>>)
    %add3A_1181 = arith.constant 25344 : i32
    %add3A_1182 = arith.addi %mul3A_2, %add3A_1181 : i32
    %dma_start3A_1183 = arith.constant 0 : i32
    %dma_start3A_1184 = arith.constant 0 : i32
    %dma_start3A_1185 = arith.constant 0 : i32
    %dma_start3A_1186 = arith.constant 0 : i32
    %dma_start3A_1187 = tpu.memref_slice %arg9[%dma_start3A_1183, %dma_start3A_1185, %dma_start3A_1186] : memref<3x256x64xf32, #tpu.memory_space<vmem>> -> memref<1x256x64xf32, #tpu.memory_space<vmem>>
    %dma_start3A_1188 = tpu.memref_squeeze %dma_start3A_1187 : memref<1x256x64xf32, #tpu.memory_space<vmem>> -> memref<256x64xf32, #tpu.memory_space<vmem>>
    %dma_start3A_1189 = arith.constant 0 : i32
    %dma_start3A_1190 = tpu.memref_slice %arg6[%add3A_1182, %dma_start3A_1189] : memref<819200x128xf32, #tpu.memory_space<hbm>> -> memref<256x64xf32, #tpu.memory_space<hbm>>
    %dma_start3A_1191 = tpu.memref_slice %arg14[%dma_start3A_1184] : memref<3x!tpu.dma_semaphore, #tpu.memory_space<semaphore_mem>> -> memref<1x!tpu.dma_semaphore, #tpu.memory_space<semaphore_mem>>
    %dma_start3A_1192 = tpu.memref_squeeze %dma_start3A_1191 : memref<1x!tpu.dma_semaphore, #tpu.memory_space<semaphore_mem>> -> memref<!tpu.dma_semaphore, #tpu.memory_space<semaphore_mem>>
    %dma_start3A_1193 = arith.constant 0 : i32
    %dma_start3A_1194 = tpu.memref_slice %arg6[%add3A_1182, %dma_start3A_1193] : memref<819200x128xf32, #tpu.memory_space<hbm>> -> memref<256x64xf32, #tpu.memory_space<hbm>>
    %dma_start3A_1195 = arith.constant 0 : i32
    %dma_start3A_1196 = arith.constant 0 : i32
    %dma_start3A_1197 = tpu.memref_slice %arg9[%dma_start3A_1183, %dma_start3A_1195, %dma_start3A_1196] : memref<3x256x64xf32, #tpu.memory_space<vmem>> -> memref<1x256x64xf32, #tpu.memory_space<vmem>>
    %dma_start3A_1198 = tpu.memref_squeeze %dma_start3A_1197 : memref<1x256x64xf32, #tpu.memory_space<vmem>> -> memref<256x64xf32, #tpu.memory_space<vmem>>
    tpu.enqueue_dma source(%dma_start3A_1198 : memref<256x64xf32, #tpu.memory_space<vmem>>) target(%dma_start3A_1194 : memref<256x64xf32, #tpu.memory_space<hbm>>) target_semaphore(%dma_start3A_1192 : memref<!tpu.dma_semaphore, #tpu.memory_space<semaphore_mem>>)
    %dma_start3A_1199 = arith.constant 0 : i32
    %dma_start3A_1200 = arith.constant 0 : i32
    %dma_start3A_1201 = arith.constant 0 : i32
    %dma_start3A_1202 = arith.constant 0 : i32
    %dma_start3A_1203 = tpu.memref_slice %arg10[%dma_start3A_1199, %dma_start3A_1201, %dma_start3A_1202] : memref<3x256x32xf32, #tpu.memory_space<vmem>> -> memref<1x256x32xf32, #tpu.memory_space<vmem>>
    %dma_start3A_1204 = tpu.memref_squeeze %dma_start3A_1203 : memref<1x256x32xf32, #tpu.memory_space<vmem>> -> memref<256x32xf32, #tpu.memory_space<vmem>>
    %dma_start3A_1205 = arith.constant 64 : i32
    %dma_start3A_1206 = tpu.memref_slice %arg6[%add3A_1182, %dma_start3A_1205] : memref<819200x128xf32, #tpu.memory_space<hbm>> -> memref<256x32xf32, #tpu.memory_space<hbm>>
    %dma_start3A_1207 = tpu.memref_slice %arg14[%dma_start3A_1200] : memref<3x!tpu.dma_semaphore, #tpu.memory_space<semaphore_mem>> -> memref<1x!tpu.dma_semaphore, #tpu.memory_space<semaphore_mem>>
    %dma_start3A_1208 = tpu.memref_squeeze %dma_start3A_1207 : memref<1x!tpu.dma_semaphore, #tpu.memory_space<semaphore_mem>> -> memref<!tpu.dma_semaphore, #tpu.memory_space<semaphore_mem>>
    %dma_start3A_1209 = arith.constant 64 : i32
    %dma_start3A_1210 = tpu.memref_slice %arg6[%add3A_1182, %dma_start3A_1209] : memref<819200x128xf32, #tpu.memory_space<hbm>> -> memref<256x32xf32, #tpu.memory_space<hbm>>
    %dma_start3A_1211 = arith.constant 0 : i32
    %dma_start3A_1212 = arith.constant 0 : i32
    %dma_start3A_1213 = tpu.memref_slice %arg10[%dma_start3A_1199, %dma_start3A_1211, %dma_start3A_1212] : memref<3x256x32xf32, #tpu.memory_space<vmem>> -> memref<1x256x32xf32, #tpu.memory_space<vmem>>
    %dma_start3A_1214 = tpu.memref_squeeze %dma_start3A_1213 : memref<1x256x32xf32, #tpu.memory_space<vmem>> -> memref<256x32xf32, #tpu.memory_space<vmem>>
    tpu.enqueue_dma source(%dma_start3A_1214 : memref<256x32xf32, #tpu.memory_space<vmem>>) target(%dma_start3A_1210 : memref<256x32xf32, #tpu.memory_space<hbm>>) target_semaphore(%dma_start3A_1208 : memref<!tpu.dma_semaphore, #tpu.memory_space<semaphore_mem>>)
    %dma_wait3A_1215 = arith.constant 1 : i32
    %dma_wait3A_1216 = arith.constant 1 : i32
    %dma_wait3A_1217 = arith.constant 0 : i32
    %dma_wait3A_1218 = arith.constant 0 : i32
    %dma_wait3A_1219 = tpu.memref_slice %arg9[%dma_wait3A_1215, %dma_wait3A_1217, %dma_wait3A_1218] : memref<3x256x64xf32, #tpu.memory_space<vmem>> -> memref<1x256x64xf32, #tpu.memory_space<vmem>>
    %dma_wait3A_1220 = tpu.memref_squeeze %dma_wait3A_1219 : memref<1x256x64xf32, #tpu.memory_space<vmem>> -> memref<256x64xf32, #tpu.memory_space<vmem>>
    %dma_wait3A_1221 = arith.constant 0 : i32
    %dma_wait3A_1222 = tpu.memref_slice %arg6[%mul3A_2, %dma_wait3A_1221] : memref<819200x128xf32, #tpu.memory_space<hbm>> -> memref<256x64xf32, #tpu.memory_space<hbm>>
    %dma_wait3A_1223 = tpu.memref_slice %arg14[%dma_wait3A_1216] : memref<3x!tpu.dma_semaphore, #tpu.memory_space<semaphore_mem>> -> memref<1x!tpu.dma_semaphore, #tpu.memory_space<semaphore_mem>>
    %dma_wait3A_1224 = tpu.memref_squeeze %dma_wait3A_1223 : memref<1x!tpu.dma_semaphore, #tpu.memory_space<semaphore_mem>> -> memref<!tpu.dma_semaphore, #tpu.memory_space<semaphore_mem>>
    %dma_wait3A_1225 = arith.constant 0 : i32
    %dma_wait3A_1226 = tpu.memref_slice %arg6[%mul3A_2, %dma_wait3A_1225] : memref<819200x128xf32, #tpu.memory_space<hbm>> -> memref<256x64xf32, #tpu.memory_space<hbm>>
    %dma_wait3A_1227 = arith.constant 0 : i32
    %dma_wait3A_1228 = arith.constant 0 : i32
    %dma_wait3A_1229 = tpu.memref_slice %arg9[%dma_wait3A_1215, %dma_wait3A_1227, %dma_wait3A_1228] : memref<3x256x64xf32, #tpu.memory_space<vmem>> -> memref<1x256x64xf32, #tpu.memory_space<vmem>>
    %dma_wait3A_1230 = tpu.memref_squeeze %dma_wait3A_1229 : memref<1x256x64xf32, #tpu.memory_space<vmem>> -> memref<256x64xf32, #tpu.memory_space<vmem>>
    tpu.wait_dma2 semaphore(%dma_wait3A_1224 : memref<!tpu.dma_semaphore, #tpu.memory_space<semaphore_mem>>) src(%dma_wait3A_1230 : memref<256x64xf32, #tpu.memory_space<vmem>>) dst(%dma_wait3A_1226 : memref<256x64xf32, #tpu.memory_space<hbm>>)
    %dma_wait3A_1231 = arith.constant 1 : i32
    %dma_wait3A_1232 = arith.constant 1 : i32
    %dma_wait3A_1233 = arith.constant 0 : i32
    %dma_wait3A_1234 = arith.constant 0 : i32
    %dma_wait3A_1235 = tpu.memref_slice %arg10[%dma_wait3A_1231, %dma_wait3A_1233, %dma_wait3A_1234] : memref<3x256x32xf32, #tpu.memory_space<vmem>> -> memref<1x256x32xf32, #tpu.memory_space<vmem>>
    %dma_wait3A_1236 = tpu.memref_squeeze %dma_wait3A_1235 : memref<1x256x32xf32, #tpu.memory_space<vmem>> -> memref<256x32xf32, #tpu.memory_space<vmem>>
    %dma_wait3A_1237 = arith.constant 64 : i32
    %dma_wait3A_1238 = tpu.memref_slice %arg6[%mul3A_2, %dma_wait3A_1237] : memref<819200x128xf32, #tpu.memory_space<hbm>> -> memref<256x32xf32, #tpu.memory_space<hbm>>
    %dma_wait3A_1239 = tpu.memref_slice %arg14[%dma_wait3A_1232] : memref<3x!tpu.dma_semaphore, #tpu.memory_space<semaphore_mem>> -> memref<1x!tpu.dma_semaphore, #tpu.memory_space<semaphore_mem>>
    %dma_wait3A_1240 = tpu.memref_squeeze %dma_wait3A_1239 : memref<1x!tpu.dma_semaphore, #tpu.memory_space<semaphore_mem>> -> memref<!tpu.dma_semaphore, #tpu.memory_space<semaphore_mem>>
    %dma_wait3A_1241 = arith.constant 64 : i32
    %dma_wait3A_1242 = tpu.memref_slice %arg6[%mul3A_2, %dma_wait3A_1241] : memref<819200x128xf32, #tpu.memory_space<hbm>> -> memref<256x32xf32, #tpu.memory_space<hbm>>
    %dma_wait3A_1243 = arith.constant 0 : i32
    %dma_wait3A_1244 = arith.constant 0 : i32
    %dma_wait3A_1245 = tpu.memref_slice %arg10[%dma_wait3A_1231, %dma_wait3A_1243, %dma_wait3A_1244] : memref<3x256x32xf32, #tpu.memory_space<vmem>> -> memref<1x256x32xf32, #tpu.memory_space<vmem>>
    %dma_wait3A_1246 = tpu.memref_squeeze %dma_wait3A_1245 : memref<1x256x32xf32, #tpu.memory_space<vmem>> -> memref<256x32xf32, #tpu.memory_space<vmem>>
    tpu.wait_dma2 semaphore(%dma_wait3A_1240 : memref<!tpu.dma_semaphore, #tpu.memory_space<semaphore_mem>>) src(%dma_wait3A_1246 : memref<256x32xf32, #tpu.memory_space<vmem>>) dst(%dma_wait3A_1242 : memref<256x32xf32, #tpu.memory_space<hbm>>)
    %dma_wait3A_1247 = arith.constant 2 : i32
    %dma_wait3A_1248 = arith.constant 2 : i32
    %dma_wait3A_1249 = arith.constant 0 : i32
    %dma_wait3A_1250 = arith.constant 0 : i32
    %dma_wait3A_1251 = tpu.memref_slice %arg9[%dma_wait3A_1247, %dma_wait3A_1249, %dma_wait3A_1250] : memref<3x256x64xf32, #tpu.memory_space<vmem>> -> memref<1x256x64xf32, #tpu.memory_space<vmem>>
    %dma_wait3A_1252 = tpu.memref_squeeze %dma_wait3A_1251 : memref<1x256x64xf32, #tpu.memory_space<vmem>> -> memref<256x64xf32, #tpu.memory_space<vmem>>
    %dma_wait3A_1253 = arith.constant 0 : i32
    %dma_wait3A_1254 = tpu.memref_slice %arg6[%mul3A_2, %dma_wait3A_1253] : memref<819200x128xf32, #tpu.memory_space<hbm>> -> memref<256x64xf32, #tpu.memory_space<hbm>>
    %dma_wait3A_1255 = tpu.memref_slice %arg14[%dma_wait3A_1248] : memref<3x!tpu.dma_semaphore, #tpu.memory_space<semaphore_mem>> -> memref<1x!tpu.dma_semaphore, #tpu.memory_space<semaphore_mem>>
    %dma_wait3A_1256 = tpu.memref_squeeze %dma_wait3A_1255 : memref<1x!tpu.dma_semaphore, #tpu.memory_space<semaphore_mem>> -> memref<!tpu.dma_semaphore, #tpu.memory_space<semaphore_mem>>
    %dma_wait3A_1257 = arith.constant 0 : i32
    %dma_wait3A_1258 = tpu.memref_slice %arg6[%mul3A_2, %dma_wait3A_1257] : memref<819200x128xf32, #tpu.memory_space<hbm>> -> memref<256x64xf32, #tpu.memory_space<hbm>>
    %dma_wait3A_1259 = arith.constant 0 : i32
    %dma_wait3A_1260 = arith.constant 0 : i32
    %dma_wait3A_1261 = tpu.memref_slice %arg9[%dma_wait3A_1247, %dma_wait3A_1259, %dma_wait3A_1260] : memref<3x256x64xf32, #tpu.memory_space<vmem>> -> memref<1x256x64xf32, #tpu.memory_space<vmem>>
    %dma_wait3A_1262 = tpu.memref_squeeze %dma_wait3A_1261 : memref<1x256x64xf32, #tpu.memory_space<vmem>> -> memref<256x64xf32, #tpu.memory_space<vmem>>
    tpu.wait_dma2 semaphore(%dma_wait3A_1256 : memref<!tpu.dma_semaphore, #tpu.memory_space<semaphore_mem>>) src(%dma_wait3A_1262 : memref<256x64xf32, #tpu.memory_space<vmem>>) dst(%dma_wait3A_1258 : memref<256x64xf32, #tpu.memory_space<hbm>>)
    %dma_wait3A_1263 = arith.constant 2 : i32
    %dma_wait3A_1264 = arith.constant 2 : i32
    %dma_wait3A_1265 = arith.constant 0 : i32
    %dma_wait3A_1266 = arith.constant 0 : i32
    %dma_wait3A_1267 = tpu.memref_slice %arg10[%dma_wait3A_1263, %dma_wait3A_1265, %dma_wait3A_1266] : memref<3x256x32xf32, #tpu.memory_space<vmem>> -> memref<1x256x32xf32, #tpu.memory_space<vmem>>
    %dma_wait3A_1268 = tpu.memref_squeeze %dma_wait3A_1267 : memref<1x256x32xf32, #tpu.memory_space<vmem>> -> memref<256x32xf32, #tpu.memory_space<vmem>>
    %dma_wait3A_1269 = arith.constant 64 : i32
    %dma_wait3A_1270 = tpu.memref_slice %arg6[%mul3A_2, %dma_wait3A_1269] : memref<819200x128xf32, #tpu.memory_space<hbm>> -> memref<256x32xf32, #tpu.memory_space<hbm>>
    %dma_wait3A_1271 = tpu.memref_slice %arg14[%dma_wait3A_1264] : memref<3x!tpu.dma_semaphore, #tpu.memory_space<semaphore_mem>> -> memref<1x!tpu.dma_semaphore, #tpu.memory_space<semaphore_mem>>
    %dma_wait3A_1272 = tpu.memref_squeeze %dma_wait3A_1271 : memref<1x!tpu.dma_semaphore, #tpu.memory_space<semaphore_mem>> -> memref<!tpu.dma_semaphore, #tpu.memory_space<semaphore_mem>>
    %dma_wait3A_1273 = arith.constant 64 : i32
    %dma_wait3A_1274 = tpu.memref_slice %arg6[%mul3A_2, %dma_wait3A_1273] : memref<819200x128xf32, #tpu.memory_space<hbm>> -> memref<256x32xf32, #tpu.memory_space<hbm>>
    %dma_wait3A_1275 = arith.constant 0 : i32
    %dma_wait3A_1276 = arith.constant 0 : i32
    %dma_wait3A_1277 = tpu.memref_slice %arg10[%dma_wait3A_1263, %dma_wait3A_1275, %dma_wait3A_1276] : memref<3x256x32xf32, #tpu.memory_space<vmem>> -> memref<1x256x32xf32, #tpu.memory_space<vmem>>
    %dma_wait3A_1278 = tpu.memref_squeeze %dma_wait3A_1277 : memref<1x256x32xf32, #tpu.memory_space<vmem>> -> memref<256x32xf32, #tpu.memory_space<vmem>>
    tpu.wait_dma2 semaphore(%dma_wait3A_1272 : memref<!tpu.dma_semaphore, #tpu.memory_space<semaphore_mem>>) src(%dma_wait3A_1278 : memref<256x32xf32, #tpu.memory_space<vmem>>) dst(%dma_wait3A_1274 : memref<256x32xf32, #tpu.memory_space<hbm>>)
    %dma_wait3A_1279 = arith.constant 0 : i32
    %dma_wait3A_1280 = arith.constant 0 : i32
    %dma_wait3A_1281 = arith.constant 0 : i32
    %dma_wait3A_1282 = arith.constant 0 : i32
    %dma_wait3A_1283 = tpu.memref_slice %arg9[%dma_wait3A_1279, %dma_wait3A_1281, %dma_wait3A_1282] : memref<3x256x64xf32, #tpu.memory_space<vmem>> -> memref<1x256x64xf32, #tpu.memory_space<vmem>>
    %dma_wait3A_1284 = tpu.memref_squeeze %dma_wait3A_1283 : memref<1x256x64xf32, #tpu.memory_space<vmem>> -> memref<256x64xf32, #tpu.memory_space<vmem>>
    %dma_wait3A_1285 = arith.constant 0 : i32
    %dma_wait3A_1286 = tpu.memref_slice %arg6[%mul3A_2, %dma_wait3A_1285] : memref<819200x128xf32, #tpu.memory_space<hbm>> -> memref<256x64xf32, #tpu.memory_space<hbm>>
    %dma_wait3A_1287 = tpu.memref_slice %arg14[%dma_wait3A_1280] : memref<3x!tpu.dma_semaphore, #tpu.memory_space<semaphore_mem>> -> memref<1x!tpu.dma_semaphore, #tpu.memory_space<semaphore_mem>>
    %dma_wait3A_1288 = tpu.memref_squeeze %dma_wait3A_1287 : memref<1x!tpu.dma_semaphore, #tpu.memory_space<semaphore_mem>> -> memref<!tpu.dma_semaphore, #tpu.memory_space<semaphore_mem>>
    %dma_wait3A_1289 = arith.constant 0 : i32
    %dma_wait3A_1290 = tpu.memref_slice %arg6[%mul3A_2, %dma_wait3A_1289] : memref<819200x128xf32, #tpu.memory_space<hbm>> -> memref<256x64xf32, #tpu.memory_space<hbm>>
    %dma_wait3A_1291 = arith.constant 0 : i32
    %dma_wait3A_1292 = arith.constant 0 : i32
    %dma_wait3A_1293 = tpu.memref_slice %arg9[%dma_wait3A_1279, %dma_wait3A_1291, %dma_wait3A_1292] : memref<3x256x64xf32, #tpu.memory_space<vmem>> -> memref<1x256x64xf32, #tpu.memory_space<vmem>>
    %dma_wait3A_1294 = tpu.memref_squeeze %dma_wait3A_1293 : memref<1x256x64xf32, #tpu.memory_space<vmem>> -> memref<256x64xf32, #tpu.memory_space<vmem>>
    tpu.wait_dma2 semaphore(%dma_wait3A_1288 : memref<!tpu.dma_semaphore, #tpu.memory_space<semaphore_mem>>) src(%dma_wait3A_1294 : memref<256x64xf32, #tpu.memory_space<vmem>>) dst(%dma_wait3A_1290 : memref<256x64xf32, #tpu.memory_space<hbm>>)
    %dma_wait3A_1295 = arith.constant 0 : i32
    %dma_wait3A_1296 = arith.constant 0 : i32
    %dma_wait3A_1297 = arith.constant 0 : i32
    %dma_wait3A_1298 = arith.constant 0 : i32
    %dma_wait3A_1299 = tpu.memref_slice %arg10[%dma_wait3A_1295, %dma_wait3A_1297, %dma_wait3A_1298] : memref<3x256x32xf32, #tpu.memory_space<vmem>> -> memref<1x256x32xf32, #tpu.memory_space<vmem>>
    %dma_wait3A_1300 = tpu.memref_squeeze %dma_wait3A_1299 : memref<1x256x32xf32, #tpu.memory_space<vmem>> -> memref<256x32xf32, #tpu.memory_space<vmem>>
    %dma_wait3A_1301 = arith.constant 64 : i32
    %dma_wait3A_1302 = tpu.memref_slice %arg6[%mul3A_2, %dma_wait3A_1301] : memref<819200x128xf32, #tpu.memory_space<hbm>> -> memref<256x32xf32, #tpu.memory_space<hbm>>
    %dma_wait3A_1303 = tpu.memref_slice %arg14[%dma_wait3A_1296] : memref<3x!tpu.dma_semaphore, #tpu.memory_space<semaphore_mem>> -> memref<1x!tpu.dma_semaphore, #tpu.memory_space<semaphore_mem>>
    %dma_wait3A_1304 = tpu.memref_squeeze %dma_wait3A_1303 : memref<1x!tpu.dma_semaphore, #tpu.memory_space<semaphore_mem>> -> memref<!tpu.dma_semaphore, #tpu.memory_space<semaphore_mem>>
    %dma_wait3A_1305 = arith.constant 64 : i32
    %dma_wait3A_1306 = tpu.memref_slice %arg6[%mul3A_2, %dma_wait3A_1305] : memref<819200x128xf32, #tpu.memory_space<hbm>> -> memref<256x32xf32, #tpu.memory_space<hbm>>
    %dma_wait3A_1307 = arith.constant 0 : i32
    %dma_wait3A_1308 = arith.constant 0 : i32
    %dma_wait3A_1309 = tpu.memref_slice %arg10[%dma_wait3A_1295, %dma_wait3A_1307, %dma_wait3A_1308] : memref<3x256x32xf32, #tpu.memory_space<vmem>> -> memref<1x256x32xf32, #tpu.memory_space<vmem>>
    %dma_wait3A_1310 = tpu.memref_squeeze %dma_wait3A_1309 : memref<1x256x32xf32, #tpu.memory_space<vmem>> -> memref<256x32xf32, #tpu.memory_space<vmem>>
    tpu.wait_dma2 semaphore(%dma_wait3A_1304 : memref<!tpu.dma_semaphore, #tpu.memory_space<semaphore_mem>>) src(%dma_wait3A_1310 : memref<256x32xf32, #tpu.memory_space<vmem>>) dst(%dma_wait3A_1306 : memref<256x32xf32, #tpu.memory_space<hbm>>)
    return
  }
}

</mosaic_0001>

<sc_bundles>
// kernel: kernel.3.cloned.1.call-start
scs
__scs_entry_jumppad:
0x0: {  	(pc) =	sbr.rel $0x88, $3  }
0x1: {  	(tag) =	ssettag $0x0;
	lr =	simm.s32 $0x1  }
0x2: {  	[smem:$0x3F9D] =	sst lr;
	_ =	strace $0xD0000000  }
0x3: {  	_ = 	snop  }
0x4: {  	_ = 	snop  }
0x5: {  	_ = 	snop  }
0x6: {  	_ = 	snop  }
0x7: {  	_ = 	snop  }
__scs_overlays_trampoline_lowered:
0x8: {  	[smem:$0x3FAC] =	sst s0  }
0x9: {  	[smem:$0x3FAD] =	sst s1  }
0xa: {  	[smem:$0x3FAE] =	sst s2  }
0xb: {  	[smem:$0x3FAF] =	sst s3  }
0xc: {  	[smem:$0x3FB0] =	sst s4  }
0xd: {  	[smem:$0x3FB1] =	sst s5  }
0xe: {  	[smem:$0x3FB2] =	sst s6  }
0xf: {  	[smem:$0x3FB3] =	sst s7  }
0x10: {  	[smem:$0x3FB4] =	sst s8  }
0x11: {  	[smem:$0x3FB5] =	sst s9;
	s0 =	simm.s32 @!p0 $0x0  }
0x12: {  	s1 =	sld [smem:$0x3F9B];
	s0 =	simm.s32 @p0 $0x1  }
0x13: {  	[smem:$0x3FB6] =	sst s0;
	s0 =	simm.s32 @!p1 $0x0  }
0x14: {  	s2 =	sld [smem:$0x3F9A];
	s0 =	simm.s32 @p1 $0x1  }
0x15: {  	[smem:$0x3FB7] =	sst s0;
	s0 =	simm.s32 @!p2 $0x0  }
0x16: {  	s3 =	sld [smem:$0x3FDB];
	s0 =	simm.s32 @p2 $0x1  }
0x17: {  	s4 =	simm.s32 $0x1BF5;
	[smem:$0x3FB9] =	sst s0  }
0x18: {  	s0 =	sld [smem:$0x3F9C];
	_ =	swait.ge [sflag:s4], $0x0  }
0x19: {  	s7 =	sld [smem:$0x3F9D]  }
0x1a: {  	s8 =	sadd.s32 $0xFFFFE003, lr  }
0x1b: {  	s9 =	sadd.s32 $0xFFFFFEF7, lr;
	s5 =	simm.s32 $0xFFFFFFFF;
	p2 =	slt.u32 s8, $0xFFFFF086  }
0x1c: {  	p1 =	slt.u32 s9, $0xF7A;
	s5 =	simm.s32 @!p2 $0x0  }
0x1d: {  	s5 =	simm.s32 @p1 $0x1;
	p0 =	seq.s32 s7, s2  }
0x1e: {  	s7 =	smul.u32 @!p0 $0xF7A, s2;
	p2 =	seq.s32 @!p0 s5, $0x0  }
0x1f: {  	s9 =	smul.u32 $0xF7A, s1;
	s8 =	simm.s32 @!p0 $0x1BF5;
	p2 =	por !p2, p0  }
0x20: {  	[sflag:s8] =	ssyncset.s32 @!p0 $0xFFFFF086;
	s6 =	sadd.s32 @!p0 s3, s7;
	s7 =	simm.s32 @!p0 $0x108  }
0x21: {  	s3 =	sadd.s32 s3, s9;
	s6 =	sadd.s32 @!p0 $0x88, s6;
	s7 =	simm.s32 @p2 $0x1082  }
0x22: {  	[simem:s7], [sflag:s8] =	dma.local @!p0 [hbm:s6], $0xF7A  }
0x23: {  	s9 =	sor.u32 $0xD0000000, s2;
	s6 =	simm.s32 $0x108;
	_ =	swait.ge @!p0 [sflag:s8], $0x0  }
0x24: {  	s3 =	sadd.s32 $0x88, s3;
	s6 =	simm.s32 @!p1 $0x1082;
	[sflag:s4] =	ssyncset.s32 $0xFFFFF086  }
0x25: {  	[simem:s6], [sflag:s4] =	dma.local [hbm:s3], $0xF7A  }
0x26: {  	[smem:$0x3F9D] =	sst s1;
	(tag) =	ssettag s2;
	_ =	strace s9  }
0x27: {  	s1 =	sld [smem:$0x3FAD]  }
0x28: {  	s2 =	sld [smem:$0x3FAE]  }
0x29: {  	s4 =	sld [smem:$0x3FB0]  }
0x2a: {  	p0 =	seq.s32 s5, $0x0;
	s5 =	sld [smem:$0x3FB1]  }
0x2b: {  	s6 =	sld [smem:$0x3FB2]  }
0x2c: {  	s7 =	sld [smem:$0x3FB3]  }
0x2d: {  	s3 =	simm.s32 $0x108;
	s8 =	sld [smem:$0x3FB4]  }
0x2e: {  	s3 =	simm.s32 @!p0 $0x1082;
	s9 =	sld [smem:$0x3FB5]  }
0x2f: {  	lr =	sadd.s32 s0, s3;
	s0 =	sld [smem:$0x3FAC]  }
0x30: {  	s3 =	sld [smem:$0x3FAF]  }
0x31: {  	[smem:$0x3FB8] =	sst s10  }
0x32: {  	s10 =	sld [smem:$0x3FB6];
	_ =	sdelay $0x3  }
0x33: {  	p0 =	seq.s32 s10, $0x1;
	s10 =	sld [smem:$0x3FB8];
	_ =	sdelay $0x3  }
0x34: {  	[smem:$0x3FB8] =	sst s10  }
0x35: {  	s10 =	sld [smem:$0x3FB7];
	_ =	sdelay $0x3  }
0x36: {  	p1 =	seq.s32 s10, $0x1;
	s10 =	sld [smem:$0x3FB8];
	_ =	sdelay $0x3  }
0x37: {  	[smem:$0x3FB8] =	sst s10  }
0x38: {  	s10 =	sld [smem:$0x3FB9]  }
0x39: {  	_ = 	snop;
	(pc) =	sbr.ind lr, $3  }
0x3a: {  	_ = 	snop  }
0x3b: {  	_ = 	snop  }
0x3c: {  	p2 =	seq.s32 s10, $0x1;
	s10 =	sld [smem:$0x3FB8]  }
0x3d: {  	_ =	shalt  }
0x3e: {  	_ =	shalt  }
0x3f: {  	_ =	shalt  }
0x40: {  	_ =	shalt  }
0x41: {  	_ =	shalt  }
0x42: {  	_ =	shalt  }
0x43: {  	_ =	shalt  }
0x44: {  	_ =	shalt  }
0x45: {  	_ =	shalt  }
0x46: {  	_ =	shalt  }
0x47: {  	_ =	shalt  }
0x48: {  	_ =	shalt  }
0x49: {  	_ =	shalt  }
0x4a: {  	_ =	shalt  }
0x4b: {  	_ =	shalt  }
0x4c: {  	_ =	shalt  }
0x4d: {  	_ =	shalt  }
0x4e: {  	_ =	shalt  }
0x4f: {  	_ =	shalt  }
0x50: {  	_ =	shalt  }
0x51: {  	_ =	shalt  }
0x52: {  	_ =	shalt  }
0x53: {  	_ =	shalt  }
0x54: {  	_ =	shalt  }
0x55: {  	_ =	shalt  }
0x56: {  	_ =	shalt  }
0x57: {  	_ =	shalt  }
0x58: {  	_ =	shalt  }
0x59: {  	_ =	shalt  }
0x5a: {  	_ =	shalt  }
0x5b: {  	_ =	shalt  }
0x5c: {  	_ =	shalt  }
0x5d: {  	_ =	shalt  }
0x5e: {  	_ =	shalt  }
0x5f: {  	_ =	shalt  }
0x60: {  	_ =	shalt  }
0x61: {  	_ =	shalt  }
0x62: {  	_ =	shalt  }
0x63: {  	_ =	shalt  }
0x64: {  	_ =	shalt  }
0x65: {  	_ =	shalt  }
0x66: {  	_ =	shalt  }
0x67: {  	_ =	shalt  }
0x68: {  	_ =	shalt  }
0x69: {  	_ =	shalt  }
0x6a: {  	_ =	shalt  }
0x6b: {  	_ =	shalt  }
0x6c: {  	_ =	shalt  }
0x6d: {  	_ =	shalt  }
0x6e: {  	_ =	shalt  }
0x6f: {  	_ =	shalt  }
0x70: {  	_ =	shalt  }
0x71: {  	_ =	shalt  }
0x72: {  	_ =	shalt  }
0x73: {  	_ =	shalt  }
0x74: {  	_ =	shalt  }
0x75: {  	_ =	shalt  }
0x76: {  	_ =	shalt  }
0x77: {  	_ =	shalt  }
0x78: {  	_ =	shalt  }
0x79: {  	_ =	shalt  }
0x7a: {  	_ =	shalt  }
0x7b: {  	_ =	shalt  }
0x7c: {  	_ =	shalt  }
0x7d: {  	_ =	shalt  }
0x7e: {  	_ =	shalt  }
0x7f: {  	_ =	shalt  }
0x80: {  	_ =	shalt  }
0x81: {  	_ =	shalt  }
0x82: {  	_ =	shalt  }
0x83: {  	_ =	shalt  }
0x84: {  	_ =	shalt  }
0x85: {  	_ =	shalt  }
0x86: {  	_ =	shalt  }
0x87: {  	_ =	shalt  }
.Lfunc_end0:
.L_simem_size_0:
called_computation.1_lowered:
.L_overlay_start_0:
0x88: {  	s2 =	sld [smem:$0x3FD9]  }
0x89: {  	s3 =	sld [smem:$0x3FFE];
	_ =	sdelay $0x1  }
0x8a: {  	s1 =	srdreg.scid  }
0x8b: {  	s0 =	sand.u32 $0x1, s1  }
0x8c: {  	s17 =	sshll.u32 s0, $0xA;
	s2 =	sadd.s32 s3, s2  }
0x8d: {  	s2 =	sadd.s32 s2, s17  }
0x8e: {  	[smem:$0x3FC4] =	sst s2  }
0x8f: {  	_ = 	snop  }
0x90: {  	s2 =	sld [smem:$0x3FD0];
	(tm) =	ssettm $0x1  }
0x91: {  	s18 =	sld [smem:$0x3FFB];
	_ =	sdelay $0x3  }
0x92: {  	_ =	strace s18  }
0x93: {  	s3 =	sld [smem:$0x3FFC];
	_ =	sdelay $0x3  }
0x94: {  	_ =	strace s3  }
0x95: {  	s3 =	sld [smem:$0x3FFD];
	_ =	sdelay $0x3  }
0x96: {  	_ =	strace s3  }
0x97: {  	_ =	strace $0x8FFFFFFF  }
0x98: {  	s19 =	sld [smem:$0x3FDB];
	_ =	sdelay $0x1  }
0x99: {  	s4 =	simm.s32 $_scs_section_size  }
0x9a: {  	s5 =	simm.s32 $_size__tile_overlayer_lowered;
	s6 =	simm.s32 $_tile_overlayer_lowered  }
0x9b: {  	s22 =	simm.s32 $0x1BFF;
	s21 =	sshll.u32 s6, $0x1;
	s3 =	sadd.s32 s4, s19  }
0x9c: {  	s7 =	simm.s32 $0x0;
	s20 =	sshll.u32 s5, $0x1;
	s5 =	sadd.s32 s21, s3  }
0x9d: {  	[timem:s7], [sflag:s22] =	dma.local [hbm:s5], s20  }
0x9e: {  	_ =	swait.ge [sflag:s22], s20  }
0x9f: {  	s4 =	ssub.s32 $0x0, s20;
	[sflag:s22] =	ssyncset.done $0x0  }
0xa0: {  	[sflag:s22] =	ssyncadd.s32 s4;
	_ =	sdelay $0x1  }
0xa1: {  	s23 =	simm.s32 $0x1B8B  }
0xa2: {  	_ =	swait.ge [sflag:s23], $0x1  }
0xa3: {  	[sflag:s23] =	ssyncset.done $0x0  }
0xa4: {  	s25 =	simm.s32 $0x1B8E;
	s24 =	sld [smem:$0x3FFE];
	[sflag:s23] =	ssyncadd.s32 $0xFFFFFFFF  }
0xa5: {  	s26 =	simm.s32 $execute0_lowered;
	[smem:$0x3FD2] =	sst s25  }
0xa6: {  	s5 =	sshll.u32 s26, $0x1;
	_ =	strace $0x80000046;
	[dreg:$0x1] =	wrdreg $0xFFFFFFFF  }
0xa7: {  	s28 =	simm.s32 $_size_execute0_lowered;
	s3 =	sadd.s32 s3, s5;
	[dreg:$0x0] =	wrdreg $0x0  }
0xa8: {  	s5 =	sshll.u32 s28, $0x1;
	[dreg:$0x2] =	wrdreg s3  }
0xa9: {  	[dreg:$0x3] =	wrdreg s5  }
0xaa: {  	[dreg:$0x4] =	wrdreg $0xC0  }
0xab: {  	_ =	task [dreg:s7], $0x5FFFF  }
0xac: {  	[dreg:$0x1] =	wrdreg $0xFFFFFFFF  }
0xad: {  	[dreg:$0x0] =	wrdreg $0x60  }
0xae: {  	[dreg:$0x2] =	wrdreg s2  }
0xaf: {  	[dreg:$0x3] =	wrdreg s24  }
0xb0: {  	[dreg:$0x4] =	wrdreg $0x1E8000  }
0xb1: {  	[dreg:$0x5] =	wrdreg $0x1F7A00  }
0xb2: {  	[dreg:$0x6] =	wrdreg $0x9  }
0xb3: {  	_ =	task.clear_ibuf [dreg:s7], $0x7FFFF;
	_ =	strace $0x90000046  }
0xb4: {  	s29 =	simm.s32 $0x9;
	_ =	strace $0x80000048  }
0xb5: {  	_ =	swait.ge [sflag:s29], $0x1  }
0xb6: {  	[sflag:s29] =	ssyncadd.s32 $0xFFFFFFFF  }
0xb7: {  	_ =	strace $0x90000048  }
0xb8: {  	_ =	sfence  }
0xb9: {  	s30 =	sld [smem:$0x0];
	_ =	sdelay $0x2  }
0xba: {  	s31 =	sshll.u32 s1, $0xD;
	s1 =	sshrl.u32 s1, $0x2  }
0xbb: {  	s3 =	sand.u32 $0x4000, s31;
	s1 =	sadd.s32 s1, s30  }
0xbc: {  	s0 =	sor.u32 s3, s0;
	s1 =	sshll.u32 s1, $0x11  }
0xbd: {  	s0 =	sor.u32 s1, s0  }
0xbe: {  	s0 =	sadd.s32 $0x8F2B, s0  }
0xbf: {  	[sflag:s0] =	ssyncadd.remote.s32 $0x1  }
0xc0: {  	_ =	sfence.sel $0xFFFF  }
0xc1: {  	[dreg:$0x0] =	wrdreg $0xFFFFFFFF;
	(pc) =	sbr.abs _section_cstart, $3  }
0xc2: {  	[dreg:$0x1] =	wrdreg $0xFFFFFFFF  }
0xc3: {  	_ =	task.clear_ibuf [dreg:s7], $0x2FFFF;
	_ =	strace $0x9FFFFFFF  }
0xc4: {  	(tm) =	ssettm $0x7FFFFFFF  }
0xc5: {  	_ =	shalt  }
tec
execute0_lowered:
.L_overlay_start_1:
0x0: {  	(tag) =	ssettag $0x1  }
0x1: {  	s0 =	rddreg [dreg:$0x0]  }
0x2: {  	s4 =	rddreg [dreg:$0x1];
	s2 =	srdreg.scid  }
0x3: {  	s5 =	stileid.u32;
	s1 =	rddreg [dreg:$0x2];
	s22 =	simm.s32 $0x0  }
0x4: {  	s7 =	sand.u32 $0x1, s2;
	s3 =	sshll.u32 s5, $0x1;
	s2 =	rddreg [dreg:$0x3]  }
0x5: {  	[smem:$0x7FF] =	sst s22;
	s12 =	smul.u32 $0xC8000, s5;
	s6 =	sor.u32 s7, s3  }
0x6: {  	s23 =	sadd.s32 $0xA00, s4;
	s24 =	sadd.s32 $0x2A00, s4;
	s8 =	smul.u32 $0xC80, s6  }
0x7: {  	_ =	strace $0x80000047;
	[dreg:$0x7] =	wrdreg s23;
	s10 =	smul.u32 $0x320000, s6  }
0x8: {  	[dreg:$0x8] =	wrdreg s24;
	s15 =	smul.u32 $0x64000, s7;
	s6 =	sadd.s32 $0x1CA00, s4  }
0x9: {  	s9 =	sadd.s32 s8, s4;
	s10 =	sshrl.u32 s10, $0x3;
	s0 =	sadd.s32 s0, s8  }
0xa: {  	[dreg:$0x9] =	wrdreg s0;
	s26 =	sadd.s32 s6, s10;
	s10 =	sadd.s32 $0x3A00, s9  }
0xb: {  	s11 =	ssub.s32 $0x2, s7;
	s0 =	sadd.s32 s15, s12;
	[dreg:$0xb] =	wrdreg s10  }
0xc: {  	s25 =	sshrl.u32 s11, $0x1;
	[dreg:$0x5] =	wrdreg s0  }
0xd: {  	s4 =	ssub.s32 s11, s25;
	s11 =	sadd.s32 $0x8, s26;
	[dreg:$0xa] =	wrdreg s26  }
0xe: {  	s28 =	simm.s32 $0xC800;
	s13 =	sadd.s32 $0x1000, s26;
	[dreg:$0xc] =	wrdreg s11  }
0xf: {  	s29 =	simm.s32 $0x18800;
	s14 =	sadd.s32 $0x1008, s26;
	[dreg:$0xd] =	wrdreg s13  }
0x10: {  	s30 =	simm.s32 $0xE800;
	s16 =	sadd.s32 $0x2000, s26;
	[dreg:$0xe] =	wrdreg s14  }
0x11: {  	s31 =	simm.s32 $0x10800;
	s17 =	sadd.s32 $0x2008, s26;
	[dreg:$0xf] =	wrdreg s16  }
0x12: {  	s18 =	smul.u32 $0x640000, s5;
	s10 =	sadd.s32 $0x60000, s26;
	[dreg:$0x10] =	wrdreg s17  }
0x13: {  	p0 =	sne.s32 s5, $0x0;
	s19 =	sadd.s32 $0x60008, s26;
	[dreg:$0x11] =	wrdreg s10  }
0x14: {  	s7 =	smul.u32 $0x320000, s7;
	s20 =	sadd.s32 $0x61000, s26;
	[dreg:$0x12] =	wrdreg s19  }
0x15: {  	s5 =	simm.s32 $0x12800;
	s21 =	sadd.s32 $0x61008, s26;
	[dreg:$0x13] =	wrdreg s20  }
0x16: {  	s7 =	sadd.s32 s7, s18;
	s22 =	sadd.s32 $0x62000, s26;
	[dreg:$0x14] =	wrdreg s21  }
0x17: {  	s18 =	simm.s32 $0x3;
	s23 =	sadd.s32 $0x62008, s26;
	[dreg:$0x15] =	wrdreg s22  }
0x18: {  	s25 =	sadd.s32 $0x28000, s7;
	s24 =	sadd.s32 $0x63000, s26;
	[dreg:$0x16] =	wrdreg s23  }
0x19: {  	s7 =	simm.s32 $0x1B800;
	s3 =	sadd.s32 $0x63008, s26;
	[dreg:$0x17] =	wrdreg s24  }
0x1a: {  	s9 =	simm.s32 $0x1;
	s26 =	smax.u32 s4, $0x1;
	[dreg:$0x18] =	wrdreg s3  }
0x1b: {  	s12 =	simm.s32 $0x14800;
	s0 =	sshrl.u32 s25, $0x3;
	[dreg:$0x19] =	wrdreg s26  }
0x1c: {  	s15 =	simm.s32 $0x1D800;
	s4 =	simm.s32 $0x1A800;
	[dreg:$0x6] =	wrdreg s0  }
0x1d: {  	s24 =	simm.s32 $0x7;
	s26 =	simm.s32 $0x80;
	s0 =	simm.s32 $0x19800  }
0x1e: {  	s10 =	simm.s32 $0x40;
	s11 =	simm.s32 $0x20;
	s13 =	simm.s32 $0x1C800  }
0x1f: {  	s14 =	simm.s32 $0x16800;
	s16 =	simm.s32 $0x2;
	s17 =	simm.s32 $0x4  }
0x20: {  	s19 =	simm.s32 $0x5;
	s20 =	simm.s32 $0x6;
	s21 =	simm.s32 $0x0  }
.LBB2_1:
0x21: {  	s8 =	sshrl.u32 @!p0 s1, $0x3;
	s22 =	simm.s32 @!p0 $0x1C07;
	s3 =	rddreg [dreg:$0x7]  }
0x22: {  	[spmem:s8], [sflag:s22] =	dma.local @!p0 [hbm:s3], $0x1F40  }
0x23: {  	s8 =	simm.s32 @!p0 $0x7  }
0x24: {  	_ =	swait.ge @!p0 [sflag:s8], $0x1F40  }
0x25: {  	[sflag:s8] =	ssyncset.done @!p0 $0x0  }
0x26: {  	s23 =	sshrl.u32 @!p0 s2, $0x3;
	s3 =	rddreg [dreg:$0x8];
	[sflag:s8] =	ssyncadd.s32 @!p0 $0xFFFFE0C0  }
0x27: {  	[spmem:s23], [sflag:s22] =	dma.local @!p0 [hbm:s3], $0xFA0  }
0x28: {  	_ =	swait.ge @!p0 [sflag:s8], $0xFA0  }
0x29: {  	[sflag:s8] =	ssyncset.done @!p0 $0x0  }
0x2a: {  	s3 =	simm.s32 $0x0;
	s25 =	rddreg [dreg:$0x9];
	[sflag:s8] =	ssyncadd.s32 @!p0 $0xFFFFF060  }
0x2b: {  	[tilespmem:s3], [sflag:$0x7] =	stream.linear.gather [hbm4b:s25+s3], $0x6400, $0x38;
	[tilespmem:$0x1FF70] =	vst v63  }
0x2c: {  	_ =	swait.ge [sflag:s24], $0x6400  }
0x2d: {  	[sflag:s24] =	ssyncset.done $0x0  }
0x2e: {  	s23 =	simm.s32 $0x6400;
	s22 =	rddreg [dreg:$0xb];
	[sflag:s24] =	ssyncadd.s32 $0xFFFF9C00  }
0x2f: {  	[tilespmem:s23], [sflag:$0x7] =	stream.linear.gather [hbm4b:s22+s3], $0x6400, $0x38;
	[tilespmem:$0x1FF70] =	vst v63  }
0x30: {  	_ =	swait.ge [sflag:s24], $0x6400  }
0x31: {  	[sflag:s24] =	ssyncset.done $0x0  }
0x32: {  	[sflag:s24] =	ssyncadd.s32 $0xFFFF9C00  }
0x33: {  	[bflag:$0x0] =	sbarrier.arrive $0xFFFF  }
0x34: {  	[tilespmem:s28], [sflag:$0x1] =	stream.indirect.gather [spmem:s1], $0x40, s3, s26, $0xb8;
	[tilespmem:$0x1FF70] =	vst v63  }
0x35: {  	_ = 	snop  }
0x36: {  	[tilespmem:s29], [sflag:$0x1] =	stream.indirect.gather [spmem:s2], $0x20, s23, s26, $0xb8;
	[tilespmem:$0x1FF70] =	vst v63  }
0x37: {  	_ = 	snop  }
0x38: {  	[tilespmem:s30], [sflag:$0x1] =	stream.indirect.gather [spmem:s1], $0x40, s26, s26, $0xb8;
	[tilespmem:$0x1FF70] =	vst v63  }
0x39: {  	s25 =	simm.s32 $0x6480  }
0x3a: {  	[tilespmem:s0], [sflag:$0x1] =	stream.indirect.gather [spmem:s2], $0x20, s25, s26, $0xb8;
	[tilespmem:$0x1FF70] =	vst v63  }
0x3b: {  	s8 =	simm.s32 $0x100  }
0x3c: {  	[tilespmem:s31], [sflag:$0x2] =	stream.indirect.gather [spmem:s1], $0x40, s8, s26, $0xb8;
	[tilespmem:$0x1FF70] =	vst v63  }
0x3d: {  	s22 =	simm.s32 $0x6500  }
0x3e: {  	[tilespmem:s4], [sflag:$0x2] =	stream.indirect.gather [spmem:s2], $0x20, s22, s26, $0xb8;
	[tilespmem:$0x1FF70] =	vst v63  }
0x3f: {  	s23 =	simm.s32 $0x180  }
0x40: {  	[tilespmem:s5], [sflag:$0x2] =	stream.indirect.gather [spmem:s1], $0x40, s23, s26, $0xb8;
	[tilespmem:$0x1FF70] =	vst v63  }
0x41: {  	s25 =	simm.s32 $0x6580  }
0x42: {  	[tilespmem:s7], [sflag:$0x2] =	stream.indirect.gather [spmem:s2], $0x20, s25, s26, $0xb8;
	[tilespmem:$0x1FF70] =	vst v63  }
0x43: {  	_ =	swait.ge [sflag:s9], $0x2000  }
0x44: {  	[sflag:s9] =	ssyncset.done $0x0  }
0x45: {  	[sflag:s9] =	ssyncadd.s32 $0xFFFFE000  }
0x46: {  	_ =	swait.ge [sflag:s9], $0x1000  }
0x47: {  	[sflag:s9] =	ssyncset.done $0x0  }
0x48: {  	[sflag:s9] =	ssyncadd.s32 $0xFFFFF000  }
0x49: {  	_ =	swait.ge [sflag:s9], $0x2000  }
0x4a: {  	[sflag:s9] =	ssyncset.done $0x0  }
0x4b: {  	[sflag:s9] =	ssyncadd.s32 $0xFFFFE000  }
0x4c: {  	_ =	swait.ge [sflag:s9], $0x1000  }
0x4d: {  	[sflag:s9] =	ssyncset.done $0x0  }
0x4e: {  	s8 =	rddreg [dreg:$0xa];
	[sflag:s9] =	ssyncadd.s32 $0xFFFFF000  }
0x4f: {  	[hbm4b:s8+s10] =	stream.strided.scatter [tilespmem:s28], [sflag:$0x4], $0x4000, s26, s10, $0x38;
	[tilespmem:$0x1FF70] =	vst v63  }
0x50: {  	s22 =	rddreg [dreg:$0xc]  }
0x51: {  	[hbm4b:s22+s11] =	stream.strided.scatter [tilespmem:s29], [sflag:$0x4], $0x2000, s26, s11, $0x38;
	[tilespmem:$0x1FF70] =	vst v63  }
0x52: {  	s23 =	simm.s32 $0x200  }
0x53: {  	[tilespmem:s12], [sflag:$0x3] =	stream.indirect.gather [spmem:s1], $0x40, s23, s26, $0xb8;
	[tilespmem:$0x1FF70] =	vst v63  }
0x54: {  	s25 =	simm.s32 $0x6600  }
0x55: {  	[tilespmem:s13], [sflag:$0x3] =	stream.indirect.gather [spmem:s2], $0x20, s25, s26, $0xb8;
	[tilespmem:$0x1FF70] =	vst v63  }
0x56: {  	s8 =	simm.s32 $0x280  }
0x57: {  	[tilespmem:s14], [sflag:$0x3] =	stream.indirect.gather [spmem:s1], $0x40, s8, s26, $0xb8;
	[tilespmem:$0x1FF70] =	vst v63  }
0x58: {  	s22 =	simm.s32 $0x6680  }
0x59: {  	[tilespmem:s15], [sflag:$0x3] =	stream.indirect.gather [spmem:s2], $0x20, s22, s26, $0xb8;
	[tilespmem:$0x1FF70] =	vst v63  }
0x5a: {  	_ =	swait.ge [sflag:s16], $0x2000  }
0x5b: {  	[sflag:s16] =	ssyncset.done $0x0  }
0x5c: {  	[sflag:s16] =	ssyncadd.s32 $0xFFFFE000  }
0x5d: {  	_ =	swait.ge [sflag:s16], $0x1000  }
0x5e: {  	[sflag:s16] =	ssyncset.done $0x0  }
0x5f: {  	[sflag:s16] =	ssyncadd.s32 $0xFFFFF000  }
0x60: {  	_ =	swait.ge [sflag:s16], $0x2000  }
0x61: {  	[sflag:s16] =	ssyncset.done $0x0  }
0x62: {  	[sflag:s16] =	ssyncadd.s32 $0xFFFFE000  }
0x63: {  	_ =	swait.ge [sflag:s16], $0x1000  }
0x64: {  	[sflag:s16] =	ssyncset.done $0x0  }
0x65: {  	s23 =	rddreg [dreg:$0xd];
	[sflag:s16] =	ssyncadd.s32 $0xFFFFF000  }
0x66: {  	[hbm4b:s23+s10] =	stream.strided.scatter [tilespmem:s31], [sflag:$0x5], $0x4000, s26, s10, $0x38;
	[tilespmem:$0x1FF70] =	vst v63  }
0x67: {  	s25 =	rddreg [dreg:$0xe]  }
0x68: {  	[hbm4b:s25+s11] =	stream.strided.scatter [tilespmem:s4], [sflag:$0x5], $0x2000, s26, s11, $0x38;
	[tilespmem:$0x1FF70] =	vst v63  }
0x69: {  	_ =	swait.ge [sflag:s17], $0x4000  }
0x6a: {  	[sflag:s17] =	ssyncset.done $0x0  }
0x6b: {  	[sflag:s17] =	ssyncadd.s32 $0xFFFFC000  }
0x6c: {  	_ =	swait.ge [sflag:s17], $0x2000  }
0x6d: {  	[sflag:s17] =	ssyncset.done $0x0  }
0x6e: {  	s8 =	simm.s32 $0x300;
	[sflag:s17] =	ssyncadd.s32 $0xFFFFE000  }
0x6f: {  	[tilespmem:s28], [sflag:$0x1] =	stream.indirect.gather [spmem:s1], $0x40, s8, s26, $0xb8;
	[tilespmem:$0x1FF70] =	vst v63  }
0x70: {  	s22 =	simm.s32 $0x6700  }
0x71: {  	[tilespmem:s29], [sflag:$0x1] =	stream.indirect.gather [spmem:s2], $0x20, s22, s26, $0xb8;
	[tilespmem:$0x1FF70] =	vst v63  }
0x72: {  	s23 =	simm.s32 $0x380  }
0x73: {  	[tilespmem:s30], [sflag:$0x1] =	stream.indirect.gather [spmem:s1], $0x40, s23, s26, $0xb8;
	[tilespmem:$0x1FF70] =	vst v63  }
0x74: {  	s25 =	simm.s32 $0x6780  }
0x75: {  	[tilespmem:s0], [sflag:$0x1] =	stream.indirect.gather [spmem:s2], $0x20, s25, s26, $0xb8;
	[tilespmem:$0x1FF70] =	vst v63  }
0x76: {  	_ =	swait.ge [sflag:s18], $0x2000  }
0x77: {  	[sflag:s18] =	ssyncset.done $0x0  }
0x78: {  	[sflag:s18] =	ssyncadd.s32 $0xFFFFE000  }
0x79: {  	_ =	swait.ge [sflag:s18], $0x1000  }
0x7a: {  	[sflag:s18] =	ssyncset.done $0x0  }
0x7b: {  	[sflag:s18] =	ssyncadd.s32 $0xFFFFF000  }
0x7c: {  	_ =	swait.ge [sflag:s18], $0x2000  }
0x7d: {  	[sflag:s18] =	ssyncset.done $0x0  }
0x7e: {  	[sflag:s18] =	ssyncadd.s32 $0xFFFFE000  }
0x7f: {  	_ =	swait.ge [sflag:s18], $0x1000  }
0x80: {  	[sflag:s18] =	ssyncset.done $0x0  }
0x81: {  	s8 =	rddreg [dreg:$0xf];
	[sflag:s18] =	ssyncadd.s32 $0xFFFFF000  }
0x82: {  	[hbm4b:s8+s10] =	stream.strided.scatter [tilespmem:s12], [sflag:$0x6], $0x4000, s26, s10, $0x38;
	[tilespmem:$0x1FF70] =	vst v63  }
0x83: {  	s22 =	rddreg [dreg:$0x10]  }
0x84: {  	[hbm4b:s22+s11] =	stream.strided.scatter [tilespmem:s13], [sflag:$0x6], $0x2000, s26, s11, $0x38;
	[tilespmem:$0x1FF70] =	vst v63  }
0x85: {  	_ =	swait.ge [sflag:s19], $0x4000  }
0x86: {  	[sflag:s19] =	ssyncset.done $0x0  }
0x87: {  	[sflag:s19] =	ssyncadd.s32 $0xFFFFC000  }
0x88: {  	_ =	swait.ge [sflag:s19], $0x2000  }
0x89: {  	[sflag:s19] =	ssyncset.done $0x0  }
0x8a: {  	s23 =	simm.s32 $0x400;
	[sflag:s19] =	ssyncadd.s32 $0xFFFFE000  }
0x8b: {  	[tilespmem:s31], [sflag:$0x2] =	stream.indirect.gather [spmem:s1], $0x40, s23, s26, $0xb8;
	[tilespmem:$0x1FF70] =	vst v63  }
0x8c: {  	s25 =	simm.s32 $0x6800  }
0x8d: {  	[tilespmem:s4], [sflag:$0x2] =	stream.indirect.gather [spmem:s2], $0x20, s25, s26, $0xb8;
	[tilespmem:$0x1FF70] =	vst v63  }
0x8e: {  	s8 =	simm.s32 $0x480  }
0x8f: {  	[tilespmem:s5], [sflag:$0x2] =	stream.indirect.gather [spmem:s1], $0x40, s8, s26, $0xb8;
	[tilespmem:$0x1FF70] =	vst v63  }
0x90: {  	s22 =	simm.s32 $0x6880  }
0x91: {  	[tilespmem:s7], [sflag:$0x2] =	stream.indirect.gather [spmem:s2], $0x20, s22, s26, $0xb8;
	[tilespmem:$0x1FF70] =	vst v63  }
0x92: {  	_ =	swait.ge [sflag:s9], $0x2000  }
0x93: {  	[sflag:s9] =	ssyncset.done $0x0  }
0x94: {  	[sflag:s9] =	ssyncadd.s32 $0xFFFFE000  }
0x95: {  	_ =	swait.ge [sflag:s9], $0x1000  }
0x96: {  	[sflag:s9] =	ssyncset.done $0x0  }
0x97: {  	[sflag:s9] =	ssyncadd.s32 $0xFFFFF000  }
0x98: {  	_ =	swait.ge [sflag:s9], $0x2000  }
0x99: {  	[sflag:s9] =	ssyncset.done $0x0  }
0x9a: {  	[sflag:s9] =	ssyncadd.s32 $0xFFFFE000  }
0x9b: {  	_ =	swait.ge [sflag:s9], $0x1000  }
0x9c: {  	s23 =	rddreg [dreg:$0x5]  }
0x9d: {  	[sflag:s9] =	ssyncset.done $0x0;
	s8 =	sadd.s32 s6, s23  }
0x9e: {  	[sflag:s9] =	ssyncadd.s32 $0xFFFFF000;
	s25 =	sadd.s32 $0x3000, s8  }
0x9f: {  	[hbm4b:s25+s10] =	stream.strided.scatter [tilespmem:s28], [sflag:$0x4], $0x4000, s26, s10, $0x38;
	[tilespmem:$0x1FF70] =	vst v63  }
0xa0: {  	s3 =	sadd.s32 $0x3008, s8  }
0xa1: {  	[hbm4b:s3+s11] =	stream.strided.scatter [tilespmem:s29], [sflag:$0x4], $0x2000, s26, s11, $0x38;
	[tilespmem:$0x1FF70] =	vst v63  }
0xa2: {  	_ =	swait.ge [sflag:s20], $0x4000  }
0xa3: {  	[sflag:s20] =	ssyncset.done $0x0  }
0xa4: {  	[sflag:s20] =	ssyncadd.s32 $0xFFFFC000  }
0xa5: {  	_ =	swait.ge [sflag:s20], $0x2000  }
0xa6: {  	[sflag:s20] =	ssyncset.done $0x0  }
0xa7: {  	s23 =	simm.s32 $0x500;
	[sflag:s20] =	ssyncadd.s32 $0xFFFFE000  }
0xa8: {  	[tilespmem:s12], [sflag:$0x3] =	stream.indirect.gather [spmem:s1], $0x40, s23, s26, $0xb8;
	[tilespmem:$0x1FF70] =	vst v63  }
0xa9: {  	s25 =	simm.s32 $0x6900  }
0xaa: {  	[tilespmem:s13], [sflag:$0x3] =	stream.indirect.gather [spmem:s2], $0x20, s25, s26, $0xb8;
	[tilespmem:$0x1FF70] =	vst v63  }
0xab: {  	s3 =	simm.s32 $0x580  }
0xac: {  	[tilespmem:s14], [sflag:$0x3] =	stream.indirect.gather [spmem:s1], $0x40, s3, s26, $0xb8;
	[tilespmem:$0x1FF70] =	vst v63  }
0xad: {  	s23 =	simm.s32 $0x6980  }
0xae: {  	[tilespmem:s15], [sflag:$0x3] =	stream.indirect.gather [spmem:s2], $0x20, s23, s26, $0xb8;
	[tilespmem:$0x1FF70] =	vst v63  }
0xaf: {  	_ =	swait.ge [sflag:s16], $0x2000  }
0xb0: {  	[sflag:s16] =	ssyncset.done $0x0  }
0xb1: {  	[sflag:s16] =	ssyncadd.s32 $0xFFFFE000  }
0xb2: {  	_ =	swait.ge [sflag:s16], $0x1000  }
0xb3: {  	[sflag:s16] =	ssyncset.done $0x0  }
0xb4: {  	[sflag:s16] =	ssyncadd.s32 $0xFFFFF000  }
0xb5: {  	_ =	swait.ge [sflag:s16], $0x2000  }
0xb6: {  	[sflag:s16] =	ssyncset.done $0x0  }
0xb7: {  	[sflag:s16] =	ssyncadd.s32 $0xFFFFE000  }
0xb8: {  	_ =	swait.ge [sflag:s16], $0x1000  }
0xb9: {  	[sflag:s16] =	ssyncset.done $0x0  }
0xba: {  	s25 =	sadd.s32 $0x4000, s8;
	[sflag:s16] =	ssyncadd.s32 $0xFFFFF000  }
0xbb: {  	[hbm4b:s25+s10] =	stream.strided.scatter [tilespmem:s31], [sflag:$0x5], $0x4000, s26, s10, $0x38;
	[tilespmem:$0x1FF70] =	vst v63  }
0xbc: {  	s8 =	sadd.s32 $0x4008, s8  }
0xbd: {  	[hbm4b:s8+s11] =	stream.strided.scatter [tilespmem:s4], [sflag:$0x5], $0x2000, s26, s11, $0x38;
	[tilespmem:$0x1FF70] =	vst v63  }
0xbe: {  	_ =	swait.ge [sflag:s17], $0x4000  }
0xbf: {  	[sflag:s17] =	ssyncset.done $0x0  }
0xc0: {  	[sflag:s17] =	ssyncadd.s32 $0xFFFFC000  }
0xc1: {  	_ =	swait.ge [sflag:s17], $0x2000  }
0xc2: {  	[sflag:s17] =	ssyncset.done $0x0  }
0xc3: {  	s3 =	simm.s32 $0x600;
	[sflag:s17] =	ssyncadd.s32 $0xFFFFE000  }
0xc4: {  	[tilespmem:s28], [sflag:$0x1] =	stream.indirect.gather [spmem:s1], $0x40, s3, s26, $0xb8;
	[tilespmem:$0x1FF70] =	vst v63  }
0xc5: {  	s22 =	simm.s32 $0x6A00  }
0xc6: {  	[tilespmem:s29], [sflag:$0x1] =	stream.indirect.gather [spmem:s2], $0x20, s22, s26, $0xb8;
	[tilespmem:$0x1FF70] =	vst v63  }
0xc7: {  	s23 =	simm.s32 $0x680  }
0xc8: {  	[tilespmem:s30], [sflag:$0x1] =	stream.indirect.gather [spmem:s1], $0x40, s23, s26, $0xb8;
	[tilespmem:$0x1FF70] =	vst v63  }
0xc9: {  	s25 =	simm.s32 $0x6A80  }
0xca: {  	[tilespmem:s0], [sflag:$0x1] =	stream.indirect.gather [spmem:s2], $0x20, s25, s26, $0xb8;
	[tilespmem:$0x1FF70] =	vst v63  }
0xcb: {  	_ =	swait.ge [sflag:s18], $0x2000  }
0xcc: {  	[sflag:s18] =	ssyncset.done $0x0  }
0xcd: {  	[sflag:s18] =	ssyncadd.s32 $0xFFFFE000  }
0xce: {  	_ =	swait.ge [sflag:s18], $0x1000  }
0xcf: {  	[sflag:s18] =	ssyncset.done $0x0  }
0xd0: {  	[sflag:s18] =	ssyncadd.s32 $0xFFFFF000  }
0xd1: {  	_ =	swait.ge [sflag:s18], $0x2000  }
0xd2: {  	[sflag:s18] =	ssyncset.done $0x0  }
0xd3: {  	[sflag:s18] =	ssyncadd.s32 $0xFFFFE000  }
0xd4: {  	_ =	swait.ge [sflag:s18], $0x1000  }
0xd5: {  	s3 =	rddreg [dreg:$0x6];
	[sflag:s18] =	ssyncset.done $0x0  }
0xd6: {  	[sflag:s18] =	ssyncadd.s32 $0xFFFFF000;
	s8 =	sadd.s32 s6, s3  }
0xd7: {  	[hbm4b:s8+s10] =	stream.strided.scatter [tilespmem:s12], [sflag:$0x6], $0x4000, s26, s10, $0x38;
	[tilespmem:$0x1FF70] =	vst v63  }
0xd8: {  	s8 =	sadd.s32 $0x8, s8  }
0xd9: {  	[hbm4b:s8+s11] =	stream.strided.scatter [tilespmem:s13], [sflag:$0x6], $0x2000, s26, s11, $0x38;
	[tilespmem:$0x1FF70] =	vst v63  }
0xda: {  	_ =	swait.ge [sflag:s19], $0x4000  }
0xdb: {  	[sflag:s19] =	ssyncset.done $0x0  }
0xdc: {  	[sflag:s19] =	ssyncadd.s32 $0xFFFFC000  }
0xdd: {  	_ =	swait.ge [sflag:s19], $0x2000  }
0xde: {  	[sflag:s19] =	ssyncset.done $0x0  }
0xdf: {  	s22 =	simm.s32 $0x700;
	[sflag:s19] =	ssyncadd.s32 $0xFFFFE000  }
0xe0: {  	[tilespmem:s31], [sflag:$0x2] =	stream.indirect.gather [spmem:s1], $0x40, s22, s26, $0xb8;
	[tilespmem:$0x1FF70] =	vst v63  }
0xe1: {  	s23 =	simm.s32 $0x6B00  }
0xe2: {  	[tilespmem:s4], [sflag:$0x2] =	stream.indirect.gather [spmem:s2], $0x20, s23, s26, $0xb8;
	[tilespmem:$0x1FF70] =	vst v63  }
0xe3: {  	s25 =	simm.s32 $0x780  }
0xe4: {  	[tilespmem:s5], [sflag:$0x2] =	stream.indirect.gather [spmem:s1], $0x40, s25, s26, $0xb8;
	[tilespmem:$0x1FF70] =	vst v63  }
0xe5: {  	s8 =	simm.s32 $0x6B80;
	s22 =	sadd.s32 $0x3000, s6;
	s25 =	simm.s32 $0xC00  }
.LBB2_2:
0xe6: {  	[tilespmem:s7], [sflag:$0x2] =	stream.indirect.gather [spmem:s2], $0x20, s8, s26, $0xb8;
	[tilespmem:$0x1FF70] =	vst v63  }
0xe7: {  	_ =	swait.ge [sflag:s9], $0x2000  }
0xe8: {  	[sflag:s9] =	ssyncset.done $0x0  }
0xe9: {  	[sflag:s9] =	ssyncadd.s32 $0xFFFFE000  }
0xea: {  	_ =	swait.ge [sflag:s9], $0x1000  }
0xeb: {  	[sflag:s9] =	ssyncset.done $0x0  }
0xec: {  	[sflag:s9] =	ssyncadd.s32 $0xFFFFF000  }
0xed: {  	_ =	swait.ge [sflag:s9], $0x2000  }
0xee: {  	[sflag:s9] =	ssyncset.done $0x0  }
0xef: {  	[sflag:s9] =	ssyncadd.s32 $0xFFFFE000  }
0xf0: {  	_ =	swait.ge [sflag:s9], $0x1000  }
0xf1: {  	s3 =	rddreg [dreg:$0x5]  }
0xf2: {  	[sflag:s9] =	ssyncset.done $0x0;
	s8 =	sadd.s32 s22, s3  }
0xf3: {  	[sflag:s9] =	ssyncadd.s32 $0xFFFFF000;
	s3 =	sadd.s32 $0x3000, s8  }
0xf4: {  	[hbm4b:s3+s10] =	stream.strided.scatter [tilespmem:s28], [sflag:$0x4], $0x4000, s26, s10, $0x38;
	[tilespmem:$0x1FF70] =	vst v63  }
0xf5: {  	s3 =	sadd.s32 $0x3008, s8  }
0xf6: {  	[hbm4b:s3+s11] =	stream.strided.scatter [tilespmem:s29], [sflag:$0x4], $0x2000, s26, s11, $0x38;
	[tilespmem:$0x1FF70] =	vst v63  }
0xf7: {  	_ =	swait.ge [sflag:s20], $0x4000  }
0xf8: {  	[sflag:s20] =	ssyncset.done $0x0  }
0xf9: {  	[sflag:s20] =	ssyncadd.s32 $0xFFFFC000  }
0xfa: {  	s23 =	smov.u32 s25;
	_ =	swait.ge [sflag:s20], $0x2000  }
0xfb: {  	s23 =	sshra.s32 s23, $0x2;
	[sflag:s20] =	ssyncset.done $0x0  }
0xfc: {  	s3 =	sadd.s32 $0x500, s23;
	[sflag:s20] =	ssyncadd.s32 $0xFFFFE000  }
0xfd: {  	[tilespmem:s12], [sflag:$0x3] =	stream.indirect.gather [spmem:s1], $0x40, s3, s26, $0xb8;
	[tilespmem:$0x1FF70] =	vst v63  }
0xfe: {  	s3 =	sadd.s32 $0x6900, s23  }
0xff: {  	[tilespmem:s13], [sflag:$0x3] =	stream.indirect.gather [spmem:s2], $0x20, s3, s26, $0xb8;
	[tilespmem:$0x1FF70] =	vst v63  }
0x100: {  	s3 =	sadd.s32 $0x580, s23  }
0x101: {  	[tilespmem:s14], [sflag:$0x3] =	stream.indirect.gather [spmem:s1], $0x40, s3, s26, $0xb8;
	[tilespmem:$0x1FF70] =	vst v63  }
0x102: {  	s3 =	sadd.s32 $0x6980, s23  }
0x103: {  	[tilespmem:s15], [sflag:$0x3] =	stream.indirect.gather [spmem:s2], $0x20, s3, s26, $0xb8;
	[tilespmem:$0x1FF70] =	vst v63  }
0x104: {  	_ =	swait.ge [sflag:s16], $0x2000  }
0x105: {  	[sflag:s16] =	ssyncset.done $0x0  }
0x106: {  	[sflag:s16] =	ssyncadd.s32 $0xFFFFE000  }
0x107: {  	_ =	swait.ge [sflag:s16], $0x1000  }
0x108: {  	[sflag:s16] =	ssyncset.done $0x0  }
0x109: {  	[sflag:s16] =	ssyncadd.s32 $0xFFFFF000  }
0x10a: {  	_ =	swait.ge [sflag:s16], $0x2000  }
0x10b: {  	[sflag:s16] =	ssyncset.done $0x0  }
0x10c: {  	[sflag:s16] =	ssyncadd.s32 $0xFFFFE000  }
0x10d: {  	_ =	swait.ge [sflag:s16], $0x1000  }
0x10e: {  	[sflag:s16] =	ssyncset.done $0x0  }
0x10f: {  	s3 =	sadd.s32 $0x4000, s8;
	[sflag:s16] =	ssyncadd.s32 $0xFFFFF000  }
0x110: {  	[hbm4b:s3+s10] =	stream.strided.scatter [tilespmem:s31], [sflag:$0x5], $0x4000, s26, s10, $0x38;
	[tilespmem:$0x1FF70] =	vst v63  }
0x111: {  	s8 =	sadd.s32 $0x4008, s8  }
0x112: {  	[hbm4b:s8+s11] =	stream.strided.scatter [tilespmem:s4], [sflag:$0x5], $0x2000, s26, s11, $0x38;
	[tilespmem:$0x1FF70] =	vst v63  }
0x113: {  	_ =	swait.ge [sflag:s17], $0x4000  }
0x114: {  	[sflag:s17] =	ssyncset.done $0x0  }
0x115: {  	[sflag:s17] =	ssyncadd.s32 $0xFFFFC000  }
0x116: {  	_ =	swait.ge [sflag:s17], $0x2000  }
0x117: {  	[sflag:s17] =	ssyncset.done $0x0  }
0x118: {  	s8 =	sadd.s32 $0x600, s23;
	[sflag:s17] =	ssyncadd.s32 $0xFFFFE000  }
0x119: {  	[tilespmem:s28], [sflag:$0x1] =	stream.indirect.gather [spmem:s1], $0x40, s8, s26, $0xb8;
	[tilespmem:$0x1FF70] =	vst v63  }
0x11a: {  	s8 =	sadd.s32 $0x6A00, s23  }
0x11b: {  	[tilespmem:s29], [sflag:$0x1] =	stream.indirect.gather [spmem:s2], $0x20, s8, s26, $0xb8;
	[tilespmem:$0x1FF70] =	vst v63  }
0x11c: {  	s8 =	sadd.s32 $0x680, s23  }
0x11d: {  	[tilespmem:s30], [sflag:$0x1] =	stream.indirect.gather [spmem:s1], $0x40, s8, s26, $0xb8;
	[tilespmem:$0x1FF70] =	vst v63  }
0x11e: {  	s8 =	sadd.s32 $0x6A80, s23  }
0x11f: {  	[tilespmem:s0], [sflag:$0x1] =	stream.indirect.gather [spmem:s2], $0x20, s8, s26, $0xb8;
	[tilespmem:$0x1FF70] =	vst v63  }
0x120: {  	_ =	swait.ge [sflag:s18], $0x2000  }
0x121: {  	[sflag:s18] =	ssyncset.done $0x0  }
0x122: {  	[sflag:s18] =	ssyncadd.s32 $0xFFFFE000  }
0x123: {  	_ =	swait.ge [sflag:s18], $0x1000  }
0x124: {  	[sflag:s18] =	ssyncset.done $0x0  }
0x125: {  	[sflag:s18] =	ssyncadd.s32 $0xFFFFF000  }
0x126: {  	_ =	swait.ge [sflag:s18], $0x2000  }
0x127: {  	[sflag:s18] =	ssyncset.done $0x0  }
0x128: {  	[sflag:s18] =	ssyncadd.s32 $0xFFFFE000  }
0x129: {  	_ =	swait.ge [sflag:s18], $0x1000  }
0x12a: {  	s8 =	rddreg [dreg:$0x6];
	[sflag:s18] =	ssyncset.done $0x0  }
0x12b: {  	[sflag:s18] =	ssyncadd.s32 $0xFFFFF000;
	s3 =	sadd.s32 s22, s8  }
0x12c: {  	[hbm4b:s3+s10] =	stream.strided.scatter [tilespmem:s12], [sflag:$0x6], $0x4000, s26, s10, $0x38;
	[tilespmem:$0x1FF70] =	vst v63  }
0x12d: {  	s3 =	sadd.s32 $0x8, s3  }
0x12e: {  	[hbm4b:s3+s11] =	stream.strided.scatter [tilespmem:s13], [sflag:$0x6], $0x2000, s26, s11, $0x38;
	[tilespmem:$0x1FF70] =	vst v63  }
0x12f: {  	_ =	swait.ge [sflag:s19], $0x4000  }
0x130: {  	[sflag:s19] =	ssyncset.done $0x0  }
0x131: {  	[sflag:s19] =	ssyncadd.s32 $0xFFFFC000  }
0x132: {  	_ =	swait.ge [sflag:s19], $0x2000  }
0x133: {  	[sflag:s19] =	ssyncset.done $0x0  }
0x134: {  	p1 =	sne.s32 s25, $0x16800;
	s8 =	sadd.s32 $0x700, s23;
	[sflag:s19] =	ssyncadd.s32 $0xFFFFE000  }
0x135: {  	[tilespmem:s31], [sflag:$0x2] =	stream.indirect.gather [spmem:s1], $0x40, s8, s26, $0xb8;
	[tilespmem:$0x1FF70] =	vst v63  }
.Ltmp0:
0x136: {  	s8 =	sadd.s32 $0x6B00, s23;
	(pc) =	sbr.rel @p1 .LBB2_2-.Ltmp0, $4  }
0x137: {  	[tilespmem:s4], [sflag:$0x2] =	stream.indirect.gather [spmem:s2], $0x20, s8, s26, $0xb8;
	[tilespmem:$0x1FF70] =	vst v63  }
0x138: {  	s8 =	sadd.s32 $0x780, s23  }
0x139: {  	[tilespmem:s5], [sflag:$0x2] =	stream.indirect.gather [spmem:s1], $0x40, s8, s26, $0xb8;
	[tilespmem:$0x1FF70] =	vst v63  }
0x13a: {  	s25 =	sadd.s32 $0xC00, s25;
	s22 =	sadd.s32 $0x3000, s22;
	s8 =	sadd.s32 $0x6B80, s23  }
0x13b: {  	[tilespmem:s7], [sflag:$0x2] =	stream.indirect.gather [spmem:s2], $0x20, s8, s26, $0xb8;
	[tilespmem:$0x1FF70] =	vst v63  }
0x13c: {  	_ =	swait.ge [sflag:s9], $0x2000  }
0x13d: {  	[sflag:s9] =	ssyncset.done $0x0  }
0x13e: {  	[sflag:s9] =	ssyncadd.s32 $0xFFFFE000  }
0x13f: {  	_ =	swait.ge [sflag:s9], $0x1000  }
0x140: {  	[sflag:s9] =	ssyncset.done $0x0  }
0x141: {  	[sflag:s9] =	ssyncadd.s32 $0xFFFFF000  }
0x142: {  	_ =	swait.ge [sflag:s9], $0x2000  }
0x143: {  	[sflag:s9] =	ssyncset.done $0x0  }
0x144: {  	[sflag:s9] =	ssyncadd.s32 $0xFFFFE000  }
0x145: {  	_ =	swait.ge [sflag:s9], $0x1000  }
0x146: {  	[sflag:s9] =	ssyncset.done $0x0  }
0x147: {  	s3 =	rddreg [dreg:$0x11];
	[sflag:s9] =	ssyncadd.s32 $0xFFFFF000  }
0x148: {  	[hbm4b:s3+s10] =	stream.strided.scatter [tilespmem:s28], [sflag:$0x4], $0x4000, s26, s10, $0x38;
	[tilespmem:$0x1FF70] =	vst v63  }
0x149: {  	s8 =	rddreg [dreg:$0x12]  }
0x14a: {  	[hbm4b:s8+s11] =	stream.strided.scatter [tilespmem:s29], [sflag:$0x4], $0x2000, s26, s11, $0x38;
	[tilespmem:$0x1FF70] =	vst v63  }
0x14b: {  	_ =	swait.ge [sflag:s20], $0x4000  }
0x14c: {  	[sflag:s20] =	ssyncset.done $0x0  }
0x14d: {  	[sflag:s20] =	ssyncadd.s32 $0xFFFFC000  }
0x14e: {  	_ =	swait.ge [sflag:s20], $0x2000  }
0x14f: {  	[sflag:s20] =	ssyncset.done $0x0  }
0x150: {  	s22 =	simm.s32 $0x6200;
	[sflag:s20] =	ssyncadd.s32 $0xFFFFE000  }
0x151: {  	[tilespmem:s12], [sflag:$0x3] =	stream.indirect.gather [spmem:s1], $0x40, s22, s26, $0xb8;
	[tilespmem:$0x1FF70] =	vst v63  }
0x152: {  	s23 =	simm.s32 $0xC600  }
0x153: {  	[tilespmem:s13], [sflag:$0x3] =	stream.indirect.gather [spmem:s2], $0x20, s23, s26, $0xb8;
	[tilespmem:$0x1FF70] =	vst v63  }
0x154: {  	s25 =	simm.s32 $0x6280  }
0x155: {  	[tilespmem:s14], [sflag:$0x3] =	stream.indirect.gather [spmem:s1], $0x40, s25, s26, $0xb8;
	[tilespmem:$0x1FF70] =	vst v63  }
0x156: {  	s8 =	simm.s32 $0xC680  }
0x157: {  	[tilespmem:s15], [sflag:$0x3] =	stream.indirect.gather [spmem:s2], $0x20, s8, s26, $0xb8;
	[tilespmem:$0x1FF70] =	vst v63  }
0x158: {  	_ =	swait.ge [sflag:s16], $0x2000  }
0x159: {  	[sflag:s16] =	ssyncset.done $0x0  }
0x15a: {  	[sflag:s16] =	ssyncadd.s32 $0xFFFFE000  }
0x15b: {  	_ =	swait.ge [sflag:s16], $0x1000  }
0x15c: {  	[sflag:s16] =	ssyncset.done $0x0  }
0x15d: {  	[sflag:s16] =	ssyncadd.s32 $0xFFFFF000  }
0x15e: {  	_ =	swait.ge [sflag:s16], $0x2000  }
0x15f: {  	[sflag:s16] =	ssyncset.done $0x0  }
0x160: {  	[sflag:s16] =	ssyncadd.s32 $0xFFFFE000  }
0x161: {  	_ =	swait.ge [sflag:s16], $0x1000  }
0x162: {  	[sflag:s16] =	ssyncset.done $0x0  }
0x163: {  	s22 =	rddreg [dreg:$0x13];
	[sflag:s16] =	ssyncadd.s32 $0xFFFFF000  }
0x164: {  	[hbm4b:s22+s10] =	stream.strided.scatter [tilespmem:s31], [sflag:$0x5], $0x4000, s26, s10, $0x38;
	[tilespmem:$0x1FF70] =	vst v63  }
0x165: {  	s23 =	rddreg [dreg:$0x14]  }
0x166: {  	[hbm4b:s23+s11] =	stream.strided.scatter [tilespmem:s4], [sflag:$0x5], $0x2000, s26, s11, $0x38;
	[tilespmem:$0x1FF70] =	vst v63  }
0x167: {  	_ =	swait.ge [sflag:s17], $0x4000  }
0x168: {  	[sflag:s17] =	ssyncset.done $0x0  }
0x169: {  	[sflag:s17] =	ssyncadd.s32 $0xFFFFC000  }
0x16a: {  	_ =	swait.ge [sflag:s17], $0x2000  }
0x16b: {  	[sflag:s17] =	ssyncset.done $0x0  }
0x16c: {  	s25 =	simm.s32 $0x6300;
	[sflag:s17] =	ssyncadd.s32 $0xFFFFE000  }
0x16d: {  	[tilespmem:s28], [sflag:$0x1] =	stream.indirect.gather [spmem:s1], $0x40, s25, s26, $0xb8;
	[tilespmem:$0x1FF70] =	vst v63  }
0x16e: {  	s8 =	simm.s32 $0xC700  }
0x16f: {  	[tilespmem:s29], [sflag:$0x1] =	stream.indirect.gather [spmem:s2], $0x20, s8, s26, $0xb8;
	[tilespmem:$0x1FF70] =	vst v63  }
0x170: {  	s22 =	simm.s32 $0x6380  }
0x171: {  	[tilespmem:s30], [sflag:$0x1] =	stream.indirect.gather [spmem:s1], $0x40, s22, s26, $0xb8;
	[tilespmem:$0x1FF70] =	vst v63  }
0x172: {  	s23 =	simm.s32 $0xC780  }
0x173: {  	[tilespmem:s0], [sflag:$0x1] =	stream.indirect.gather [spmem:s2], $0x20, s23, s26, $0xb8;
	[tilespmem:$0x1FF70] =	vst v63  }
0x174: {  	_ =	swait.ge [sflag:s18], $0x2000  }
0x175: {  	[sflag:s18] =	ssyncset.done $0x0  }
0x176: {  	[sflag:s18] =	ssyncadd.s32 $0xFFFFE000  }
0x177: {  	_ =	swait.ge [sflag:s18], $0x1000  }
0x178: {  	[sflag:s18] =	ssyncset.done $0x0  }
0x179: {  	[sflag:s18] =	ssyncadd.s32 $0xFFFFF000  }
0x17a: {  	_ =	swait.ge [sflag:s18], $0x2000  }
0x17b: {  	[sflag:s18] =	ssyncset.done $0x0  }
0x17c: {  	[sflag:s18] =	ssyncadd.s32 $0xFFFFE000  }
0x17d: {  	_ =	swait.ge [sflag:s18], $0x1000  }
0x17e: {  	[sflag:s18] =	ssyncset.done $0x0  }
0x17f: {  	s25 =	rddreg [dreg:$0x15];
	[sflag:s18] =	ssyncadd.s32 $0xFFFFF000  }
0x180: {  	[hbm4b:s25+s10] =	stream.strided.scatter [tilespmem:s12], [sflag:$0x6], $0x4000, s26, s10, $0x38;
	[tilespmem:$0x1FF70] =	vst v63  }
0x181: {  	s8 =	rddreg [dreg:$0x16]  }
0x182: {  	[hbm4b:s8+s11] =	stream.strided.scatter [tilespmem:s13], [sflag:$0x6], $0x2000, s26, s11, $0x38;
	[tilespmem:$0x1FF70] =	vst v63  }
0x183: {  	_ =	swait.ge [sflag:s9], $0x2000  }
0x184: {  	[sflag:s9] =	ssyncset.done $0x0  }
0x185: {  	[sflag:s9] =	ssyncadd.s32 $0xFFFFE000  }
0x186: {  	_ =	swait.ge [sflag:s9], $0x1000  }
0x187: {  	[sflag:s9] =	ssyncset.done $0x0  }
0x188: {  	[sflag:s9] =	ssyncadd.s32 $0xFFFFF000  }
0x189: {  	_ =	swait.ge [sflag:s9], $0x2000  }
0x18a: {  	[sflag:s9] =	ssyncset.done $0x0  }
0x18b: {  	[sflag:s9] =	ssyncadd.s32 $0xFFFFE000  }
0x18c: {  	_ =	swait.ge [sflag:s9], $0x1000  }
0x18d: {  	[sflag:s9] =	ssyncset.done $0x0  }
0x18e: {  	s22 =	rddreg [dreg:$0x17];
	[sflag:s9] =	ssyncadd.s32 $0xFFFFF000  }
0x18f: {  	[hbm4b:s22+s10] =	stream.strided.scatter [tilespmem:s28], [sflag:$0x4], $0x4000, s26, s10, $0x38;
	[tilespmem:$0x1FF70] =	vst v63  }
0x190: {  	s23 =	rddreg [dreg:$0x18]  }
0x191: {  	[hbm4b:s23+s11] =	stream.strided.scatter [tilespmem:s29], [sflag:$0x4], $0x2000, s26, s11, $0x38;
	[tilespmem:$0x1FF70] =	vst v63  }
0x192: {  	_ =	swait.ge [sflag:s19], $0x4000  }
0x193: {  	[sflag:s19] =	ssyncset.done $0x0  }
0x194: {  	[sflag:s19] =	ssyncadd.s32 $0xFFFFC000  }
0x195: {  	_ =	swait.ge [sflag:s19], $0x2000  }
0x196: {  	[sflag:s19] =	ssyncset.done $0x0  }
0x197: {  	[sflag:s19] =	ssyncadd.s32 $0xFFFFE000  }
0x198: {  	_ =	swait.ge [sflag:s20], $0x4000  }
0x199: {  	[sflag:s20] =	ssyncset.done $0x0  }
0x19a: {  	[sflag:s20] =	ssyncadd.s32 $0xFFFFC000  }
0x19b: {  	_ =	swait.ge [sflag:s20], $0x2000  }
0x19c: {  	[sflag:s20] =	ssyncset.done $0x0  }
0x19d: {  	[sflag:s20] =	ssyncadd.s32 $0xFFFFE000  }
0x19e: {  	_ =	swait.ge [sflag:s17], $0x4000  }
0x19f: {  	[sflag:s17] =	ssyncset.done $0x0  }
0x1a0: {  	[sflag:s17] =	ssyncadd.s32 $0xFFFFC000  }
0x1a1: {  	_ =	swait.ge [sflag:s17], $0x2000  }
0x1a2: {  	s21 =	sadd.s32 $0x1, s21;
	s25 =	rddreg [dreg:$0x19]  }
0x1a3: {  	p1 =	sne.s32 s21, s25  }
.Ltmp1:
0x1a4: {  	_ = 	snop;
	(pc) =	sbr.rel @p1 .LBB2_1-.Ltmp1, $3  }
0x1a5: {  	_ =	sdelay $0x1  }
0x1a6: {  	[sflag:s17] =	ssyncset.done $0x0  }
0x1a7: {  	[sflag:s17] =	ssyncadd.s32 $0xFFFFE000  }
0x1a8: {  	_ =	sfence.sel $0x180000  }
0x1a9: {  	[bflag:$0x0] =	sbarrier.arrive $0xFFFF  }
0x1aa: {  	_ =	strace $0x90000047  }
0x1ab: {  	[bflag:$0x2] =	sbarrier.arrive $0xFFFF  }
0x1ac: {  	s0 =	rddreg [dreg:$0x4]  }
0x1ad: {  	s0 =	sadd.s32 @!p0 $0x100000, s0  }
0x1ae: {  	[sflag:s0] =	ssyncadd.tile.s32 @!p0 $0x1;
	_ =	shalt  }
.Lfunc_end2:
_tile_overlayer_lowered:
.L_overlay_start_2:
0x1af: {  	(tag) =	ssettag $0x2  }
0x1b0: {  	s0 =	rddreg [dreg:$0x0];
	s2 =	stileid.u32  }
0x1b1: {  	s1 =	rddreg [dreg:$0x1];
	p0 =	sne.s32 s2, $0x0  }
0x1b2: {  	s3 =	rddreg [dreg:$0x2];
	[bflag:$0x3] =	sbarrier.arrive $0xFFFF;
	s2 =	simm.s32 @!p0 $0x1C07  }
0x1b3: {  	[timem:s3], [sflag:s2] =	dma.local @!p0 [hbm:s0], s1  }
0x1b4: {  	s0 =	simm.s32 @!p0 $0x7  }
0x1b5: {  	_ =	swait.ge @!p0 [sflag:s0], s1  }
0x1b6: {  	s1 =	ssub.s32 @!p0 $0x0, s1;
	[sflag:s0] =	ssyncset.done @!p0 $0x0  }
0x1b7: {  	[sflag:s0] =	ssyncadd.s32 @!p0 s1  }
0x1b8: {  	[bflag:$0x3] =	sbarrier.arrive $0xFFFF  }
0x1b9: {  	_ =	shalt  }

// kernel: sparse-core-data-format-call.cloned.1.call-start
scs
called_computation_lowered:
.L_overlay_start_0:
0x0: {  	s2 =	sld [smem:$0x3FD9]  }
0x1: {  	s3 =	sld [smem:$0x3FFE];
	_ =	sdelay $0x1  }
0x2: {  	s1 =	srdreg.scid  }
0x3: {  	s0 =	sand.u32 $0x1, s1  }
0x4: {  	s18 =	sshll.u32 s0, $0xA;
	s2 =	sadd.s32 s3, s2  }
0x5: {  	s2 =	sadd.s32 s2, s18  }
0x6: {  	[smem:$0x3FC4] =	sst s2  }
0x7: {  	_ = 	snop  }
0x8: {  	s2 =	sld [smem:$0x3FD0];
	(tm) =	ssettm $0x1  }
0x9: {  	s19 =	sld [smem:$0x3FFB];
	_ =	sdelay $0x3  }
0xa: {  	_ =	strace s19  }
0xb: {  	s3 =	sld [smem:$0x3FFC];
	_ =	sdelay $0x3  }
0xc: {  	_ =	strace s3  }
0xd: {  	s3 =	sld [smem:$0x3FFD];
	_ =	sdelay $0x3  }
0xe: {  	_ =	strace s3  }
0xf: {  	_ =	strace $0x8FFFFFFF  }
0x10: {  	s20 =	sld [smem:$0x3FDB];
	_ =	sdelay $0x1  }
0x11: {  	s4 =	simm.s32 $_scs_section_size  }
0x12: {  	s5 =	simm.s32 $_size__tile_overlayer_lowered;
	s6 =	simm.s32 $_tile_overlayer_lowered  }
0x13: {  	s23 =	simm.s32 $0x1BFF;
	s22 =	sshll.u32 s6, $0x1;
	s3 =	sadd.s32 s4, s20  }
0x14: {  	s7 =	simm.s32 $0x0;
	s21 =	sshll.u32 s5, $0x1;
	s5 =	sadd.s32 s22, s3  }
0x15: {  	[timem:s7], [sflag:s23] =	dma.local [hbm:s5], s21  }
0x16: {  	_ =	swait.ge [sflag:s23], s21  }
0x17: {  	s4 =	ssub.s32 $0x0, s21;
	[sflag:s23] =	ssyncset.done $0x0  }
0x18: {  	[sflag:s23] =	ssyncadd.s32 s4;
	_ =	sdelay $0x1  }
0x19: {  	s24 =	simm.s32 $0x1B8B  }
0x1a: {  	_ =	swait.ge [sflag:s24], $0x1  }
0x1b: {  	[sflag:s24] =	ssyncset.done $0x0  }
0x1c: {  	s26 =	simm.s32 $0x1B8E;
	s25 =	sld [smem:$0x3FFE];
	[sflag:s24] =	ssyncadd.s32 $0xFFFFFFFF  }
0x1d: {  	s27 =	simm.s32 $execute0_lowered;
	[smem:$0x3FD2] =	sst s26  }
0x1e: {  	s5 =	sshll.u32 s27, $0x1;
	_ =	strace $0x80000049;
	[dreg:$0x1] =	wrdreg $0xFFFFFFFF  }
0x1f: {  	s28 =	simm.s32 $_size_execute0_lowered;
	s3 =	sadd.s32 s3, s5;
	[dreg:$0x0] =	wrdreg $0x0  }
0x20: {  	s5 =	sshll.u32 s28, $0x1;
	[dreg:$0x2] =	wrdreg s3  }
0x21: {  	[dreg:$0x3] =	wrdreg s5  }
0x22: {  	[dreg:$0x4] =	wrdreg $0xC0  }
0x23: {  	_ =	task [dreg:s7], $0x5FFFF  }
0x24: {  	[dreg:$0x1] =	wrdreg $0xFFFFFFFF  }
0x25: {  	[dreg:$0x0] =	wrdreg $0x60  }
0x26: {  	[dreg:$0x2] =	wrdreg s25  }
0x27: {  	[dreg:$0x3] =	wrdreg s2  }
0x28: {  	[dreg:$0x4] =	wrdreg $0x9  }
0x29: {  	_ =	task.clear_ibuf [dreg:s7], $0x5FFFF;
	_ =	strace $0x90000049  }
0x2a: {  	s29 =	simm.s32 $0x9;
	_ =	strace $0x8000004B  }
0x2b: {  	_ =	swait.ge [sflag:s29], $0x1  }
0x2c: {  	[sflag:s29] =	ssyncadd.s32 $0xFFFFFFFF  }
0x2d: {  	_ =	strace $0x9000004B  }
0x2e: {  	_ =	sfence  }
0x2f: {  	s30 =	sld [smem:$0x0];
	_ =	sdelay $0x2  }
0x30: {  	s31 =	sshll.u32 s1, $0xD;
	s1 =	sshrl.u32 s1, $0x2  }
0x31: {  	s3 =	sand.u32 $0x4000, s31;
	s1 =	sadd.s32 s1, s30  }
0x32: {  	s0 =	sor.u32 s3, s0;
	s1 =	sshll.u32 s1, $0x11  }
0x33: {  	s0 =	sor.u32 s1, s0  }
0x34: {  	s0 =	sadd.s32 $0x8F2B, s0  }
0x35: {  	[sflag:s0] =	ssyncadd.remote.s32 $0x1  }
0x36: {  	_ =	sfence.sel $0xFFFF  }
0x37: {  	[dreg:$0x0] =	wrdreg $0xFFFFFFFF;
	(pc) =	sbr.abs _section_cstart, $3  }
0x38: {  	[dreg:$0x1] =	wrdreg $0xFFFFFFFF  }
0x39: {  	_ =	task.clear_ibuf [dreg:s7], $0x2FFFF;
	_ =	strace $0x9FFFFFFF  }
0x3a: {  	(tm) =	ssettm $0x7FFFFFFF  }
0x3b: {  	_ =	shalt  }
tec
execute0_lowered:
.L_overlay_start_1:
0x0: {  	(tag) =	ssettag $0x1  }
0x1: {  	s0 =	srdreg.scid  }
0x2: {  	s1 =	sshll.u32 s0, $0x4  }
0x3: {  	s6 =	rddreg [dreg:$0x0];
	s0 =	stileid.u32;
	s1 =	sand.u32 $0x10, s1  }
0x4: {  	s3 =	rddreg [dreg:$0x1];
	s1 =	sor.u32 s0, s1  }
0x5: {  	s5 =	simm.s32 $0x1;
	s31 =	simm.s32 $0x2;
	s2 =	sshll.u32 s1, $0x7  }
0x6: {  	s15 =	simm.s32 $0x0;
	s8 =	simm.s32 $0x8000;
	s4 =	ssub.s32 $0x1000, s2  }
0x7: {  	s14 =	simm.s32 $0x0;
	s9 =	simm.s32 $0x0;
	s30 =	sand.u32 $0xF80, s4  }
0x8: {  	s10 =	simm.s32 $0x0;
	s11 =	simm.s32 $0x0;
	p0 =	sne.s32 s30, $0x0  }
.Ltmp0:
0x9: {  	s7 =	sshrl.u32 s4, $0xC;
	s5 =	simm.s32 @!p0 $0x0;
	(pc) =	sbr.rel .LBB1_1-.Ltmp0, $4  }
0xa: {  	s13 =	simm.s32 $0x0;
	s1 =	rddreg [dreg:$0x2];
	s5 =	sadd.s32 s5, s7  }
0xb: {  	_ =	strace $0x8000004A;
	s4 =	simm.s32 $0x1;
	s5 =	smul.u32 $0xC8, s5  }
0xc: {  	s6 =	sadd.s32 $0x1CA00, s6;
	s12 =	smov.u32 s2;
	[sflag:s4] =	ssyncpa.u1 $0x0  }
0xd: {  	[sflag:s31] =	ssyncpa.u1 $0x0;
	p0 =	por $0x0, $0x0;
	s7 =	sor.u32 $0x1, s5  }
.LBB1_4:
0xe: {  	s20 =	sshra.s32 s20, $0x2;
	s28 =	sshll.u32 s10, $0x3;
	p1 =	sgt.s32 s9, $0xC7  }
0xf: {  	s21 =	smov.u32 s9;
	s23 =	sshra.s32 s9, $0x1F;
	s24 =	smov.u32 s10  }
0x10: {  	v5 =	vld [tilespmem:s17+$0xFFFFFFD0];
	[tilespmem:s18+$0x2040 ss:$0x81] =	vst.msk $0xffff, v4;
	s25 =	sshra.s32 s10, $0x1F;
	s26 =	sand.u32 $0x78, s10;
	s19 =	sadd.s32 s20, s19  }
0x11: {  	v58 =	vld [tilespmem:s17+$0xFFFFFFE0];
	[tilespmem:s18+$0x2850 ss:$0x81] =	vst.msk $0xffff, v3;
	s22 =	sshrl.u32 s28, $0xC;
	s21 =	simm.s32 @!p1 $0xC7;
	s23 =	sand.u32 s23, s9  }
0x12: {  	v59 =	vld [tilespmem:s17+$0xFFFFFFF0];
	[tilespmem:s18+$0x3060 ss:$0x81] =	vst.msk $0xffff, v2;
	p1 =	sgt.s32 s10, $0xF80;
	s29 =	sand.u32 s25, s10;
	s20 =	sand.u32 $0xC00, s28  }
0x13: {  	v60 =	vld [tilespmem:s17+$0x0];
	[tilespmem:s18+$0x0 ss:$0x81] =	vst.msk $0xffff, v0;
	s28 =	smul.u32 $0xC000, s9;
	s21 =	ssub.s32 s21, s23;
	s24 =	simm.s32 @!p1 $0xF80  }
0x14: {  	v61 =	vld [tilespmem:s17+$0x10];
	s30 =	smulhi.u32 $0x2AAAAAB, s22;
	[tilespmem:s19+$0x3870 ss:$0x81] =	vst.msk $0xffff, v1;
	s20 =	sor.u32 s26, s20;
	s31 =	ssub.s32 $0xC8, s21  }
0x15: {  	v62 =	vld [tilespmem:s17+$0x20];
	s23 =	ssub.s32 s24, s29;
	s21 =	sadd.s32 $0xFFFFFF39, s21;
	s25 =	smul.u32 $0x60, s31;
	[tilespmem:s19+$0x810 ss:$0x81] =	vst.msk $0xffff, v5  }
0x16: {  	v63 =	vld [tilespmem:s17+$0xFFFFFFC0];
	s18 =	smul.u32 $0x60, s30;
	p1 =	sgt.s32 s21, $0x0;
	s27 =	sadd.s32 $0xFFFFF080, s23;
	[tilespmem:s19+$0x1020 ss:$0x81] =	vst.msk $0xffff, v58  }
0x17: {  	s17 =	ssub.s32 $0x1000, s23;
	[tilespmem:s19+$0x1830 ss:$0x81] =	vst.msk $0xffff, v59;
	s25 =	simm.s32 @p1 $0x0;
	p1 =	sgt.s32 s27, $0x7F  }
0x18: {  	s29 =	sand.u32 $0x7, s10;
	[tilespmem:s19+$0x2040 ss:$0x81] =	vst.msk $0xffff, v60;
	s18 =	ssub.s32 s22, s18;
	s17 =	simm.s32 @p1 $0x0  }
0x19: {  	s21 =	sadd.s32 s3, s28;
	[tilespmem:s19+$0x2850 ss:$0x81] =	vst.msk $0xffff, v61;
	s18 =	sshll.u32 s18, $0x9;
	s17 =	smul.u32 s17, s25  }
0x1a: {  	s20 =	sshrl.u32 s20, $0x3;
	s30 =	sshll.u32 s29, $0x12;
	[tilespmem:s19+$0x3060 ss:$0x81] =	vst.msk $0xffff, v62;
	s18 =	sadd.s32 s18, s21  }
0x1b: {  	[tilespmem:s19+$0x0 ss:$0x81] =	vst.msk $0xffff, v63;
	s31 =	sor.u32 $0x400, s30;
	s18 =	sadd.s32 s20, s18;
	s17 =	sand.u32 $0x3FFFFFE0, s17  }
0x1c: {  	[hbm4b:s18+s31] =	stream.strided.scatter [tilespmem:s16], [sflag:$0x2], s17, s8, s31, $0x20;
	[tilespmem:$0x10100] =	vst v63  }
.LBB1_5:
0x1d: {  	p1 =	slt.u32 s13, $0x2  }
0x1e: {  	s17 =	smov.u32 s15;
	p2 =	sgt.s32 @!p1 s15, $0xC7;
	s16 =	sshra.s32 @!p1 s15, $0x1F  }
0x1f: {  	p3 =	sgt.s32 @!p1 s14, $0xF80;
	s18 =	sshra.s32 @!p1 s14, $0x1F;
	p2 =	por !p2, p1  }
0x20: {  	s15 =	sand.u32 @!p1 s16, s15;
	p3 =	por !p3, p1;
	s16 =	smov.u32 s14  }
0x21: {  	s14 =	sand.u32 @!p1 s18, s14;
	s17 =	simm.s32 @p2 $0xC7;
	s16 =	simm.s32 @p3 $0xF80  }
0x22: {  	s18 =	smov.u32 s12;
	s15 =	ssub.s32 @!p1 s17, s15;
	s14 =	ssub.s32 @!p1 s16, s14  }
0x23: {  	s16 =	sadd.s32 @!p1 $0xFFFFFF39, s15;
	s15 =	ssub.s32 @!p1 $0xC8, s15;
	s17 =	sadd.s32 @!p1 $0xFFFFF080, s14  }
0x24: {  	p2 =	sgt.s32 @!p1 s16, $0x0;
	s15 =	smul.u32 @!p1 $0x60, s15;
	p3 =	sgt.s32 @!p1 s17, $0x7F  }
0x25: {  	s14 =	ssub.s32 @!p1 $0x1000, s14;
	p2 =	por !p2, p1;
	p3 =	por !p3, p1  }
0x26: {  	s16 =	sadd.s32 $0x1, s11;
	s15 =	simm.s32 @!p2 $0x0;
	s14 =	simm.s32 @!p3 $0x0  }
0x27: {  	p2 =	sgt.s32 s16, $0xC7;
	s14 =	smul.u32 @!p1 s14, s15;
	s15 =	sadd.s32 $0x1000, s12  }
0x28: {  	s18 =	smov.u32 @p2 s15  }
0x29: {  	s16 =	simm.s32 @p2 $0x0;
	p2 =	sgt.s32 s18, $0xFFF  }
0x2a: {  	s18 =	smov.u32 @p2 s2;
	p2 =	sne.s32 s13, s7  }
.Ltmp1:
0x2b: {  	p0 =	por !p0, !p0;
	s17 =	simm.s32 @!p1 $0x2;
	(pc) =	sbr.rel @!p2 .LBB1_6-.Ltmp1, $4  }
0x2c: {  	s15 =	smov.u32 s9;
	s9 =	smov.u32 s11;
	s14 =	sand.u32 @!p1 $0x3FFFFFE0, s14  }
0x2d: {  	s11 =	smov.u32 s16;
	_ =	swait.ge @!p1 [sflag:s17], s14;
	s19 =	ssub.s32 @!p1 $0x0, s14  }
0x2e: {  	s14 =	smov.u32 s10;
	s13 =	sadd.s32 $0x1, s13;
	[sflag:s17] =	ssyncset.done @!p1 $0x0  }
0x2f: {  	s10 =	smov.u32 s12;
	s12 =	smov.u32 s18;
	[sflag:s17] =	ssyncadd.s32 @!p1 s19  }
.LBB1_1:
0x30: {  	p1 =	sge.u32 s13, s5  }
0x31: {  	s16 =	sand.u32 @!p1 $0x1FFFFFF, s11  }
0x32: {  	s17 =	smulhi.u32 @!p1 $0x147AE15, s16;
	_ =	sdelay $0x1  }
0x33: {  	s17 =	smul.u32 @!p1 $0xC8, s17  }
0x34: {  	s18 =	sxor.u32 @!p1 $0xFFFFFFFF, s13;
	s19 =	smul.u32 @!p1 $0xC80, s12  }
0x35: {  	s31 =	sadd.s32 $0xFFFFFFFF, s13;
	s18 =	sshll.u32 @!p1 s18, $0xE;
	s16 =	ssub.s32 @!p1 s16, s17  }
0x36: {  	s17 =	sand.u32 @!p1 $0x4000, s18;
	s18 =	sadd.s32 @!p1 s6, s19;
	s16 =	sshll.u32 @!p1 s16, $0x4  }
0x37: {  	s19 =	simm.s32 @!p1 $0x6400;
	s16 =	sadd.s32 @!p1 s16, s18;
	s18 =	simm.s32 @!p1 $0x80  }
0x38: {  	[tilespmem:s17], [sflag:$0x1] =	stream.strided.gather @!p1 [hbm4b:s16+s18], $0x4000, s19, s18, $0x38;
	[tilespmem:$0x10100] =	vst v63  }
0x39: {  	p1 =	sge.u32 s31, s5  }
.Ltmp2:
0x3a: {  	_ = 	snop;
	(pc) =	sbr.rel @p1 .LBB1_5-.Ltmp2, $1  }
0x3b: {  	_ =	sdelay $0x3  }
0x3c: {  	s16 =	simm.s32 $0x1  }
0x3d: {  	_ =	swait.ge [sflag:s4], $0x4000;
	s16 =	simm.s32 @!p0 $0x0  }
0x3e: {  	[sflag:s4] =	ssyncset.done $0x0;
	s17 =	sshll.u32 s16, $0xE  }
0x3f: {  	[sflag:s4] =	ssyncadd.s32 $0xFFFFC000;
	s17 =	sor.u32 $0x40, s17  }
0x40: {  	s16 =	smul.u32 $0x10200, s16;
	v0 =	vld [tilespmem:s17+$0x30]  }
0x41: {  	v1 =	vld [tilespmem:s17+$0xFFFFFFD0]  }
0x42: {  	s16 =	sshrl.u32 s16, $0x2;
	v5 =	vld [tilespmem:s17+$0xFFFFFFE0]  }
0x43: {  	v6 =	vld [tilespmem:s17+$0xFFFFFFF0];
	s19 =	sor.u32 $0x8000, s16  }
0x44: {  	s31 =	sand.u32 $0x1, s13;
	v4 =	vld [tilespmem:s17+$0x0];
	s18 =	sadd.s32 $0x0, s19  }
0x45: {  	v3 =	vld [tilespmem:s17+$0x10];
	s16 =	smul.u32 $0x10200, s31;
	[tilespmem:s18+$0x3870 ss:$0x81] =	vst.msk $0xffff, v0  }
0x46: {  	v2 =	vld [tilespmem:s17+$0x20];
	[tilespmem:s18+$0x810 ss:$0x81] =	vst.msk $0xffff, v1  }
0x47: {  	s16 =	sshrl.u32 s16, $0x2;
	v0 =	vld [tilespmem:s17+$0xFFFFFFC0];
	[tilespmem:s18+$0x1020 ss:$0x81] =	vst.msk $0xffff, v5;
	s17 =	sadd.s32 $0x80, s17  }
0x48: {  	s20 =	simm.s32 $0x4;
	s21 =	simm.s32 $0x8;
	s16 =	sor.u32 $0x8000, s16;
	[tilespmem:s18+$0x1830 ss:$0x81] =	vst.msk $0xffff, v6;
	v1 =	vld [tilespmem:s17+$0x30]  }
.LBB1_3:
0x49: {  	p1 =	sne.s32 s21, $0x1FC;
	v5 =	vld [tilespmem:s17+$0xFFFFFFD0];
	[tilespmem:s18+$0x2040 ss:$0x81] =	vst.msk $0xffff, v4  }
0x4a: {  	v6 =	vld [tilespmem:s17+$0xFFFFFFE0];
	[tilespmem:s18+$0x2850 ss:$0x81] =	vst.msk $0xffff, v3  }
0x4b: {  	s22 =	sshra.s32 s20, $0x2;
	s20 =	smov.u32 s21;
	v7 =	vld [tilespmem:s17+$0xFFFFFFF0];
	[tilespmem:s18+$0x3060 ss:$0x81] =	vst.msk $0xffff, v2  }
.Ltmp3:
0x4c: {  	v4 =	vld [tilespmem:s17+$0x0];
	[tilespmem:s18+$0x0 ss:$0x81] =	vst.msk $0xffff, v0;
	s18 =	sadd.s32 s22, s19;
	(pc) =	sbr.rel @p1 .LBB1_3-.Ltmp3, $4  }
0x4d: {  	v3 =	vld [tilespmem:s17+$0x10];
	[tilespmem:s18+$0x3870 ss:$0x81] =	vst.msk $0xffff, v1  }
0x4e: {  	[tilespmem:s18+$0x810 ss:$0x81] =	vst.msk $0xffff, v5;
	v2 =	vld [tilespmem:s17+$0x20]  }
0x4f: {  	v0 =	vld [tilespmem:s17+$0xFFFFFFC0];
	[tilespmem:s18+$0x1020 ss:$0x81] =	vst.msk $0xffff, v6;
	s17 =	sadd.s32 $0x80, s17  }
0x50: {  	s21 =	sadd.s32 $0x4, s21;
	v1 =	vld [tilespmem:s17+$0x30];
	[tilespmem:s18+$0x1830 ss:$0x81] =	vst.msk $0xffff, v7  }
.Ltmp4:
0x51: {  	_ = 	snop;
	(pc) =	sbr.rel .LBB1_4-.Ltmp4, $1  }
0x52: {  	_ =	sdelay $0x3  }
.LBB1_6:
0x53: {  	_ =	sfence.sel $0x180000  }
0x54: {  	s2 =	simm.s32 $0x1;
	[bflag:$0x0] =	sbarrier.arrive $0xFFFF  }
0x55: {  	s31 =	simm.s32 $0x2;
	[sflag:s2] =	ssyncpa.u1 $0x1  }
0x56: {  	[sflag:s31] =	ssyncpa.u1 $0x1  }
0x57: {  	p0 =	sne.s32 s0, $0x0;
	_ =	strace $0x9000004A  }
0x58: {  	s0 =	sadd.s32 @!p0 $0x100000, s1;
	[bflag:$0x2] =	sbarrier.arrive $0xFFFF  }
0x59: {  	[sflag:s0] =	ssyncadd.tile.s32 @!p0 $0x1;
	_ =	shalt  }
.Lfunc_end1:
_tile_overlayer_lowered:
.L_overlay_start_2:
0x5a: {  	(tag) =	ssettag $0x2  }
0x5b: {  	s0 =	rddreg [dreg:$0x0];
	s2 =	stileid.u32  }
0x5c: {  	s1 =	rddreg [dreg:$0x1];
	p0 =	sne.s32 s2, $0x0  }
0x5d: {  	s3 =	rddreg [dreg:$0x2];
	[bflag:$0x3] =	sbarrier.arrive $0xFFFF;
	s2 =	simm.s32 @!p0 $0x1C01  }
0x5e: {  	[timem:s3], [sflag:s2] =	dma.local @!p0 [hbm:s0], s1  }
0x5f: {  	s0 =	simm.s32 @!p0 $0x1  }
0x60: {  	_ =	swait.ge @!p0 [sflag:s0], s1  }
0x61: {  	s1 =	ssub.s32 @!p0 $0x0, s1;
	[sflag:s0] =	ssyncset.done @!p0 $0x0  }
0x62: {  	[sflag:s0] =	ssyncadd.s32 @!p0 s1  }
0x63: {  	[bflag:$0x3] =	sbarrier.arrive $0xFFFF  }
0x64: {  	_ =	shalt  }

</sc_bundles>
